<compile_context>
chip_gen: v7x
topology: tpu7x:2x2x1
jax: 0.10.2.dev20260603
libtpu: 0.0.44.dev20260713+nightly
codegen_flags: <defaults>
</compile_context>

<pallas_src>
import jax
import jax.numpy as jnp
from jax import lax
from jax.experimental import pallas as pl
from jax.experimental.pallas import tpu as pltpu
from jax.experimental.pallas import tpu_sc as plsc

_N = 500000
_P = 256
_BP = 4096
_CSC = 1408
_SPLIT = _CSC * _P
_TCOFF = _SPLIT // _BP
_TCN = _N - _SPLIT


def _acos_poly(x):
    p = jnp.float32(-0.0012624911)
    for c in (0.0066700901, -0.0170881256, 0.0308918810, -0.0501743046,
              0.0889789874, -0.2145988016, 1.5707963050):
        p = p * x + jnp.float32(c)
    return p


def _sin_poly(y):
    y2 = y * y
    p = jnp.float32(1.0 / 362880.0)
    for c in (-1.0 / 5040.0, 1.0 / 120.0, -1.0 / 6.0, 1.0):
        p = p * y2 + jnp.float32(c)
    return y * p


def _rsqrt16(x):
    i = plsc.bitcast(x, jnp.int32)
    i = jnp.int32(0x5F3759DF) - lax.shift_right_logical(i, 1)
    y = plsc.bitcast(i, jnp.float32)
    y = y * (1.5 - 0.5 * x * y * y)
    y = y * (1.5 - 0.5 * x * y * y)
    return y


def _sqrt16(x):
    return x * _rsqrt16(x)


def _sc_body(xyz_hbm, rot_hbm, t_hbm, dt_hbm, out_hbm,
             xyz_a, rot_a, t_a, dt_a, out_a,
             xyz_b, rot_b, t_b, dt_b, out_b,
             sem_a, sem_b, sem_o):
    cid = lax.axis_index("c")
    sid = lax.axis_index("s")
    wid = sid * 2 + cid
    lane = lax.iota(jnp.int32, 16)

    def issue(i, bufs, sem):
        xv, rv, tv, dv = bufs[:4]
        base = pl.multiple_of(i * _P, _P)
        pltpu.async_copy(xyz_hbm.at[:, :, pl.ds(base, _P)], xv, sem)
        pltpu.async_copy(rot_hbm.at[:, :, pl.ds(base, _P)], rv, sem)
        pltpu.async_copy(t_hbm.at[pl.ds(base, _P)], tv, sem)
        pltpu.async_copy(dt_hbm.at[pl.ds(base, _P)], dv, sem)

    def wait_in(bufs, sem):
        xv, rv, tv, dv = bufs[:4]
        pltpu.make_async_copy(xyz_hbm.at[:, :, pl.ds(0, _P)], xv, sem).wait()
        pltpu.make_async_copy(rot_hbm.at[:, :, pl.ds(0, _P)], rv, sem).wait()
        pltpu.make_async_copy(t_hbm.at[pl.ds(0, _P)], tv, sem).wait()
        pltpu.make_async_copy(dt_hbm.at[pl.ds(0, _P)], dv, sem).wait()

    def process(i, bufs):
        xyz_v, rot_v, t_v, dt_v, out_v = bufs
        base = pl.multiple_of(i * _P, _P)

        def group(g, carry):
            g16 = g * 16
            pl16 = g16 + lane
            t16 = t_v[pl.ds(g16, 16)]
            dt16 = dt_v[pl.ds(g16, 16)]
            t16b = t16 + 1
            om = 1.0 - dt16
            for c in range(3):
                cc = jnp.full((16,), c, jnp.int32)
                a = plsc.load_gather(xyz_v, [cc, t16, pl16])
                b = plsc.load_gather(xyz_v, [cc, t16b, pl16])
                out_v[c, pl.ds(g16, 16)] = om * a + dt16 * b
            q1 = [plsc.load_gather(
                rot_v, [t16, jnp.full((16,), c, jnp.int32), pl16])
                for c in range(4)]
            q2 = [plsc.load_gather(
                rot_v, [t16b, jnp.full((16,), c, jnp.int32), pl16])
                for c in range(4)]
            n1 = q1[0] * q1[0] + q1[1] * q1[1] + q1[2] * q1[2] + q1[3] * q1[3]
            n2 = q2[0] * q2[0] + q2[1] * q2[1] + q2[2] * q2[2] + q2[3] * q2[3]
            d = q1[0] * q2[0] + q1[1] * q2[1] + q1[2] * q2[2] + q1[3] * q2[3]
            s1 = _rsqrt16(n1)
            s2 = _rsqrt16(n2)
            dotn = d * s1 * s2
            sgn = jnp.where(dotn < 0.0, jnp.float32(-1.0), jnp.float32(1.0))
            dotc = jnp.clip(jnp.abs(dotn), 0.0, 1.0 - 1e-7)
            omega = _sqrt16(jnp.maximum(1.0 - dotc, 1e-8)) * _acos_poly(dotc)
            so = _sqrt16(jnp.maximum(1.0 - dotc * dotc, 1e-8))
            w1 = _sin_poly(om * omega) / so
            w2 = _sin_poly(dt16 * omega) / so
            lerp_m = dotc > 0.9995
            W1 = jnp.where(lerp_m, om, w1)
            W2 = jnp.where(lerp_m, dt16, w2)
            A = W1 * s1
            B = W2 * s2 * sgn
            nr = _rsqrt16(A * A * n1 + 2.0 * A * B * d + B * B * n2)
            A = A * nr
            B = B * nr
            for c in range(4):
                out_v[3 + c, pl.ds(g16, 16)] = A * q1[c] + B * q2[c]
            return carry

        lax.fori_loop(0, _P // 16, group, 0)
        pltpu.async_copy(out_v, out_hbm.at[:, pl.ds(base, _P)], sem_o).wait()

    bufs_a = (xyz_a, rot_a, t_a, dt_a, out_a)
    bufs_b = (xyz_b, rot_b, t_b, dt_b, out_b)

    issue(wid, bufs_a, sem_a)

    def dbl(m, carry):
        i0 = wid + 32 * (2 * m)
        issue(i0 + 32, bufs_b, sem_b)
        wait_in(bufs_a, sem_a)
        process(i0, bufs_a)
        issue(i0 + 64, bufs_a, sem_a)
        wait_in(bufs_b, sem_b)
        process(i0 + 32, bufs_b)
        return carry

    lax.fori_loop(0, 21, dbl, 0)
    wait_in(bufs_a, sem_a)
    process(wid + 32 * 42, bufs_a)
    issue(wid + 32 * 43, bufs_b, sem_b)
    wait_in(bufs_b, sem_b)
    process(wid + 32 * 43, bufs_b)


def _sc_interp(xyzT, rotT, t1d, dt1d):
    f32 = jnp.float32
    i32 = jnp.int32
    mesh = plsc.VectorSubcoreMesh(core_axis_name="c", subcore_axis_name="s")
    buf = [
        pltpu.VMEM((3, 32, _P), f32),
        pltpu.VMEM((32, 4, _P), f32),
        pltpu.VMEM((_P,), i32),
        pltpu.VMEM((_P,), f32),
        pltpu.VMEM((8, _P), f32),
    ]
    call = pl.kernel(
        _sc_body,
        mesh=mesh,
        compiler_params=pltpu.CompilerParams(needs_layout_passes=False),
        out_type=jax.ShapeDtypeStruct((8, _SPLIT), f32),
        scratch_types=buf + buf + [
            pltpu.SemaphoreType.DMA,
            pltpu.SemaphoreType.DMA,
            pltpu.SemaphoreType.DMA,
        ],
    )
    return call(xyzT, rotT, t1d, dt1d)


def _tc_body(dt_ref, t_ref, xyz_ref, rot_ref, out_ref):
    dt = dt_ref[...]
    t = t_ref[...]
    t3 = t[:, None, :]
    xyz = xyz_ref[...]
    kx = lax.broadcasted_iota(jnp.int32, (1, 32, 1), 1)
    m1 = kx == t3
    m2 = kx == (t3 + 1)
    y1 = jnp.sum(jnp.where(m1, xyz, 0.0), axis=1)
    y2 = jnp.sum(jnp.where(m2, xyz, 0.0), axis=1)
    y = (1.0 - dt) * y1 + dt * y2
    rot = rot_ref[...]
    kr = lax.broadcasted_iota(jnp.int32, (32, 1, 1), 0)
    r1 = kr == t3
    r2 = kr == (t3 + 1)
    q1 = jnp.sum(jnp.where(r1, rot, 0.0), axis=0)
    q2 = jnp.sum(jnp.where(r2, rot, 0.0), axis=0)
    n1 = jnp.sum(q1 * q1, axis=0, keepdims=True)
    n2 = jnp.sum(q2 * q2, axis=0, keepdims=True)
    d = jnp.sum(q1 * q2, axis=0, keepdims=True)
    s1 = lax.rsqrt(n1)
    s2 = lax.rsqrt(n2)
    dotn = d * s1 * s2
    sign = jnp.where(dotn < 0.0, -1.0, 1.0)
    dotc = jnp.clip(jnp.abs(dotn), 0.0, 1.0 - 1e-7)
    omega = jnp.sqrt(jnp.maximum(1.0 - dotc, 0.0)) * _acos_poly(dotc)
    so = jnp.sqrt(1.0 - dotc * dotc)
    safe_so = jnp.where(so < 1e-6, 1.0, so)
    w1 = jnp.sin((1.0 - dt) * omega) / safe_so
    w2 = jnp.sin(dt * omega) / safe_so
    use_lerp = dotc > 0.9995
    W1 = jnp.where(use_lerp, 1.0 - dt, w1)
    W2 = jnp.where(use_lerp, dt, w2)
    A = W1 * s1
    B = W2 * s2 * sign
    nrm = lax.rsqrt(A * A * n1 + 2.0 * A * B * d + B * B * n2)
    A = A * nrm
    B = B * nrm
    out_ref[...] = jnp.concatenate([y, A * q1 + B * q2], axis=0)


def _tc_sweep(dtT, tT, xyzT, rotT):
    grid = pl.cdiv(_TCN, _BP)
    return pl.pallas_call(
        _tc_body,
        grid=(grid,),
        in_specs=[
            pl.BlockSpec((1, _BP), lambda i: (0, i + _TCOFF)),
            pl.BlockSpec((1, _BP), lambda i: (0, i + _TCOFF)),
            pl.BlockSpec((3, 32, _BP), lambda i: (0, 0, i + _TCOFF)),
            pl.BlockSpec((32, 4, _BP), lambda i: (0, 0, i + _TCOFF)),
        ],
        out_specs=pl.BlockSpec((7, _BP), lambda i: (0, i)),
        out_shape=jax.ShapeDtypeStruct((7, _TCN), jnp.float32),
    )(dtT, tT, xyzT, rotT)


def kernel(xyz_motion, rotation_motion, t_idx, delta_t):
    N = xyz_motion.shape[0]
    xyzT = xyz_motion.transpose(2, 1, 0)
    rotT = rotation_motion.transpose(1, 2, 0)
    t1d = t_idx.reshape(N)
    dt1d = delta_t.reshape(N)
    sc_out = _sc_interp(xyzT, rotT, t1d, dt1d)
    tc_out = _tc_sweep(delta_t.reshape(1, N), t_idx.reshape(1, N), xyzT, rotT)
    out = jnp.concatenate([sc_out[:7], tc_out], axis=1)
    return out.transpose(1, 0)

# --- scband reference (transcript-rebuilt; emitter-appended) ---
"""Pipeline reference for scband-vgaussian-model-10952166605486 (READ-ONLY COPY).

The authoritative reference and input builder live on the scoring server;
editing this copy changes nothing except your own understanding.
"""

import jax, jax.numpy as jnp
import numpy as np


def _slerp(q1, q2, t):
    q1 = q1 / jnp.linalg.norm(q1, axis=-1, keepdims=True)
    q2 = q2 / jnp.linalg.norm(q2, axis=-1, keepdims=True)
    dot = jnp.sum(q1 * q2, axis=-1, keepdims=True)
    q2 = jnp.where(dot < 0.0, -q2, q2)
    dot = jnp.clip(jnp.abs(dot), 0.0, 1.0 - 1e-7)
    omega = jnp.arccos(dot)
    so = jnp.sin(omega)
    safe_so = jnp.where(so < 1e-6, 1.0, so)
    w1 = jnp.sin((1.0 - t) * omega) / safe_so
    w2 = jnp.sin(t * omega) / safe_so
    lerp = (1.0 - t) * q1 + t * q2
    out = jnp.where(dot > 0.9995, lerp, w1 * q1 + w2 * q2)
    return out / jnp.linalg.norm(out, axis=-1, keepdims=True)


def setup_inputs(seed: int = 0):
    key = jax.random.key(seed)
    k1, k2, k3, k4 = jax.random.split(key, 4)
    N, K = 500000, 32
    xyz_motion = jax.random.normal(k1, (N, K, 3), dtype=jnp.float32)
    rotation_motion = jax.random.normal(k2, (N, K, 4), dtype=jnp.float32) + 1e-3
    t_idx = jax.random.randint(k3, (N, 1, 1), 0, 31, dtype=jnp.int32)
    delta_t = jax.random.uniform(k4, (N, 1, 1), dtype=jnp.float32)
    return {"xyz_motion": xyz_motion, "rotation_motion": rotation_motion, "t_idx": t_idx, "delta_t": delta_t}


def reference(xyz_motion, rotation_motion, t_idx, delta_t):
    # linear_interp_uniiterval on gathered keyframes (interp_type='linear')
    N = t_idx.shape[0]
    idx3 = jnp.broadcast_to(t_idx, (N, 1, 3))
    idx4 = jnp.broadcast_to(t_idx, (N, 1, 4))
    y1 = jnp.take_along_axis(xyz_motion, idx3, axis=1)
    y2 = jnp.take_along_axis(xyz_motion, idx3 + 1, axis=1)
    xyz = ((1.0 - delta_t) * y1 + delta_t * y2).squeeze(1)
    # quat_slerp_interp_uniiterval on gathered keyframes (rot_interp_type='slerp')
    q1 = jnp.take_along_axis(rotation_motion, idx4, axis=1)
    q2 = jnp.take_along_axis(rotation_motion, idx4 + 1, axis=1)
    rot = _slerp(q1, q2, delta_t).squeeze(1)
    return jnp.concatenate([xyz, rot], axis=-1)

if __name__ == "__main__":
    import jax
    _d = setup_inputs()
    print(jax.jit(kernel)(*tuple(_d.values())))

</pallas_src>

<mosaic_0001>
#map = affine_map<(d0, d1) -> (0, 0, 0)>
#map1 = affine_map<(d0, d1) -> (0)>
#map2 = affine_map<(d0, d1) -> (0, 0)>
module attributes {stable_mosaic.version = 14 : i64} {
  func.func @_sc_body(%arg0: i32, %arg1: i32, %arg2: memref<3x32x500000xf32, #tpu.memory_space<hbm>>, %arg3: memref<32x4x500000xf32, #tpu.memory_space<hbm>>, %arg4: memref<500000xi32, #tpu.memory_space<hbm>>, %arg5: memref<500000xf32, #tpu.memory_space<hbm>>, %arg6: memref<8x360448xf32, #tpu.memory_space<hbm>>, %arg7: memref<3x32x256xf32, #tpu.memory_space<vmem>>, %arg8: memref<32x4x256xf32, #tpu.memory_space<vmem>>, %arg9: memref<256xi32, #tpu.memory_space<vmem>>, %arg10: memref<256xf32, #tpu.memory_space<vmem>>, %arg11: memref<8x256xf32, #tpu.memory_space<vmem>>, %arg12: memref<3x32x256xf32, #tpu.memory_space<vmem>>, %arg13: memref<32x4x256xf32, #tpu.memory_space<vmem>>, %arg14: memref<256xi32, #tpu.memory_space<vmem>>, %arg15: memref<256xf32, #tpu.memory_space<vmem>>, %arg16: memref<8x256xf32, #tpu.memory_space<vmem>>, %arg17: memref<!tpu.dma_semaphore, #tpu.memory_space<semaphore_mem>>, %arg18: memref<!tpu.dma_semaphore, #tpu.memory_space<semaphore_mem>>, %arg19: memref<!tpu.dma_semaphore, #tpu.memory_space<semaphore_mem>>) attributes {dimension_semantics = [#tpu.dimension_semantics<core_parallel>, #tpu.dimension_semantics<subcore_parallel>], iteration_bounds = array<i64: 2, 16>, scalar_prefetch = 0 : i64, scratch_operands = 13 : i64, tpu.core_type = #tpu.core_type<sc_vector_subcore>, window_params = [{transform_indices = #map}, {transform_indices = #map}, {transform_indices = #map1}, {transform_indices = #map1}, {transform_indices = #map2}]} {
    %mul3A = arith.constant 2 : i32
    %mul3A_0 = arith.muli %arg1, %mul3A : i32
    %add3A = arith.addi %mul3A_0, %arg0 : i32
    %iota3A = tpu.iota {dimensions = array<i32: 0>} : vector<16xi32>
    %mul3A_1 = arith.constant 256 : i32
    %mul3A_2 = arith.muli %add3A, %mul3A_1 : i32
    %multiple_of3A = tpu.assume_multiple %mul3A_2, 256 : i32
    %dma_start3A = arith.constant 0 : i32
    %dma_start3A_3 = arith.constant 0 : i32
    %dma_start3A_4 = tpu.memref_slice %arg2[%dma_start3A, %dma_start3A_3, %multiple_of3A] : memref<3x32x500000xf32, #tpu.memory_space<hbm>> -> memref<3x32x256xf32, #tpu.memory_space<hbm>>
    %dma_start3A_5 = arith.constant 0 : i32
    %dma_start3A_6 = arith.constant 0 : i32
    %dma_start3A_7 = tpu.memref_slice %arg2[%dma_start3A_5, %dma_start3A_6, %multiple_of3A] : memref<3x32x500000xf32, #tpu.memory_space<hbm>> -> memref<3x32x256xf32, #tpu.memory_space<hbm>>
    tpu.enqueue_dma source(%dma_start3A_7 : memref<3x32x256xf32, #tpu.memory_space<hbm>>) target(%arg7 : memref<3x32x256xf32, #tpu.memory_space<vmem>>) target_semaphore(%arg17 : memref<!tpu.dma_semaphore, #tpu.memory_space<semaphore_mem>>)
    %dma_start3A_8 = arith.constant 0 : i32
    %dma_start3A_9 = arith.constant 0 : i32
    %dma_start3A_10 = tpu.memref_slice %arg3[%dma_start3A_8, %dma_start3A_9, %multiple_of3A] : memref<32x4x500000xf32, #tpu.memory_space<hbm>> -> memref<32x4x256xf32, #tpu.memory_space<hbm>>
    %dma_start3A_11 = arith.constant 0 : i32
    %dma_start3A_12 = arith.constant 0 : i32
    %dma_start3A_13 = tpu.memref_slice %arg3[%dma_start3A_11, %dma_start3A_12, %multiple_of3A] : memref<32x4x500000xf32, #tpu.memory_space<hbm>> -> memref<32x4x256xf32, #tpu.memory_space<hbm>>
    tpu.enqueue_dma source(%dma_start3A_13 : memref<32x4x256xf32, #tpu.memory_space<hbm>>) target(%arg8 : memref<32x4x256xf32, #tpu.memory_space<vmem>>) target_semaphore(%arg17 : memref<!tpu.dma_semaphore, #tpu.memory_space<semaphore_mem>>)
    %dma_start3A_14 = tpu.memref_slice %arg4[%multiple_of3A] : memref<500000xi32, #tpu.memory_space<hbm>> -> memref<256xi32, #tpu.memory_space<hbm>>
    %dma_start3A_15 = tpu.memref_slice %arg4[%multiple_of3A] : memref<500000xi32, #tpu.memory_space<hbm>> -> memref<256xi32, #tpu.memory_space<hbm>>
    tpu.enqueue_dma source(%dma_start3A_15 : memref<256xi32, #tpu.memory_space<hbm>>) target(%arg9 : memref<256xi32, #tpu.memory_space<vmem>>) target_semaphore(%arg17 : memref<!tpu.dma_semaphore, #tpu.memory_space<semaphore_mem>>)
    %dma_start3A_16 = tpu.memref_slice %arg5[%multiple_of3A] : memref<500000xf32, #tpu.memory_space<hbm>> -> memref<256xf32, #tpu.memory_space<hbm>>
    %dma_start3A_17 = tpu.memref_slice %arg5[%multiple_of3A] : memref<500000xf32, #tpu.memory_space<hbm>> -> memref<256xf32, #tpu.memory_space<hbm>>
    tpu.enqueue_dma source(%dma_start3A_17 : memref<256xf32, #tpu.memory_space<hbm>>) target(%arg10 : memref<256xf32, #tpu.memory_space<vmem>>) target_semaphore(%arg17 : memref<!tpu.dma_semaphore, #tpu.memory_space<semaphore_mem>>)
    %scan3A = arith.constant 0 : i32
    %scan3A_18 = arith.constant 0 : i32
    %scan3A_19 = arith.constant 21 : i32
    %scan3A_20 = arith.addi %scan3A_18, %scan3A_19 : i32
    %scan3A_21 = arith.constant 1 : i32
    scf.for %scan3A_129 = %scan3A_18 to %scan3A_20 step %scan3A_21  : i32 {
      %mul3A_130 = arith.constant 2 : i32
      %mul3A_131 = arith.muli %mul3A_130, %scan3A_129 : i32
      %mul3A_132 = arith.constant 32 : i32
      %mul3A_133 = arith.muli %mul3A_132, %mul3A_131 : i32
      %add3A_134 = arith.addi %add3A, %mul3A_133 : i32
      %add3A_135 = arith.constant 32 : i32
      %add3A_136 = arith.addi %add3A_134, %add3A_135 : i32
      %mul3A_137 = arith.constant 256 : i32
      %mul3A_138 = arith.muli %add3A_136, %mul3A_137 : i32
      %multiple_of3A_139 = tpu.assume_multiple %mul3A_138, 256 : i32
      %dma_start3A_140 = arith.constant 0 : i32
      %dma_start3A_141 = arith.constant 0 : i32
      %dma_start3A_142 = tpu.memref_slice %arg2[%dma_start3A_140, %dma_start3A_141, %multiple_of3A_139] : memref<3x32x500000xf32, #tpu.memory_space<hbm>> -> memref<3x32x256xf32, #tpu.memory_space<hbm>>
      %dma_start3A_143 = arith.constant 0 : i32
      %dma_start3A_144 = arith.constant 0 : i32
      %dma_start3A_145 = tpu.memref_slice %arg2[%dma_start3A_143, %dma_start3A_144, %multiple_of3A_139] : memref<3x32x500000xf32, #tpu.memory_space<hbm>> -> memref<3x32x256xf32, #tpu.memory_space<hbm>>
      tpu.enqueue_dma source(%dma_start3A_145 : memref<3x32x256xf32, #tpu.memory_space<hbm>>) target(%arg12 : memref<3x32x256xf32, #tpu.memory_space<vmem>>) target_semaphore(%arg18 : memref<!tpu.dma_semaphore, #tpu.memory_space<semaphore_mem>>)
      %dma_start3A_146 = arith.constant 0 : i32
      %dma_start3A_147 = arith.constant 0 : i32
      %dma_start3A_148 = tpu.memref_slice %arg3[%dma_start3A_146, %dma_start3A_147, %multiple_of3A_139] : memref<32x4x500000xf32, #tpu.memory_space<hbm>> -> memref<32x4x256xf32, #tpu.memory_space<hbm>>
      %dma_start3A_149 = arith.constant 0 : i32
      %dma_start3A_150 = arith.constant 0 : i32
      %dma_start3A_151 = tpu.memref_slice %arg3[%dma_start3A_149, %dma_start3A_150, %multiple_of3A_139] : memref<32x4x500000xf32, #tpu.memory_space<hbm>> -> memref<32x4x256xf32, #tpu.memory_space<hbm>>
      tpu.enqueue_dma source(%dma_start3A_151 : memref<32x4x256xf32, #tpu.memory_space<hbm>>) target(%arg13 : memref<32x4x256xf32, #tpu.memory_space<vmem>>) target_semaphore(%arg18 : memref<!tpu.dma_semaphore, #tpu.memory_space<semaphore_mem>>)
      %dma_start3A_152 = tpu.memref_slice %arg4[%multiple_of3A_139] : memref<500000xi32, #tpu.memory_space<hbm>> -> memref<256xi32, #tpu.memory_space<hbm>>
      %dma_start3A_153 = tpu.memref_slice %arg4[%multiple_of3A_139] : memref<500000xi32, #tpu.memory_space<hbm>> -> memref<256xi32, #tpu.memory_space<hbm>>
      tpu.enqueue_dma source(%dma_start3A_153 : memref<256xi32, #tpu.memory_space<hbm>>) target(%arg14 : memref<256xi32, #tpu.memory_space<vmem>>) target_semaphore(%arg18 : memref<!tpu.dma_semaphore, #tpu.memory_space<semaphore_mem>>)
      %dma_start3A_154 = tpu.memref_slice %arg5[%multiple_of3A_139] : memref<500000xf32, #tpu.memory_space<hbm>> -> memref<256xf32, #tpu.memory_space<hbm>>
      %dma_start3A_155 = tpu.memref_slice %arg5[%multiple_of3A_139] : memref<500000xf32, #tpu.memory_space<hbm>> -> memref<256xf32, #tpu.memory_space<hbm>>
      tpu.enqueue_dma source(%dma_start3A_155 : memref<256xf32, #tpu.memory_space<hbm>>) target(%arg15 : memref<256xf32, #tpu.memory_space<vmem>>) target_semaphore(%arg18 : memref<!tpu.dma_semaphore, #tpu.memory_space<semaphore_mem>>)
      %dma_wait3A_156 = arith.constant 0 : i32
      %dma_wait3A_157 = arith.constant 0 : i32
      %dma_wait3A_158 = arith.constant 0 : i32
      %dma_wait3A_159 = tpu.memref_slice %arg2[%dma_wait3A_156, %dma_wait3A_157, %dma_wait3A_158] : memref<3x32x500000xf32, #tpu.memory_space<hbm>> -> memref<3x32x256xf32, #tpu.memory_space<hbm>>
      %dma_wait3A_160 = arith.constant 0 : i32
      %dma_wait3A_161 = arith.constant 0 : i32
      %dma_wait3A_162 = arith.constant 0 : i32
      %dma_wait3A_163 = tpu.memref_slice %arg2[%dma_wait3A_160, %dma_wait3A_161, %dma_wait3A_162] : memref<3x32x500000xf32, #tpu.memory_space<hbm>> -> memref<3x32x256xf32, #tpu.memory_space<hbm>>
      tpu.wait_dma2 semaphore(%arg17 : memref<!tpu.dma_semaphore, #tpu.memory_space<semaphore_mem>>) src(%dma_wait3A_163 : memref<3x32x256xf32, #tpu.memory_space<hbm>>) dst(%arg7 : memref<3x32x256xf32, #tpu.memory_space<vmem>>)
      %dma_wait3A_164 = arith.constant 0 : i32
      %dma_wait3A_165 = arith.constant 0 : i32
      %dma_wait3A_166 = arith.constant 0 : i32
      %dma_wait3A_167 = tpu.memref_slice %arg3[%dma_wait3A_164, %dma_wait3A_165, %dma_wait3A_166] : memref<32x4x500000xf32, #tpu.memory_space<hbm>> -> memref<32x4x256xf32, #tpu.memory_space<hbm>>
      %dma_wait3A_168 = arith.constant 0 : i32
      %dma_wait3A_169 = arith.constant 0 : i32
      %dma_wait3A_170 = arith.constant 0 : i32
      %dma_wait3A_171 = tpu.memref_slice %arg3[%dma_wait3A_168, %dma_wait3A_169, %dma_wait3A_170] : memref<32x4x500000xf32, #tpu.memory_space<hbm>> -> memref<32x4x256xf32, #tpu.memory_space<hbm>>
      tpu.wait_dma2 semaphore(%arg17 : memref<!tpu.dma_semaphore, #tpu.memory_space<semaphore_mem>>) src(%dma_wait3A_171 : memref<32x4x256xf32, #tpu.memory_space<hbm>>) dst(%arg8 : memref<32x4x256xf32, #tpu.memory_space<vmem>>)
      %dma_wait3A_172 = arith.constant 0 : i32
      %dma_wait3A_173 = tpu.memref_slice %arg4[%dma_wait3A_172] : memref<500000xi32, #tpu.memory_space<hbm>> -> memref<256xi32, #tpu.memory_space<hbm>>
      %dma_wait3A_174 = arith.constant 0 : i32
      %dma_wait3A_175 = tpu.memref_slice %arg4[%dma_wait3A_174] : memref<500000xi32, #tpu.memory_space<hbm>> -> memref<256xi32, #tpu.memory_space<hbm>>
      tpu.wait_dma2 semaphore(%arg17 : memref<!tpu.dma_semaphore, #tpu.memory_space<semaphore_mem>>) src(%dma_wait3A_175 : memref<256xi32, #tpu.memory_space<hbm>>) dst(%arg9 : memref<256xi32, #tpu.memory_space<vmem>>)
      %dma_wait3A_176 = arith.constant 0 : i32
      %dma_wait3A_177 = tpu.memref_slice %arg5[%dma_wait3A_176] : memref<500000xf32, #tpu.memory_space<hbm>> -> memref<256xf32, #tpu.memory_space<hbm>>
      %dma_wait3A_178 = arith.constant 0 : i32
      %dma_wait3A_179 = tpu.memref_slice %arg5[%dma_wait3A_178] : memref<500000xf32, #tpu.memory_space<hbm>> -> memref<256xf32, #tpu.memory_space<hbm>>
      tpu.wait_dma2 semaphore(%arg17 : memref<!tpu.dma_semaphore, #tpu.memory_space<semaphore_mem>>) src(%dma_wait3A_179 : memref<256xf32, #tpu.memory_space<hbm>>) dst(%arg10 : memref<256xf32, #tpu.memory_space<vmem>>)
      %mul3A_180 = arith.constant 256 : i32
      %mul3A_181 = arith.muli %add3A_134, %mul3A_180 : i32
      %multiple_of3A_182 = tpu.assume_multiple %mul3A_181, 256 : i32
      %scan3A_183 = arith.constant 0 : i32
      %scan3A_184 = arith.constant 0 : i32
      %scan3A_185 = arith.constant 16 : i32
      %scan3A_186 = arith.addi %scan3A_184, %scan3A_185 : i32
      %scan3A_187 = arith.constant 1 : i32
      scf.for %scan3A_261 = %scan3A_184 to %scan3A_186 step %scan3A_187  : i32 {
        %mul3A_262 = arith.constant 16 : i32
        %mul3A_263 = arith.muli %scan3A_261, %mul3A_262 : i32
        %add3A_264 = vector.broadcast %mul3A_263 : i32 to vector<16xi32>
        %add3A_265 = arith.addi %add3A_264, %iota3A : vector<16xi32>
        %get3A = arith.index_cast %mul3A_263 : i32 to index
        %get3A_266 = tpu.vector_load %arg9[%get3A] {strides = array<i32>} : memref<256xi32, #tpu.memory_space<vmem>>, vector<16xi32>,
        %get3A_267 = arith.index_cast %mul3A_263 : i32 to index
        %get3A_268 = tpu.vector_load %arg10[%get3A_267] {strides = array<i32>} : memref<256xf32, #tpu.memory_space<vmem>>, vector<16xf32>,
        %add3A_269 = arith.constant 1 : i32
        %add3A_270 = vector.broadcast %add3A_269 : i32 to vector<16xi32>
        %add3A_271 = arith.addi %get3A_266, %add3A_270 : vector<16xi32>
        %sub3A = arith.constant 1.000000e+00 : f32
        %sub3A_272 = vector.broadcast %sub3A : f32 to vector<16xf32>
        %sub3A_273 = arith.subf %sub3A_272, %get3A_268 : vector<16xf32>
        %broadcast_in_dim3A = arith.constant 0 : i32
        %broadcast_in_dim3A_274 = vector.broadcast %broadcast_in_dim3A : i32 to vector<16xi32>
        %gather3A = tpu.vector_load_idx %arg7[%broadcast_in_dim3A_274, %get3A_266, %add3A_265] : memref<3x32x256xf32, #tpu.memory_space<vmem>>[vector<16xi32>, vector<16xi32>, vector<16xi32>], vector<16xf32>,
        %gather3A_275 = tpu.vector_load_idx %arg7[%broadcast_in_dim3A_274, %add3A_271, %add3A_265] : memref<3x32x256xf32, #tpu.memory_space<vmem>>[vector<16xi32>, vector<16xi32>, vector<16xi32>], vector<16xf32>,
        %mul3A_276 = arith.mulf %sub3A_273, %gather3A : vector<16xf32>
        %mul3A_277 = arith.mulf %get3A_268, %gather3A_275 : vector<16xf32>
        %add3A_278 = arith.addf %mul3A_276, %mul3A_277 : vector<16xf32>
        %swap3A = arith.constant 0 : i32
        %swap3A_279 = arith.index_cast %swap3A : i32 to index
        %swap3A_280 = arith.index_cast %mul3A_263 : i32 to index
        %swap3A_281 = tpu.vector_load %arg11[%swap3A_279, %swap3A_280] {strides = array<i32>} : memref<8x256xf32, #tpu.memory_space<vmem>>, vector<16xf32>,
        tpu.vector_store %arg11[%swap3A_279, %swap3A_280], %add3A_278 {strides = array<i32>} : memref<8x256xf32, #tpu.memory_space<vmem>>, vector<16xf32>,
        %broadcast_in_dim3A_282 = arith.constant 1 : i32
        %broadcast_in_dim3A_283 = vector.broadcast %broadcast_in_dim3A_282 : i32 to vector<16xi32>
        %gather3A_284 = tpu.vector_load_idx %arg7[%broadcast_in_dim3A_283, %get3A_266, %add3A_265] : memref<3x32x256xf32, #tpu.memory_space<vmem>>[vector<16xi32>, vector<16xi32>, vector<16xi32>], vector<16xf32>,
        %gather3A_285 = tpu.vector_load_idx %arg7[%broadcast_in_dim3A_283, %add3A_271, %add3A_265] : memref<3x32x256xf32, #tpu.memory_space<vmem>>[vector<16xi32>, vector<16xi32>, vector<16xi32>], vector<16xf32>,
        %mul3A_286 = arith.mulf %sub3A_273, %gather3A_284 : vector<16xf32>
        %mul3A_287 = arith.mulf %get3A_268, %gather3A_285 : vector<16xf32>
        %add3A_288 = arith.addf %mul3A_286, %mul3A_287 : vector<16xf32>
        %swap3A_289 = arith.constant 1 : i32
        %swap3A_290 = arith.index_cast %swap3A_289 : i32 to index
        %swap3A_291 = arith.index_cast %mul3A_263 : i32 to index
        %swap3A_292 = tpu.vector_load %arg11[%swap3A_290, %swap3A_291] {strides = array<i32>} : memref<8x256xf32, #tpu.memory_space<vmem>>, vector<16xf32>,
        tpu.vector_store %arg11[%swap3A_290, %swap3A_291], %add3A_288 {strides = array<i32>} : memref<8x256xf32, #tpu.memory_space<vmem>>, vector<16xf32>,
        %broadcast_in_dim3A_293 = arith.constant 2 : i32
        %broadcast_in_dim3A_294 = vector.broadcast %broadcast_in_dim3A_293 : i32 to vector<16xi32>
        %gather3A_295 = tpu.vector_load_idx %arg7[%broadcast_in_dim3A_294, %get3A_266, %add3A_265] : memref<3x32x256xf32, #tpu.memory_space<vmem>>[vector<16xi32>, vector<16xi32>, vector<16xi32>], vector<16xf32>,
        %gather3A_296 = tpu.vector_load_idx %arg7[%broadcast_in_dim3A_294, %add3A_271, %add3A_265] : memref<3x32x256xf32, #tpu.memory_space<vmem>>[vector<16xi32>, vector<16xi32>, vector<16xi32>], vector<16xf32>,
        %mul3A_297 = arith.mulf %sub3A_273, %gather3A_295 : vector<16xf32>
        %mul3A_298 = arith.mulf %get3A_268, %gather3A_296 : vector<16xf32>
        %add3A_299 = arith.addf %mul3A_297, %mul3A_298 : vector<16xf32>
        %swap3A_300 = arith.constant 2 : i32
        %swap3A_301 = arith.index_cast %swap3A_300 : i32 to index
        %swap3A_302 = arith.index_cast %mul3A_263 : i32 to index
        %swap3A_303 = tpu.vector_load %arg11[%swap3A_301, %swap3A_302] {strides = array<i32>} : memref<8x256xf32, #tpu.memory_space<vmem>>, vector<16xf32>,
        tpu.vector_store %arg11[%swap3A_301, %swap3A_302], %add3A_299 {strides = array<i32>} : memref<8x256xf32, #tpu.memory_space<vmem>>, vector<16xf32>,
        %broadcast_in_dim3A_304 = arith.constant 0 : i32
        %broadcast_in_dim3A_305 = vector.broadcast %broadcast_in_dim3A_304 : i32 to vector<16xi32>
        %gather3A_306 = tpu.vector_load_idx %arg8[%get3A_266, %broadcast_in_dim3A_305, %add3A_265] : memref<32x4x256xf32, #tpu.memory_space<vmem>>[vector<16xi32>, vector<16xi32>, vector<16xi32>], vector<16xf32>,
        %broadcast_in_dim3A_307 = arith.constant 1 : i32
        %broadcast_in_dim3A_308 = vector.broadcast %broadcast_in_dim3A_307 : i32 to vector<16xi32>
        %gather3A_309 = tpu.vector_load_idx %arg8[%get3A_266, %broadcast_in_dim3A_308, %add3A_265] : memref<32x4x256xf32, #tpu.memory_space<vmem>>[vector<16xi32>, vector<16xi32>, vector<16xi32>], vector<16xf32>,
        %broadcast_in_dim3A_310 = arith.constant 2 : i32
        %broadcast_in_dim3A_311 = vector.broadcast %broadcast_in_dim3A_310 : i32 to vector<16xi32>
        %gather3A_312 = tpu.vector_load_idx %arg8[%get3A_266, %broadcast_in_dim3A_311, %add3A_265] : memref<32x4x256xf32, #tpu.memory_space<vmem>>[vector<16xi32>, vector<16xi32>, vector<16xi32>], vector<16xf32>,
        %broadcast_in_dim3A_313 = arith.constant 3 : i32
        %broadcast_in_dim3A_314 = vector.broadcast %broadcast_in_dim3A_313 : i32 to vector<16xi32>
        %gather3A_315 = tpu.vector_load_idx %arg8[%get3A_266, %broadcast_in_dim3A_314, %add3A_265] : memref<32x4x256xf32, #tpu.memory_space<vmem>>[vector<16xi32>, vector<16xi32>, vector<16xi32>], vector<16xf32>,
        %broadcast_in_dim3A_316 = arith.constant 0 : i32
        %broadcast_in_dim3A_317 = vector.broadcast %broadcast_in_dim3A_316 : i32 to vector<16xi32>
        %gather3A_318 = tpu.vector_load_idx %arg8[%add3A_271, %broadcast_in_dim3A_317, %add3A_265] : memref<32x4x256xf32, #tpu.memory_space<vmem>>[vector<16xi32>, vector<16xi32>, vector<16xi32>], vector<16xf32>,
        %broadcast_in_dim3A_319 = arith.constant 1 : i32
        %broadcast_in_dim3A_320 = vector.broadcast %broadcast_in_dim3A_319 : i32 to vector<16xi32>
        %gather3A_321 = tpu.vector_load_idx %arg8[%add3A_271, %broadcast_in_dim3A_320, %add3A_265] : memref<32x4x256xf32, #tpu.memory_space<vmem>>[vector<16xi32>, vector<16xi32>, vector<16xi32>], vector<16xf32>,
        %broadcast_in_dim3A_322 = arith.constant 2 : i32
        %broadcast_in_dim3A_323 = vector.broadcast %broadcast_in_dim3A_322 : i32 to vector<16xi32>
        %gather3A_324 = tpu.vector_load_idx %arg8[%add3A_271, %broadcast_in_dim3A_323, %add3A_265] : memref<32x4x256xf32, #tpu.memory_space<vmem>>[vector<16xi32>, vector<16xi32>, vector<16xi32>], vector<16xf32>,
        %broadcast_in_dim3A_325 = arith.constant 3 : i32
        %broadcast_in_dim3A_326 = vector.broadcast %broadcast_in_dim3A_325 : i32 to vector<16xi32>
        %gather3A_327 = tpu.vector_load_idx %arg8[%add3A_271, %broadcast_in_dim3A_326, %add3A_265] : memref<32x4x256xf32, #tpu.memory_space<vmem>>[vector<16xi32>, vector<16xi32>, vector<16xi32>], vector<16xf32>,
        %mul3A_328 = arith.mulf %gather3A_306, %gather3A_306 : vector<16xf32>
        %mul3A_329 = arith.mulf %gather3A_309, %gather3A_309 : vector<16xf32>
        %add3A_330 = arith.addf %mul3A_328, %mul3A_329 : vector<16xf32>
        %mul3A_331 = arith.mulf %gather3A_312, %gather3A_312 : vector<16xf32>
        %add3A_332 = arith.addf %add3A_330, %mul3A_331 : vector<16xf32>
        %mul3A_333 = arith.mulf %gather3A_315, %gather3A_315 : vector<16xf32>
        %add3A_334 = arith.addf %add3A_332, %mul3A_333 : vector<16xf32>
        %mul3A_335 = arith.mulf %gather3A_318, %gather3A_318 : vector<16xf32>
        %mul3A_336 = arith.mulf %gather3A_321, %gather3A_321 : vector<16xf32>
        %add3A_337 = arith.addf %mul3A_335, %mul3A_336 : vector<16xf32>
        %mul3A_338 = arith.mulf %gather3A_324, %gather3A_324 : vector<16xf32>
        %add3A_339 = arith.addf %add3A_337, %mul3A_338 : vector<16xf32>
        %mul3A_340 = arith.mulf %gather3A_327, %gather3A_327 : vector<16xf32>
        %add3A_341 = arith.addf %add3A_339, %mul3A_340 : vector<16xf32>
        %mul3A_342 = arith.mulf %gather3A_306, %gather3A_318 : vector<16xf32>
        %mul3A_343 = arith.mulf %gather3A_309, %gather3A_321 : vector<16xf32>
        %add3A_344 = arith.addf %mul3A_342, %mul3A_343 : vector<16xf32>
        %mul3A_345 = arith.mulf %gather3A_312, %gather3A_324 : vector<16xf32>
        %add3A_346 = arith.addf %add3A_344, %mul3A_345 : vector<16xf32>
        %mul3A_347 = arith.mulf %gather3A_315, %gather3A_327 : vector<16xf32>
        %add3A_348 = arith.addf %add3A_346, %mul3A_347 : vector<16xf32>
        %bitcast3A = vector.bitcast %add3A_334 : vector<16xf32> to vector<16xi32>
        %shift_right_logical3A = arith.constant 1 : i32
        %shift_right_logical3A_349 = vector.broadcast %shift_right_logical3A : i32 to vector<16xi32>
        %shift_right_logical3A_350 = arith.shrui %bitcast3A, %shift_right_logical3A_349 : vector<16xi32>
        %sub3A_351 = arith.constant 1597463007 : i32
        %sub3A_352 = vector.broadcast %sub3A_351 : i32 to vector<16xi32>
        %sub3A_353 = arith.subi %sub3A_352, %shift_right_logical3A_350 : vector<16xi32>
        %bitcast3A_354 = vector.bitcast %sub3A_353 : vector<16xi32> to vector<16xf32>
        %mul3A_355 = arith.constant 5.000000e-01 : f32
        %mul3A_356 = vector.broadcast %mul3A_355 : f32 to vector<16xf32>
        %mul3A_357 = arith.mulf %mul3A_356, %add3A_334 : vector<16xf32>
        %mul3A_358 = arith.mulf %mul3A_357, %bitcast3A_354 : vector<16xf32>
        %mul3A_359 = arith.mulf %mul3A_358, %bitcast3A_354 : vector<16xf32>
        %sub3A_360 = arith.constant 1.500000e+00 : f32
        %sub3A_361 = vector.broadcast %sub3A_360 : f32 to vector<16xf32>
        %sub3A_362 = arith.subf %sub3A_361, %mul3A_359 : vector<16xf32>
        %mul3A_363 = arith.mulf %bitcast3A_354, %sub3A_362 : vector<16xf32>
        %mul3A_364 = arith.constant 5.000000e-01 : f32
        %mul3A_365 = vector.broadcast %mul3A_364 : f32 to vector<16xf32>
        %mul3A_366 = arith.mulf %mul3A_365, %add3A_334 : vector<16xf32>
        %mul3A_367 = arith.mulf %mul3A_366, %mul3A_363 : vector<16xf32>
        %mul3A_368 = arith.mulf %mul3A_367, %mul3A_363 : vector<16xf32>
        %sub3A_369 = arith.constant 1.500000e+00 : f32
        %sub3A_370 = vector.broadcast %sub3A_369 : f32 to vector<16xf32>
        %sub3A_371 = arith.subf %sub3A_370, %mul3A_368 : vector<16xf32>
        %mul3A_372 = arith.mulf %mul3A_363, %sub3A_371 : vector<16xf32>
        %bitcast3A_373 = vector.bitcast %add3A_341 : vector<16xf32> to vector<16xi32>
        %shift_right_logical3A_374 = arith.constant 1 : i32
        %shift_right_logical3A_375 = vector.broadcast %shift_right_logical3A_374 : i32 to vector<16xi32>
        %shift_right_logical3A_376 = arith.shrui %bitcast3A_373, %shift_right_logical3A_375 : vector<16xi32>
        %sub3A_377 = arith.constant 1597463007 : i32
        %sub3A_378 = vector.broadcast %sub3A_377 : i32 to vector<16xi32>
        %sub3A_379 = arith.subi %sub3A_378, %shift_right_logical3A_376 : vector<16xi32>
        %bitcast3A_380 = vector.bitcast %sub3A_379 : vector<16xi32> to vector<16xf32>
        %mul3A_381 = arith.constant 5.000000e-01 : f32
        %mul3A_382 = vector.broadcast %mul3A_381 : f32 to vector<16xf32>
        %mul3A_383 = arith.mulf %mul3A_382, %add3A_341 : vector<16xf32>
        %mul3A_384 = arith.mulf %mul3A_383, %bitcast3A_380 : vector<16xf32>
        %mul3A_385 = arith.mulf %mul3A_384, %bitcast3A_380 : vector<16xf32>
        %sub3A_386 = arith.constant 1.500000e+00 : f32
        %sub3A_387 = vector.broadcast %sub3A_386 : f32 to vector<16xf32>
        %sub3A_388 = arith.subf %sub3A_387, %mul3A_385 : vector<16xf32>
        %mul3A_389 = arith.mulf %bitcast3A_380, %sub3A_388 : vector<16xf32>
        %mul3A_390 = arith.constant 5.000000e-01 : f32
        %mul3A_391 = vector.broadcast %mul3A_390 : f32 to vector<16xf32>
        %mul3A_392 = arith.mulf %mul3A_391, %add3A_341 : vector<16xf32>
        %mul3A_393 = arith.mulf %mul3A_392, %mul3A_389 : vector<16xf32>
        %mul3A_394 = arith.mulf %mul3A_393, %mul3A_389 : vector<16xf32>
        %sub3A_395 = arith.constant 1.500000e+00 : f32
        %sub3A_396 = vector.broadcast %sub3A_395 : f32 to vector<16xf32>
        %sub3A_397 = arith.subf %sub3A_396, %mul3A_394 : vector<16xf32>
        %mul3A_398 = arith.mulf %mul3A_389, %sub3A_397 : vector<16xf32>
        %mul3A_399 = arith.mulf %add3A_348, %mul3A_372 : vector<16xf32>
        %mul3A_400 = arith.mulf %mul3A_399, %mul3A_398 : vector<16xf32>
        %lt3A = arith.constant 0.000000e+00 : f32
        %lt3A_401 = vector.broadcast %lt3A : f32 to vector<16xf32>
        %lt3A_402 = arith.cmpf olt, %mul3A_400, %lt3A_401 : vector<16xf32>
        %jit3A = arith.constant -1.000000e+00 : f32
        %jit3A_403 = arith.constant 1.000000e+00 : f32
        %broadcast_in_dim3A_404 = vector.broadcast %jit3A : f32 to vector<16xf32>
        %broadcast_in_dim3A_405 = vector.broadcast %jit3A_403 : f32 to vector<16xf32>
        %select_n3A = arith.select %lt3A_402, %broadcast_in_dim3A_404, %broadcast_in_dim3A_405 : vector<16xi1>, vector<16xf32>
        %abs3A = math.absf %mul3A_400 : vector<16xf32>
        %jit3A_406 = arith.constant 0.000000e+00 : f32
        %jit3A_407 = arith.constant 0.99999988 : f32
        %max3A = vector.broadcast %jit3A_406 : f32 to vector<16xf32>
        %max3A_408 = arith.maximumf %max3A, %abs3A : vector<16xf32>
        %min3A = vector.broadcast %jit3A_407 : f32 to vector<16xf32>
        %min3A_409 = arith.minimumf %min3A, %max3A_408 : vector<16xf32>
        %sub3A_410 = arith.constant 1.000000e+00 : f32
        %sub3A_411 = vector.broadcast %sub3A_410 : f32 to vector<16xf32>
        %sub3A_412 = arith.subf %sub3A_411, %min3A_409 : vector<16xf32>
        %max3A_413 = arith.constant 9.99999993E-9 : f32
        %max3A_414 = vector.broadcast %max3A_413 : f32 to vector<16xf32>
        %max3A_415 = arith.maximumf %sub3A_412, %max3A_414 : vector<16xf32>
        %bitcast3A_416 = vector.bitcast %max3A_415 : vector<16xf32> to vector<16xi32>
        %shift_right_logical3A_417 = arith.constant 1 : i32
        %shift_right_logical3A_418 = vector.broadcast %shift_right_logical3A_417 : i32 to vector<16xi32>
        %shift_right_logical3A_419 = arith.shrui %bitcast3A_416, %shift_right_logical3A_418 : vector<16xi32>
        %sub3A_420 = arith.constant 1597463007 : i32
        %sub3A_421 = vector.broadcast %sub3A_420 : i32 to vector<16xi32>
        %sub3A_422 = arith.subi %sub3A_421, %shift_right_logical3A_419 : vector<16xi32>
        %bitcast3A_423 = vector.bitcast %sub3A_422 : vector<16xi32> to vector<16xf32>
        %mul3A_424 = arith.constant 5.000000e-01 : f32
        %mul3A_425 = vector.broadcast %mul3A_424 : f32 to vector<16xf32>
        %mul3A_426 = arith.mulf %mul3A_425, %max3A_415 : vector<16xf32>
        %mul3A_427 = arith.mulf %mul3A_426, %bitcast3A_423 : vector<16xf32>
        %mul3A_428 = arith.mulf %mul3A_427, %bitcast3A_423 : vector<16xf32>
        %sub3A_429 = arith.constant 1.500000e+00 : f32
        %sub3A_430 = vector.broadcast %sub3A_429 : f32 to vector<16xf32>
        %sub3A_431 = arith.subf %sub3A_430, %mul3A_428 : vector<16xf32>
        %mul3A_432 = arith.mulf %bitcast3A_423, %sub3A_431 : vector<16xf32>
        %mul3A_433 = arith.constant 5.000000e-01 : f32
        %mul3A_434 = vector.broadcast %mul3A_433 : f32 to vector<16xf32>
        %mul3A_435 = arith.mulf %mul3A_434, %max3A_415 : vector<16xf32>
        %mul3A_436 = arith.mulf %mul3A_435, %mul3A_432 : vector<16xf32>
        %mul3A_437 = arith.mulf %mul3A_436, %mul3A_432 : vector<16xf32>
        %sub3A_438 = arith.constant 1.500000e+00 : f32
        %sub3A_439 = vector.broadcast %sub3A_438 : f32 to vector<16xf32>
        %sub3A_440 = arith.subf %sub3A_439, %mul3A_437 : vector<16xf32>
        %mul3A_441 = arith.mulf %mul3A_432, %sub3A_440 : vector<16xf32>
        %mul3A_442 = arith.mulf %max3A_415, %mul3A_441 : vector<16xf32>
        %mul3A_443 = arith.constant -0.0012624911 : f32
        %mul3A_444 = vector.broadcast %mul3A_443 : f32 to vector<16xf32>
        %mul3A_445 = arith.mulf %mul3A_444, %min3A_409 : vector<16xf32>
        %add3A_446 = arith.constant 6.670090e-03 : f32
        %add3A_447 = vector.broadcast %add3A_446 : f32 to vector<16xf32>
        %add3A_448 = arith.addf %mul3A_445, %add3A_447 : vector<16xf32>
        %mul3A_449 = arith.mulf %add3A_448, %min3A_409 : vector<16xf32>
        %add3A_450 = arith.constant -0.0170881264 : f32
        %add3A_451 = vector.broadcast %add3A_450 : f32 to vector<16xf32>
        %add3A_452 = arith.addf %mul3A_449, %add3A_451 : vector<16xf32>
        %mul3A_453 = arith.mulf %add3A_452, %min3A_409 : vector<16xf32>
        %add3A_454 = arith.constant 0.0308918804 : f32
        %add3A_455 = vector.broadcast %add3A_454 : f32 to vector<16xf32>
        %add3A_456 = arith.addf %mul3A_453, %add3A_455 : vector<16xf32>
        %mul3A_457 = arith.mulf %add3A_456, %min3A_409 : vector<16xf32>
        %add3A_458 = arith.constant -0.0501743034 : f32
        %add3A_459 = vector.broadcast %add3A_458 : f32 to vector<16xf32>
        %add3A_460 = arith.addf %mul3A_457, %add3A_459 : vector<16xf32>
        %mul3A_461 = arith.mulf %add3A_460, %min3A_409 : vector<16xf32>
        %add3A_462 = arith.constant 0.0889789909 : f32
        %add3A_463 = vector.broadcast %add3A_462 : f32 to vector<16xf32>
        %add3A_464 = arith.addf %mul3A_461, %add3A_463 : vector<16xf32>
        %mul3A_465 = arith.mulf %add3A_464, %min3A_409 : vector<16xf32>
        %add3A_466 = arith.constant -0.214598805 : f32
        %add3A_467 = vector.broadcast %add3A_466 : f32 to vector<16xf32>
        %add3A_468 = arith.addf %mul3A_465, %add3A_467 : vector<16xf32>
        %mul3A_469 = arith.mulf %add3A_468, %min3A_409 : vector<16xf32>
        %add3A_470 = arith.constant 1.57079625 : f32
        %add3A_471 = vector.broadcast %add3A_470 : f32 to vector<16xf32>
        %add3A_472 = arith.addf %mul3A_469, %add3A_471 : vector<16xf32>
        %mul3A_473 = arith.mulf %mul3A_442, %add3A_472 : vector<16xf32>
        %mul3A_474 = arith.mulf %min3A_409, %min3A_409 : vector<16xf32>
        %sub3A_475 = arith.constant 1.000000e+00 : f32
        %sub3A_476 = vector.broadcast %sub3A_475 : f32 to vector<16xf32>
        %sub3A_477 = arith.subf %sub3A_476, %mul3A_474 : vector<16xf32>
        %max3A_478 = arith.constant 9.99999993E-9 : f32
        %max3A_479 = vector.broadcast %max3A_478 : f32 to vector<16xf32>
        %max3A_480 = arith.maximumf %sub3A_477, %max3A_479 : vector<16xf32>
        %bitcast3A_481 = vector.bitcast %max3A_480 : vector<16xf32> to vector<16xi32>
        %shift_right_logical3A_482 = arith.constant 1 : i32
        %shift_right_logical3A_483 = vector.broadcast %shift_right_logical3A_482 : i32 to vector<16xi32>
        %shift_right_logical3A_484 = arith.shrui %bitcast3A_481, %shift_right_logical3A_483 : vector<16xi32>
        %sub3A_485 = arith.constant 1597463007 : i32
        %sub3A_486 = vector.broadcast %sub3A_485 : i32 to vector<16xi32>
        %sub3A_487 = arith.subi %sub3A_486, %shift_right_logical3A_484 : vector<16xi32>
        %bitcast3A_488 = vector.bitcast %sub3A_487 : vector<16xi32> to vector<16xf32>
        %mul3A_489 = arith.constant 5.000000e-01 : f32
        %mul3A_490 = vector.broadcast %mul3A_489 : f32 to vector<16xf32>
        %mul3A_491 = arith.mulf %mul3A_490, %max3A_480 : vector<16xf32>
        %mul3A_492 = arith.mulf %mul3A_491, %bitcast3A_488 : vector<16xf32>
        %mul3A_493 = arith.mulf %mul3A_492, %bitcast3A_488 : vector<16xf32>
        %sub3A_494 = arith.constant 1.500000e+00 : f32
        %sub3A_495 = vector.broadcast %sub3A_494 : f32 to vector<16xf32>
        %sub3A_496 = arith.subf %sub3A_495, %mul3A_493 : vector<16xf32>
        %mul3A_497 = arith.mulf %bitcast3A_488, %sub3A_496 : vector<16xf32>
        %mul3A_498 = arith.constant 5.000000e-01 : f32
        %mul3A_499 = vector.broadcast %mul3A_498 : f32 to vector<16xf32>
        %mul3A_500 = arith.mulf %mul3A_499, %max3A_480 : vector<16xf32>
        %mul3A_501 = arith.mulf %mul3A_500, %mul3A_497 : vector<16xf32>
        %mul3A_502 = arith.mulf %mul3A_501, %mul3A_497 : vector<16xf32>
        %sub3A_503 = arith.constant 1.500000e+00 : f32
        %sub3A_504 = vector.broadcast %sub3A_503 : f32 to vector<16xf32>
        %sub3A_505 = arith.subf %sub3A_504, %mul3A_502 : vector<16xf32>
        %mul3A_506 = arith.mulf %mul3A_497, %sub3A_505 : vector<16xf32>
        %mul3A_507 = arith.mulf %max3A_480, %mul3A_506 : vector<16xf32>
        %mul3A_508 = arith.mulf %sub3A_273, %mul3A_473 : vector<16xf32>
        %mul3A_509 = arith.mulf %mul3A_508, %mul3A_508 : vector<16xf32>
        %mul3A_510 = arith.constant 2.75573188E-6 : f32
        %mul3A_511 = vector.broadcast %mul3A_510 : f32 to vector<16xf32>
        %mul3A_512 = arith.mulf %mul3A_511, %mul3A_509 : vector<16xf32>
        %add3A_513 = arith.constant -1.98412701E-4 : f32
        %add3A_514 = vector.broadcast %add3A_513 : f32 to vector<16xf32>
        %add3A_515 = arith.addf %mul3A_512, %add3A_514 : vector<16xf32>
        %mul3A_516 = arith.mulf %add3A_515, %mul3A_509 : vector<16xf32>
        %add3A_517 = arith.constant 0.00833333377 : f32
        %add3A_518 = vector.broadcast %add3A_517 : f32 to vector<16xf32>
        %add3A_519 = arith.addf %mul3A_516, %add3A_518 : vector<16xf32>
        %mul3A_520 = arith.mulf %add3A_519, %mul3A_509 : vector<16xf32>
        %add3A_521 = arith.constant -0.166666672 : f32
        %add3A_522 = vector.broadcast %add3A_521 : f32 to vector<16xf32>
        %add3A_523 = arith.addf %mul3A_520, %add3A_522 : vector<16xf32>
        %mul3A_524 = arith.mulf %add3A_523, %mul3A_509 : vector<16xf32>
        %add3A_525 = arith.constant 1.000000e+00 : f32
        %add3A_526 = vector.broadcast %add3A_525 : f32 to vector<16xf32>
        %add3A_527 = arith.addf %mul3A_524, %add3A_526 : vector<16xf32>
        %mul3A_528 = arith.mulf %mul3A_508, %add3A_527 : vector<16xf32>
        %div3A = arith.divf %mul3A_528, %mul3A_507 : vector<16xf32>
        %mul3A_529 = arith.mulf %get3A_268, %mul3A_473 : vector<16xf32>
        %mul3A_530 = arith.mulf %mul3A_529, %mul3A_529 : vector<16xf32>
        %mul3A_531 = arith.constant 2.75573188E-6 : f32
        %mul3A_532 = vector.broadcast %mul3A_531 : f32 to vector<16xf32>
        %mul3A_533 = arith.mulf %mul3A_532, %mul3A_530 : vector<16xf32>
        %add3A_534 = arith.constant -1.98412701E-4 : f32
        %add3A_535 = vector.broadcast %add3A_534 : f32 to vector<16xf32>
        %add3A_536 = arith.addf %mul3A_533, %add3A_535 : vector<16xf32>
        %mul3A_537 = arith.mulf %add3A_536, %mul3A_530 : vector<16xf32>
        %add3A_538 = arith.constant 0.00833333377 : f32
        %add3A_539 = vector.broadcast %add3A_538 : f32 to vector<16xf32>
        %add3A_540 = arith.addf %mul3A_537, %add3A_539 : vector<16xf32>
        %mul3A_541 = arith.mulf %add3A_540, %mul3A_530 : vector<16xf32>
        %add3A_542 = arith.constant -0.166666672 : f32
        %add3A_543 = vector.broadcast %add3A_542 : f32 to vector<16xf32>
        %add3A_544 = arith.addf %mul3A_541, %add3A_543 : vector<16xf32>
        %mul3A_545 = arith.mulf %add3A_544, %mul3A_530 : vector<16xf32>
        %add3A_546 = arith.constant 1.000000e+00 : f32
        %add3A_547 = vector.broadcast %add3A_546 : f32 to vector<16xf32>
        %add3A_548 = arith.addf %mul3A_545, %add3A_547 : vector<16xf32>
        %mul3A_549 = arith.mulf %mul3A_529, %add3A_548 : vector<16xf32>
        %div3A_550 = arith.divf %mul3A_549, %mul3A_507 : vector<16xf32>
        %gt3A = arith.constant 0.999499976 : f32
        %gt3A_551 = vector.broadcast %gt3A : f32 to vector<16xf32>
        %gt3A_552 = arith.cmpf ogt, %min3A_409, %gt3A_551 : vector<16xf32>
        %select_n3A_553 = arith.select %gt3A_552, %sub3A_273, %div3A : vector<16xi1>, vector<16xf32>
        %select_n3A_554 = arith.select %gt3A_552, %get3A_268, %div3A_550 : vector<16xi1>, vector<16xf32>
        %mul3A_555 = arith.mulf %select_n3A_553, %mul3A_372 : vector<16xf32>
        %mul3A_556 = arith.mulf %select_n3A_554, %mul3A_398 : vector<16xf32>
        %mul3A_557 = arith.mulf %mul3A_556, %select_n3A : vector<16xf32>
        %mul3A_558 = arith.mulf %mul3A_555, %mul3A_555 : vector<16xf32>
        %mul3A_559 = arith.mulf %mul3A_558, %add3A_334 : vector<16xf32>
        %mul3A_560 = arith.constant 2.000000e+00 : f32
        %mul3A_561 = vector.broadcast %mul3A_560 : f32 to vector<16xf32>
        %mul3A_562 = arith.mulf %mul3A_561, %mul3A_555 : vector<16xf32>
        %mul3A_563 = arith.mulf %mul3A_562, %mul3A_557 : vector<16xf32>
        %mul3A_564 = arith.mulf %mul3A_563, %add3A_348 : vector<16xf32>
        %add3A_565 = arith.addf %mul3A_559, %mul3A_564 : vector<16xf32>
        %mul3A_566 = arith.mulf %mul3A_557, %mul3A_557 : vector<16xf32>
        %mul3A_567 = arith.mulf %mul3A_566, %add3A_341 : vector<16xf32>
        %add3A_568 = arith.addf %add3A_565, %mul3A_567 : vector<16xf32>
        %bitcast3A_569 = vector.bitcast %add3A_568 : vector<16xf32> to vector<16xi32>
        %shift_right_logical3A_570 = arith.constant 1 : i32
        %shift_right_logical3A_571 = vector.broadcast %shift_right_logical3A_570 : i32 to vector<16xi32>
        %shift_right_logical3A_572 = arith.shrui %bitcast3A_569, %shift_right_logical3A_571 : vector<16xi32>
        %sub3A_573 = arith.constant 1597463007 : i32
        %sub3A_574 = vector.broadcast %sub3A_573 : i32 to vector<16xi32>
        %sub3A_575 = arith.subi %sub3A_574, %shift_right_logical3A_572 : vector<16xi32>
        %bitcast3A_576 = vector.bitcast %sub3A_575 : vector<16xi32> to vector<16xf32>
        %mul3A_577 = arith.constant 5.000000e-01 : f32
        %mul3A_578 = vector.broadcast %mul3A_577 : f32 to vector<16xf32>
        %mul3A_579 = arith.mulf %mul3A_578, %add3A_568 : vector<16xf32>
        %mul3A_580 = arith.mulf %mul3A_579, %bitcast3A_576 : vector<16xf32>
        %mul3A_581 = arith.mulf %mul3A_580, %bitcast3A_576 : vector<16xf32>
        %sub3A_582 = arith.constant 1.500000e+00 : f32
        %sub3A_583 = vector.broadcast %sub3A_582 : f32 to vector<16xf32>
        %sub3A_584 = arith.subf %sub3A_583, %mul3A_581 : vector<16xf32>
        %mul3A_585 = arith.mulf %bitcast3A_576, %sub3A_584 : vector<16xf32>
        %mul3A_586 = arith.constant 5.000000e-01 : f32
        %mul3A_587 = vector.broadcast %mul3A_586 : f32 to vector<16xf32>
        %mul3A_588 = arith.mulf %mul3A_587, %add3A_568 : vector<16xf32>
        %mul3A_589 = arith.mulf %mul3A_588, %mul3A_585 : vector<16xf32>
        %mul3A_590 = arith.mulf %mul3A_589, %mul3A_585 : vector<16xf32>
        %sub3A_591 = arith.constant 1.500000e+00 : f32
        %sub3A_592 = vector.broadcast %sub3A_591 : f32 to vector<16xf32>
        %sub3A_593 = arith.subf %sub3A_592, %mul3A_590 : vector<16xf32>
        %mul3A_594 = arith.mulf %mul3A_585, %sub3A_593 : vector<16xf32>
        %mul3A_595 = arith.mulf %mul3A_555, %mul3A_594 : vector<16xf32>
        %mul3A_596 = arith.mulf %mul3A_557, %mul3A_594 : vector<16xf32>
        %mul3A_597 = arith.mulf %mul3A_595, %gather3A_306 : vector<16xf32>
        %mul3A_598 = arith.mulf %mul3A_596, %gather3A_318 : vector<16xf32>
        %add3A_599 = arith.addf %mul3A_597, %mul3A_598 : vector<16xf32>
        %swap3A_600 = arith.constant 3 : i32
        %swap3A_601 = arith.index_cast %swap3A_600 : i32 to index
        %swap3A_602 = arith.index_cast %mul3A_263 : i32 to index
        %swap3A_603 = tpu.vector_load %arg11[%swap3A_601, %swap3A_602] {strides = array<i32>} : memref<8x256xf32, #tpu.memory_space<vmem>>, vector<16xf32>,
        tpu.vector_store %arg11[%swap3A_601, %swap3A_602], %add3A_599 {strides = array<i32>} : memref<8x256xf32, #tpu.memory_space<vmem>>, vector<16xf32>,
        %mul3A_604 = arith.mulf %mul3A_595, %gather3A_309 : vector<16xf32>
        %mul3A_605 = arith.mulf %mul3A_596, %gather3A_321 : vector<16xf32>
        %add3A_606 = arith.addf %mul3A_604, %mul3A_605 : vector<16xf32>
        %swap3A_607 = arith.constant 4 : i32
        %swap3A_608 = arith.index_cast %swap3A_607 : i32 to index
        %swap3A_609 = arith.index_cast %mul3A_263 : i32 to index
        %swap3A_610 = tpu.vector_load %arg11[%swap3A_608, %swap3A_609] {strides = array<i32>} : memref<8x256xf32, #tpu.memory_space<vmem>>, vector<16xf32>,
        tpu.vector_store %arg11[%swap3A_608, %swap3A_609], %add3A_606 {strides = array<i32>} : memref<8x256xf32, #tpu.memory_space<vmem>>, vector<16xf32>,
        %mul3A_611 = arith.mulf %mul3A_595, %gather3A_312 : vector<16xf32>
        %mul3A_612 = arith.mulf %mul3A_596, %gather3A_324 : vector<16xf32>
        %add3A_613 = arith.addf %mul3A_611, %mul3A_612 : vector<16xf32>
        %swap3A_614 = arith.constant 5 : i32
        %swap3A_615 = arith.index_cast %swap3A_614 : i32 to index
        %swap3A_616 = arith.index_cast %mul3A_263 : i32 to index
        %swap3A_617 = tpu.vector_load %arg11[%swap3A_615, %swap3A_616] {strides = array<i32>} : memref<8x256xf32, #tpu.memory_space<vmem>>, vector<16xf32>,
        tpu.vector_store %arg11[%swap3A_615, %swap3A_616], %add3A_613 {strides = array<i32>} : memref<8x256xf32, #tpu.memory_space<vmem>>, vector<16xf32>,
        %mul3A_618 = arith.mulf %mul3A_595, %gather3A_315 : vector<16xf32>
        %mul3A_619 = arith.mulf %mul3A_596, %gather3A_327 : vector<16xf32>
        %add3A_620 = arith.addf %mul3A_618, %mul3A_619 : vector<16xf32>
        %swap3A_621 = arith.constant 6 : i32
        %swap3A_622 = arith.index_cast %swap3A_621 : i32 to index
        %swap3A_623 = arith.index_cast %mul3A_263 : i32 to index
        %swap3A_624 = tpu.vector_load %arg11[%swap3A_622, %swap3A_623] {strides = array<i32>} : memref<8x256xf32, #tpu.memory_space<vmem>>, vector<16xf32>,
        tpu.vector_store %arg11[%swap3A_622, %swap3A_623], %add3A_620 {strides = array<i32>} : memref<8x256xf32, #tpu.memory_space<vmem>>, vector<16xf32>,
      }
      %scan3A_188 = arith.constant 16 : i32
      %dma_start3A_189 = arith.constant 0 : i32
      %dma_start3A_190 = tpu.memref_slice %arg6[%dma_start3A_189, %multiple_of3A_182] : memref<8x360448xf32, #tpu.memory_space<hbm>> -> memref<8x256xf32, #tpu.memory_space<hbm>>
      %dma_start3A_191 = arith.constant 0 : i32
      %dma_start3A_192 = tpu.memref_slice %arg6[%dma_start3A_191, %multiple_of3A_182] : memref<8x360448xf32, #tpu.memory_space<hbm>> -> memref<8x256xf32, #tpu.memory_space<hbm>>
      tpu.enqueue_dma source(%arg11 : memref<8x256xf32, #tpu.memory_space<vmem>>) target(%dma_start3A_192 : memref<8x256xf32, #tpu.memory_space<hbm>>) target_semaphore(%arg19 : memref<!tpu.dma_semaphore, #tpu.memory_space<semaphore_mem>>)
      %dma_wait3A_193 = arith.constant 0 : i32
      %dma_wait3A_194 = tpu.memref_slice %arg6[%dma_wait3A_193, %multiple_of3A_182] : memref<8x360448xf32, #tpu.memory_space<hbm>> -> memref<8x256xf32, #tpu.memory_space<hbm>>
      %dma_wait3A_195 = arith.constant 0 : i32
      %dma_wait3A_196 = tpu.memref_slice %arg6[%dma_wait3A_195, %multiple_of3A_182] : memref<8x360448xf32, #tpu.memory_space<hbm>> -> memref<8x256xf32, #tpu.memory_space<hbm>>
      tpu.wait_dma2 semaphore(%arg19 : memref<!tpu.dma_semaphore, #tpu.memory_space<semaphore_mem>>) src(%arg11 : memref<8x256xf32, #tpu.memory_space<vmem>>) dst(%dma_wait3A_196 : memref<8x256xf32, #tpu.memory_space<hbm>>)
      %add3A_197 = arith.constant 64 : i32
      %add3A_198 = arith.addi %add3A_134, %add3A_197 : i32
      %mul3A_199 = arith.constant 256 : i32
      %mul3A_200 = arith.muli %add3A_198, %mul3A_199 : i32
      %multiple_of3A_201 = tpu.assume_multiple %mul3A_200, 256 : i32
      %dma_start3A_202 = arith.constant 0 : i32
      %dma_start3A_203 = arith.constant 0 : i32
      %dma_start3A_204 = tpu.memref_slice %arg2[%dma_start3A_202, %dma_start3A_203, %multiple_of3A_201] : memref<3x32x500000xf32, #tpu.memory_space<hbm>> -> memref<3x32x256xf32, #tpu.memory_space<hbm>>
      %dma_start3A_205 = arith.constant 0 : i32
      %dma_start3A_206 = arith.constant 0 : i32
      %dma_start3A_207 = tpu.memref_slice %arg2[%dma_start3A_205, %dma_start3A_206, %multiple_of3A_201] : memref<3x32x500000xf32, #tpu.memory_space<hbm>> -> memref<3x32x256xf32, #tpu.memory_space<hbm>>
      tpu.enqueue_dma source(%dma_start3A_207 : memref<3x32x256xf32, #tpu.memory_space<hbm>>) target(%arg7 : memref<3x32x256xf32, #tpu.memory_space<vmem>>) target_semaphore(%arg17 : memref<!tpu.dma_semaphore, #tpu.memory_space<semaphore_mem>>)
      %dma_start3A_208 = arith.constant 0 : i32
      %dma_start3A_209 = arith.constant 0 : i32
      %dma_start3A_210 = tpu.memref_slice %arg3[%dma_start3A_208, %dma_start3A_209, %multiple_of3A_201] : memref<32x4x500000xf32, #tpu.memory_space<hbm>> -> memref<32x4x256xf32, #tpu.memory_space<hbm>>
      %dma_start3A_211 = arith.constant 0 : i32
      %dma_start3A_212 = arith.constant 0 : i32
      %dma_start3A_213 = tpu.memref_slice %arg3[%dma_start3A_211, %dma_start3A_212, %multiple_of3A_201] : memref<32x4x500000xf32, #tpu.memory_space<hbm>> -> memref<32x4x256xf32, #tpu.memory_space<hbm>>
      tpu.enqueue_dma source(%dma_start3A_213 : memref<32x4x256xf32, #tpu.memory_space<hbm>>) target(%arg8 : memref<32x4x256xf32, #tpu.memory_space<vmem>>) target_semaphore(%arg17 : memref<!tpu.dma_semaphore, #tpu.memory_space<semaphore_mem>>)
      %dma_start3A_214 = tpu.memref_slice %arg4[%multiple_of3A_201] : memref<500000xi32, #tpu.memory_space<hbm>> -> memref<256xi32, #tpu.memory_space<hbm>>
      %dma_start3A_215 = tpu.memref_slice %arg4[%multiple_of3A_201] : memref<500000xi32, #tpu.memory_space<hbm>> -> memref<256xi32, #tpu.memory_space<hbm>>
      tpu.enqueue_dma source(%dma_start3A_215 : memref<256xi32, #tpu.memory_space<hbm>>) target(%arg9 : memref<256xi32, #tpu.memory_space<vmem>>) target_semaphore(%arg17 : memref<!tpu.dma_semaphore, #tpu.memory_space<semaphore_mem>>)
      %dma_start3A_216 = tpu.memref_slice %arg5[%multiple_of3A_201] : memref<500000xf32, #tpu.memory_space<hbm>> -> memref<256xf32, #tpu.memory_space<hbm>>
      %dma_start3A_217 = tpu.memref_slice %arg5[%multiple_of3A_201] : memref<500000xf32, #tpu.memory_space<hbm>> -> memref<256xf32, #tpu.memory_space<hbm>>
      tpu.enqueue_dma source(%dma_start3A_217 : memref<256xf32, #tpu.memory_space<hbm>>) target(%arg10 : memref<256xf32, #tpu.memory_space<vmem>>) target_semaphore(%arg17 : memref<!tpu.dma_semaphore, #tpu.memory_space<semaphore_mem>>)
      %dma_wait3A_218 = arith.constant 0 : i32
      %dma_wait3A_219 = arith.constant 0 : i32
      %dma_wait3A_220 = arith.constant 0 : i32
      %dma_wait3A_221 = tpu.memref_slice %arg2[%dma_wait3A_218, %dma_wait3A_219, %dma_wait3A_220] : memref<3x32x500000xf32, #tpu.memory_space<hbm>> -> memref<3x32x256xf32, #tpu.memory_space<hbm>>
      %dma_wait3A_222 = arith.constant 0 : i32
      %dma_wait3A_223 = arith.constant 0 : i32
      %dma_wait3A_224 = arith.constant 0 : i32
      %dma_wait3A_225 = tpu.memref_slice %arg2[%dma_wait3A_222, %dma_wait3A_223, %dma_wait3A_224] : memref<3x32x500000xf32, #tpu.memory_space<hbm>> -> memref<3x32x256xf32, #tpu.memory_space<hbm>>
      tpu.wait_dma2 semaphore(%arg18 : memref<!tpu.dma_semaphore, #tpu.memory_space<semaphore_mem>>) src(%dma_wait3A_225 : memref<3x32x256xf32, #tpu.memory_space<hbm>>) dst(%arg12 : memref<3x32x256xf32, #tpu.memory_space<vmem>>)
      %dma_wait3A_226 = arith.constant 0 : i32
      %dma_wait3A_227 = arith.constant 0 : i32
      %dma_wait3A_228 = arith.constant 0 : i32
      %dma_wait3A_229 = tpu.memref_slice %arg3[%dma_wait3A_226, %dma_wait3A_227, %dma_wait3A_228] : memref<32x4x500000xf32, #tpu.memory_space<hbm>> -> memref<32x4x256xf32, #tpu.memory_space<hbm>>
      %dma_wait3A_230 = arith.constant 0 : i32
      %dma_wait3A_231 = arith.constant 0 : i32
      %dma_wait3A_232 = arith.constant 0 : i32
      %dma_wait3A_233 = tpu.memref_slice %arg3[%dma_wait3A_230, %dma_wait3A_231, %dma_wait3A_232] : memref<32x4x500000xf32, #tpu.memory_space<hbm>> -> memref<32x4x256xf32, #tpu.memory_space<hbm>>
      tpu.wait_dma2 semaphore(%arg18 : memref<!tpu.dma_semaphore, #tpu.memory_space<semaphore_mem>>) src(%dma_wait3A_233 : memref<32x4x256xf32, #tpu.memory_space<hbm>>) dst(%arg13 : memref<32x4x256xf32, #tpu.memory_space<vmem>>)
      %dma_wait3A_234 = arith.constant 0 : i32
      %dma_wait3A_235 = tpu.memref_slice %arg4[%dma_wait3A_234] : memref<500000xi32, #tpu.memory_space<hbm>> -> memref<256xi32, #tpu.memory_space<hbm>>
      %dma_wait3A_236 = arith.constant 0 : i32
      %dma_wait3A_237 = tpu.memref_slice %arg4[%dma_wait3A_236] : memref<500000xi32, #tpu.memory_space<hbm>> -> memref<256xi32, #tpu.memory_space<hbm>>
      tpu.wait_dma2 semaphore(%arg18 : memref<!tpu.dma_semaphore, #tpu.memory_space<semaphore_mem>>) src(%dma_wait3A_237 : memref<256xi32, #tpu.memory_space<hbm>>) dst(%arg14 : memref<256xi32, #tpu.memory_space<vmem>>)
      %dma_wait3A_238 = arith.constant 0 : i32
      %dma_wait3A_239 = tpu.memref_slice %arg5[%dma_wait3A_238] : memref<500000xf32, #tpu.memory_space<hbm>> -> memref<256xf32, #tpu.memory_space<hbm>>
      %dma_wait3A_240 = arith.constant 0 : i32
      %dma_wait3A_241 = tpu.memref_slice %arg5[%dma_wait3A_240] : memref<500000xf32, #tpu.memory_space<hbm>> -> memref<256xf32, #tpu.memory_space<hbm>>
      tpu.wait_dma2 semaphore(%arg18 : memref<!tpu.dma_semaphore, #tpu.memory_space<semaphore_mem>>) src(%dma_wait3A_241 : memref<256xf32, #tpu.memory_space<hbm>>) dst(%arg15 : memref<256xf32, #tpu.memory_space<vmem>>)
      %add3A_242 = arith.constant 32 : i32
      %add3A_243 = arith.addi %add3A_134, %add3A_242 : i32
      %mul3A_244 = arith.constant 256 : i32
      %mul3A_245 = arith.muli %add3A_243, %mul3A_244 : i32
      %multiple_of3A_246 = tpu.assume_multiple %mul3A_245, 256 : i32
      %scan3A_247 = arith.constant 0 : i32
      %scan3A_248 = arith.constant 0 : i32
      %scan3A_249 = arith.constant 16 : i32
      %scan3A_250 = arith.addi %scan3A_248, %scan3A_249 : i32
      %scan3A_251 = arith.constant 1 : i32
      scf.for %scan3A_261 = %scan3A_248 to %scan3A_250 step %scan3A_251  : i32 {
        %mul3A_262 = arith.constant 16 : i32
        %mul3A_263 = arith.muli %scan3A_261, %mul3A_262 : i32
        %add3A_264 = vector.broadcast %mul3A_263 : i32 to vector<16xi32>
        %add3A_265 = arith.addi %add3A_264, %iota3A : vector<16xi32>
        %get3A = arith.index_cast %mul3A_263 : i32 to index
        %get3A_266 = tpu.vector_load %arg14[%get3A] {strides = array<i32>} : memref<256xi32, #tpu.memory_space<vmem>>, vector<16xi32>,
        %get3A_267 = arith.index_cast %mul3A_263 : i32 to index
        %get3A_268 = tpu.vector_load %arg15[%get3A_267] {strides = array<i32>} : memref<256xf32, #tpu.memory_space<vmem>>, vector<16xf32>,
        %add3A_269 = arith.constant 1 : i32
        %add3A_270 = vector.broadcast %add3A_269 : i32 to vector<16xi32>
        %add3A_271 = arith.addi %get3A_266, %add3A_270 : vector<16xi32>
        %sub3A = arith.constant 1.000000e+00 : f32
        %sub3A_272 = vector.broadcast %sub3A : f32 to vector<16xf32>
        %sub3A_273 = arith.subf %sub3A_272, %get3A_268 : vector<16xf32>
        %broadcast_in_dim3A = arith.constant 0 : i32
        %broadcast_in_dim3A_274 = vector.broadcast %broadcast_in_dim3A : i32 to vector<16xi32>
        %gather3A = tpu.vector_load_idx %arg12[%broadcast_in_dim3A_274, %get3A_266, %add3A_265] : memref<3x32x256xf32, #tpu.memory_space<vmem>>[vector<16xi32>, vector<16xi32>, vector<16xi32>], vector<16xf32>,
        %gather3A_275 = tpu.vector_load_idx %arg12[%broadcast_in_dim3A_274, %add3A_271, %add3A_265] : memref<3x32x256xf32, #tpu.memory_space<vmem>>[vector<16xi32>, vector<16xi32>, vector<16xi32>], vector<16xf32>,
        %mul3A_276 = arith.mulf %sub3A_273, %gather3A : vector<16xf32>
        %mul3A_277 = arith.mulf %get3A_268, %gather3A_275 : vector<16xf32>
        %add3A_278 = arith.addf %mul3A_276, %mul3A_277 : vector<16xf32>
        %swap3A = arith.constant 0 : i32
        %swap3A_279 = arith.index_cast %swap3A : i32 to index
        %swap3A_280 = arith.index_cast %mul3A_263 : i32 to index
        %swap3A_281 = tpu.vector_load %arg16[%swap3A_279, %swap3A_280] {strides = array<i32>} : memref<8x256xf32, #tpu.memory_space<vmem>>, vector<16xf32>,
        tpu.vector_store %arg16[%swap3A_279, %swap3A_280], %add3A_278 {strides = array<i32>} : memref<8x256xf32, #tpu.memory_space<vmem>>, vector<16xf32>,
        %broadcast_in_dim3A_282 = arith.constant 1 : i32
        %broadcast_in_dim3A_283 = vector.broadcast %broadcast_in_dim3A_282 : i32 to vector<16xi32>
        %gather3A_284 = tpu.vector_load_idx %arg12[%broadcast_in_dim3A_283, %get3A_266, %add3A_265] : memref<3x32x256xf32, #tpu.memory_space<vmem>>[vector<16xi32>, vector<16xi32>, vector<16xi32>], vector<16xf32>,
        %gather3A_285 = tpu.vector_load_idx %arg12[%broadcast_in_dim3A_283, %add3A_271, %add3A_265] : memref<3x32x256xf32, #tpu.memory_space<vmem>>[vector<16xi32>, vector<16xi32>, vector<16xi32>], vector<16xf32>,
        %mul3A_286 = arith.mulf %sub3A_273, %gather3A_284 : vector<16xf32>
        %mul3A_287 = arith.mulf %get3A_268, %gather3A_285 : vector<16xf32>
        %add3A_288 = arith.addf %mul3A_286, %mul3A_287 : vector<16xf32>
        %swap3A_289 = arith.constant 1 : i32
        %swap3A_290 = arith.index_cast %swap3A_289 : i32 to index
        %swap3A_291 = arith.index_cast %mul3A_263 : i32 to index
        %swap3A_292 = tpu.vector_load %arg16[%swap3A_290, %swap3A_291] {strides = array<i32>} : memref<8x256xf32, #tpu.memory_space<vmem>>, vector<16xf32>,
        tpu.vector_store %arg16[%swap3A_290, %swap3A_291], %add3A_288 {strides = array<i32>} : memref<8x256xf32, #tpu.memory_space<vmem>>, vector<16xf32>,
        %broadcast_in_dim3A_293 = arith.constant 2 : i32
        %broadcast_in_dim3A_294 = vector.broadcast %broadcast_in_dim3A_293 : i32 to vector<16xi32>
        %gather3A_295 = tpu.vector_load_idx %arg12[%broadcast_in_dim3A_294, %get3A_266, %add3A_265] : memref<3x32x256xf32, #tpu.memory_space<vmem>>[vector<16xi32>, vector<16xi32>, vector<16xi32>], vector<16xf32>,
        %gather3A_296 = tpu.vector_load_idx %arg12[%broadcast_in_dim3A_294, %add3A_271, %add3A_265] : memref<3x32x256xf32, #tpu.memory_space<vmem>>[vector<16xi32>, vector<16xi32>, vector<16xi32>], vector<16xf32>,
        %mul3A_297 = arith.mulf %sub3A_273, %gather3A_295 : vector<16xf32>
        %mul3A_298 = arith.mulf %get3A_268, %gather3A_296 : vector<16xf32>
        %add3A_299 = arith.addf %mul3A_297, %mul3A_298 : vector<16xf32>
        %swap3A_300 = arith.constant 2 : i32
        %swap3A_301 = arith.index_cast %swap3A_300 : i32 to index
        %swap3A_302 = arith.index_cast %mul3A_263 : i32 to index
        %swap3A_303 = tpu.vector_load %arg16[%swap3A_301, %swap3A_302] {strides = array<i32>} : memref<8x256xf32, #tpu.memory_space<vmem>>, vector<16xf32>,
        tpu.vector_store %arg16[%swap3A_301, %swap3A_302], %add3A_299 {strides = array<i32>} : memref<8x256xf32, #tpu.memory_space<vmem>>, vector<16xf32>,
        %broadcast_in_dim3A_304 = arith.constant 0 : i32
        %broadcast_in_dim3A_305 = vector.broadcast %broadcast_in_dim3A_304 : i32 to vector<16xi32>
        %gather3A_306 = tpu.vector_load_idx %arg13[%get3A_266, %broadcast_in_dim3A_305, %add3A_265] : memref<32x4x256xf32, #tpu.memory_space<vmem>>[vector<16xi32>, vector<16xi32>, vector<16xi32>], vector<16xf32>,
        %broadcast_in_dim3A_307 = arith.constant 1 : i32
        %broadcast_in_dim3A_308 = vector.broadcast %broadcast_in_dim3A_307 : i32 to vector<16xi32>
        %gather3A_309 = tpu.vector_load_idx %arg13[%get3A_266, %broadcast_in_dim3A_308, %add3A_265] : memref<32x4x256xf32, #tpu.memory_space<vmem>>[vector<16xi32>, vector<16xi32>, vector<16xi32>], vector<16xf32>,
        %broadcast_in_dim3A_310 = arith.constant 2 : i32
        %broadcast_in_dim3A_311 = vector.broadcast %broadcast_in_dim3A_310 : i32 to vector<16xi32>
        %gather3A_312 = tpu.vector_load_idx %arg13[%get3A_266, %broadcast_in_dim3A_311, %add3A_265] : memref<32x4x256xf32, #tpu.memory_space<vmem>>[vector<16xi32>, vector<16xi32>, vector<16xi32>], vector<16xf32>,
        %broadcast_in_dim3A_313 = arith.constant 3 : i32
        %broadcast_in_dim3A_314 = vector.broadcast %broadcast_in_dim3A_313 : i32 to vector<16xi32>
        %gather3A_315 = tpu.vector_load_idx %arg13[%get3A_266, %broadcast_in_dim3A_314, %add3A_265] : memref<32x4x256xf32, #tpu.memory_space<vmem>>[vector<16xi32>, vector<16xi32>, vector<16xi32>], vector<16xf32>,
        %broadcast_in_dim3A_316 = arith.constant 0 : i32
        %broadcast_in_dim3A_317 = vector.broadcast %broadcast_in_dim3A_316 : i32 to vector<16xi32>
        %gather3A_318 = tpu.vector_load_idx %arg13[%add3A_271, %broadcast_in_dim3A_317, %add3A_265] : memref<32x4x256xf32, #tpu.memory_space<vmem>>[vector<16xi32>, vector<16xi32>, vector<16xi32>], vector<16xf32>,
        %broadcast_in_dim3A_319 = arith.constant 1 : i32
        %broadcast_in_dim3A_320 = vector.broadcast %broadcast_in_dim3A_319 : i32 to vector<16xi32>
        %gather3A_321 = tpu.vector_load_idx %arg13[%add3A_271, %broadcast_in_dim3A_320, %add3A_265] : memref<32x4x256xf32, #tpu.memory_space<vmem>>[vector<16xi32>, vector<16xi32>, vector<16xi32>], vector<16xf32>,
        %broadcast_in_dim3A_322 = arith.constant 2 : i32
        %broadcast_in_dim3A_323 = vector.broadcast %broadcast_in_dim3A_322 : i32 to vector<16xi32>
        %gather3A_324 = tpu.vector_load_idx %arg13[%add3A_271, %broadcast_in_dim3A_323, %add3A_265] : memref<32x4x256xf32, #tpu.memory_space<vmem>>[vector<16xi32>, vector<16xi32>, vector<16xi32>], vector<16xf32>,
        %broadcast_in_dim3A_325 = arith.constant 3 : i32
        %broadcast_in_dim3A_326 = vector.broadcast %broadcast_in_dim3A_325 : i32 to vector<16xi32>
        %gather3A_327 = tpu.vector_load_idx %arg13[%add3A_271, %broadcast_in_dim3A_326, %add3A_265] : memref<32x4x256xf32, #tpu.memory_space<vmem>>[vector<16xi32>, vector<16xi32>, vector<16xi32>], vector<16xf32>,
        %mul3A_328 = arith.mulf %gather3A_306, %gather3A_306 : vector<16xf32>
        %mul3A_329 = arith.mulf %gather3A_309, %gather3A_309 : vector<16xf32>
        %add3A_330 = arith.addf %mul3A_328, %mul3A_329 : vector<16xf32>
        %mul3A_331 = arith.mulf %gather3A_312, %gather3A_312 : vector<16xf32>
        %add3A_332 = arith.addf %add3A_330, %mul3A_331 : vector<16xf32>
        %mul3A_333 = arith.mulf %gather3A_315, %gather3A_315 : vector<16xf32>
        %add3A_334 = arith.addf %add3A_332, %mul3A_333 : vector<16xf32>
        %mul3A_335 = arith.mulf %gather3A_318, %gather3A_318 : vector<16xf32>
        %mul3A_336 = arith.mulf %gather3A_321, %gather3A_321 : vector<16xf32>
        %add3A_337 = arith.addf %mul3A_335, %mul3A_336 : vector<16xf32>
        %mul3A_338 = arith.mulf %gather3A_324, %gather3A_324 : vector<16xf32>
        %add3A_339 = arith.addf %add3A_337, %mul3A_338 : vector<16xf32>
        %mul3A_340 = arith.mulf %gather3A_327, %gather3A_327 : vector<16xf32>
        %add3A_341 = arith.addf %add3A_339, %mul3A_340 : vector<16xf32>
        %mul3A_342 = arith.mulf %gather3A_306, %gather3A_318 : vector<16xf32>
        %mul3A_343 = arith.mulf %gather3A_309, %gather3A_321 : vector<16xf32>
        %add3A_344 = arith.addf %mul3A_342, %mul3A_343 : vector<16xf32>
        %mul3A_345 = arith.mulf %gather3A_312, %gather3A_324 : vector<16xf32>
        %add3A_346 = arith.addf %add3A_344, %mul3A_345 : vector<16xf32>
        %mul3A_347 = arith.mulf %gather3A_315, %gather3A_327 : vector<16xf32>
        %add3A_348 = arith.addf %add3A_346, %mul3A_347 : vector<16xf32>
        %bitcast3A = vector.bitcast %add3A_334 : vector<16xf32> to vector<16xi32>
        %shift_right_logical3A = arith.constant 1 : i32
        %shift_right_logical3A_349 = vector.broadcast %shift_right_logical3A : i32 to vector<16xi32>
        %shift_right_logical3A_350 = arith.shrui %bitcast3A, %shift_right_logical3A_349 : vector<16xi32>
        %sub3A_351 = arith.constant 1597463007 : i32
        %sub3A_352 = vector.broadcast %sub3A_351 : i32 to vector<16xi32>
        %sub3A_353 = arith.subi %sub3A_352, %shift_right_logical3A_350 : vector<16xi32>
        %bitcast3A_354 = vector.bitcast %sub3A_353 : vector<16xi32> to vector<16xf32>
        %mul3A_355 = arith.constant 5.000000e-01 : f32
        %mul3A_356 = vector.broadcast %mul3A_355 : f32 to vector<16xf32>
        %mul3A_357 = arith.mulf %mul3A_356, %add3A_334 : vector<16xf32>
        %mul3A_358 = arith.mulf %mul3A_357, %bitcast3A_354 : vector<16xf32>
        %mul3A_359 = arith.mulf %mul3A_358, %bitcast3A_354 : vector<16xf32>
        %sub3A_360 = arith.constant 1.500000e+00 : f32
        %sub3A_361 = vector.broadcast %sub3A_360 : f32 to vector<16xf32>
        %sub3A_362 = arith.subf %sub3A_361, %mul3A_359 : vector<16xf32>
        %mul3A_363 = arith.mulf %bitcast3A_354, %sub3A_362 : vector<16xf32>
        %mul3A_364 = arith.constant 5.000000e-01 : f32
        %mul3A_365 = vector.broadcast %mul3A_364 : f32 to vector<16xf32>
        %mul3A_366 = arith.mulf %mul3A_365, %add3A_334 : vector<16xf32>
        %mul3A_367 = arith.mulf %mul3A_366, %mul3A_363 : vector<16xf32>
        %mul3A_368 = arith.mulf %mul3A_367, %mul3A_363 : vector<16xf32>
        %sub3A_369 = arith.constant 1.500000e+00 : f32
        %sub3A_370 = vector.broadcast %sub3A_369 : f32 to vector<16xf32>
        %sub3A_371 = arith.subf %sub3A_370, %mul3A_368 : vector<16xf32>
        %mul3A_372 = arith.mulf %mul3A_363, %sub3A_371 : vector<16xf32>
        %bitcast3A_373 = vector.bitcast %add3A_341 : vector<16xf32> to vector<16xi32>
        %shift_right_logical3A_374 = arith.constant 1 : i32
        %shift_right_logical3A_375 = vector.broadcast %shift_right_logical3A_374 : i32 to vector<16xi32>
        %shift_right_logical3A_376 = arith.shrui %bitcast3A_373, %shift_right_logical3A_375 : vector<16xi32>
        %sub3A_377 = arith.constant 1597463007 : i32
        %sub3A_378 = vector.broadcast %sub3A_377 : i32 to vector<16xi32>
        %sub3A_379 = arith.subi %sub3A_378, %shift_right_logical3A_376 : vector<16xi32>
        %bitcast3A_380 = vector.bitcast %sub3A_379 : vector<16xi32> to vector<16xf32>
        %mul3A_381 = arith.constant 5.000000e-01 : f32
        %mul3A_382 = vector.broadcast %mul3A_381 : f32 to vector<16xf32>
        %mul3A_383 = arith.mulf %mul3A_382, %add3A_341 : vector<16xf32>
        %mul3A_384 = arith.mulf %mul3A_383, %bitcast3A_380 : vector<16xf32>
        %mul3A_385 = arith.mulf %mul3A_384, %bitcast3A_380 : vector<16xf32>
        %sub3A_386 = arith.constant 1.500000e+00 : f32
        %sub3A_387 = vector.broadcast %sub3A_386 : f32 to vector<16xf32>
        %sub3A_388 = arith.subf %sub3A_387, %mul3A_385 : vector<16xf32>
        %mul3A_389 = arith.mulf %bitcast3A_380, %sub3A_388 : vector<16xf32>
        %mul3A_390 = arith.constant 5.000000e-01 : f32
        %mul3A_391 = vector.broadcast %mul3A_390 : f32 to vector<16xf32>
        %mul3A_392 = arith.mulf %mul3A_391, %add3A_341 : vector<16xf32>
        %mul3A_393 = arith.mulf %mul3A_392, %mul3A_389 : vector<16xf32>
        %mul3A_394 = arith.mulf %mul3A_393, %mul3A_389 : vector<16xf32>
        %sub3A_395 = arith.constant 1.500000e+00 : f32
        %sub3A_396 = vector.broadcast %sub3A_395 : f32 to vector<16xf32>
        %sub3A_397 = arith.subf %sub3A_396, %mul3A_394 : vector<16xf32>
        %mul3A_398 = arith.mulf %mul3A_389, %sub3A_397 : vector<16xf32>
        %mul3A_399 = arith.mulf %add3A_348, %mul3A_372 : vector<16xf32>
        %mul3A_400 = arith.mulf %mul3A_399, %mul3A_398 : vector<16xf32>
        %lt3A = arith.constant 0.000000e+00 : f32
        %lt3A_401 = vector.broadcast %lt3A : f32 to vector<16xf32>
        %lt3A_402 = arith.cmpf olt, %mul3A_400, %lt3A_401 : vector<16xf32>
        %jit3A = arith.constant -1.000000e+00 : f32
        %jit3A_403 = arith.constant 1.000000e+00 : f32
        %broadcast_in_dim3A_404 = vector.broadcast %jit3A : f32 to vector<16xf32>
        %broadcast_in_dim3A_405 = vector.broadcast %jit3A_403 : f32 to vector<16xf32>
        %select_n3A = arith.select %lt3A_402, %broadcast_in_dim3A_404, %broadcast_in_dim3A_405 : vector<16xi1>, vector<16xf32>
        %abs3A = math.absf %mul3A_400 : vector<16xf32>
        %jit3A_406 = arith.constant 0.000000e+00 : f32
        %jit3A_407 = arith.constant 0.99999988 : f32
        %max3A = vector.broadcast %jit3A_406 : f32 to vector<16xf32>
        %max3A_408 = arith.maximumf %max3A, %abs3A : vector<16xf32>
        %min3A = vector.broadcast %jit3A_407 : f32 to vector<16xf32>
        %min3A_409 = arith.minimumf %min3A, %max3A_408 : vector<16xf32>
        %sub3A_410 = arith.constant 1.000000e+00 : f32
        %sub3A_411 = vector.broadcast %sub3A_410 : f32 to vector<16xf32>
        %sub3A_412 = arith.subf %sub3A_411, %min3A_409 : vector<16xf32>
        %max3A_413 = arith.constant 9.99999993E-9 : f32
        %max3A_414 = vector.broadcast %max3A_413 : f32 to vector<16xf32>
        %max3A_415 = arith.maximumf %sub3A_412, %max3A_414 : vector<16xf32>
        %bitcast3A_416 = vector.bitcast %max3A_415 : vector<16xf32> to vector<16xi32>
        %shift_right_logical3A_417 = arith.constant 1 : i32
        %shift_right_logical3A_418 = vector.broadcast %shift_right_logical3A_417 : i32 to vector<16xi32>
        %shift_right_logical3A_419 = arith.shrui %bitcast3A_416, %shift_right_logical3A_418 : vector<16xi32>
        %sub3A_420 = arith.constant 1597463007 : i32
        %sub3A_421 = vector.broadcast %sub3A_420 : i32 to vector<16xi32>
        %sub3A_422 = arith.subi %sub3A_421, %shift_right_logical3A_419 : vector<16xi32>
        %bitcast3A_423 = vector.bitcast %sub3A_422 : vector<16xi32> to vector<16xf32>
        %mul3A_424 = arith.constant 5.000000e-01 : f32
        %mul3A_425 = vector.broadcast %mul3A_424 : f32 to vector<16xf32>
        %mul3A_426 = arith.mulf %mul3A_425, %max3A_415 : vector<16xf32>
        %mul3A_427 = arith.mulf %mul3A_426, %bitcast3A_423 : vector<16xf32>
        %mul3A_428 = arith.mulf %mul3A_427, %bitcast3A_423 : vector<16xf32>
        %sub3A_429 = arith.constant 1.500000e+00 : f32
        %sub3A_430 = vector.broadcast %sub3A_429 : f32 to vector<16xf32>
        %sub3A_431 = arith.subf %sub3A_430, %mul3A_428 : vector<16xf32>
        %mul3A_432 = arith.mulf %bitcast3A_423, %sub3A_431 : vector<16xf32>
        %mul3A_433 = arith.constant 5.000000e-01 : f32
        %mul3A_434 = vector.broadcast %mul3A_433 : f32 to vector<16xf32>
        %mul3A_435 = arith.mulf %mul3A_434, %max3A_415 : vector<16xf32>
        %mul3A_436 = arith.mulf %mul3A_435, %mul3A_432 : vector<16xf32>
        %mul3A_437 = arith.mulf %mul3A_436, %mul3A_432 : vector<16xf32>
        %sub3A_438 = arith.constant 1.500000e+00 : f32
        %sub3A_439 = vector.broadcast %sub3A_438 : f32 to vector<16xf32>
        %sub3A_440 = arith.subf %sub3A_439, %mul3A_437 : vector<16xf32>
        %mul3A_441 = arith.mulf %mul3A_432, %sub3A_440 : vector<16xf32>
        %mul3A_442 = arith.mulf %max3A_415, %mul3A_441 : vector<16xf32>
        %mul3A_443 = arith.constant -0.0012624911 : f32
        %mul3A_444 = vector.broadcast %mul3A_443 : f32 to vector<16xf32>
        %mul3A_445 = arith.mulf %mul3A_444, %min3A_409 : vector<16xf32>
        %add3A_446 = arith.constant 6.670090e-03 : f32
        %add3A_447 = vector.broadcast %add3A_446 : f32 to vector<16xf32>
        %add3A_448 = arith.addf %mul3A_445, %add3A_447 : vector<16xf32>
        %mul3A_449 = arith.mulf %add3A_448, %min3A_409 : vector<16xf32>
        %add3A_450 = arith.constant -0.0170881264 : f32
        %add3A_451 = vector.broadcast %add3A_450 : f32 to vector<16xf32>
        %add3A_452 = arith.addf %mul3A_449, %add3A_451 : vector<16xf32>
        %mul3A_453 = arith.mulf %add3A_452, %min3A_409 : vector<16xf32>
        %add3A_454 = arith.constant 0.0308918804 : f32
        %add3A_455 = vector.broadcast %add3A_454 : f32 to vector<16xf32>
        %add3A_456 = arith.addf %mul3A_453, %add3A_455 : vector<16xf32>
        %mul3A_457 = arith.mulf %add3A_456, %min3A_409 : vector<16xf32>
        %add3A_458 = arith.constant -0.0501743034 : f32
        %add3A_459 = vector.broadcast %add3A_458 : f32 to vector<16xf32>
        %add3A_460 = arith.addf %mul3A_457, %add3A_459 : vector<16xf32>
        %mul3A_461 = arith.mulf %add3A_460, %min3A_409 : vector<16xf32>
        %add3A_462 = arith.constant 0.0889789909 : f32
        %add3A_463 = vector.broadcast %add3A_462 : f32 to vector<16xf32>
        %add3A_464 = arith.addf %mul3A_461, %add3A_463 : vector<16xf32>
        %mul3A_465 = arith.mulf %add3A_464, %min3A_409 : vector<16xf32>
        %add3A_466 = arith.constant -0.214598805 : f32
        %add3A_467 = vector.broadcast %add3A_466 : f32 to vector<16xf32>
        %add3A_468 = arith.addf %mul3A_465, %add3A_467 : vector<16xf32>
        %mul3A_469 = arith.mulf %add3A_468, %min3A_409 : vector<16xf32>
        %add3A_470 = arith.constant 1.57079625 : f32
        %add3A_471 = vector.broadcast %add3A_470 : f32 to vector<16xf32>
        %add3A_472 = arith.addf %mul3A_469, %add3A_471 : vector<16xf32>
        %mul3A_473 = arith.mulf %mul3A_442, %add3A_472 : vector<16xf32>
        %mul3A_474 = arith.mulf %min3A_409, %min3A_409 : vector<16xf32>
        %sub3A_475 = arith.constant 1.000000e+00 : f32
        %sub3A_476 = vector.broadcast %sub3A_475 : f32 to vector<16xf32>
        %sub3A_477 = arith.subf %sub3A_476, %mul3A_474 : vector<16xf32>
        %max3A_478 = arith.constant 9.99999993E-9 : f32
        %max3A_479 = vector.broadcast %max3A_478 : f32 to vector<16xf32>
        %max3A_480 = arith.maximumf %sub3A_477, %max3A_479 : vector<16xf32>
        %bitcast3A_481 = vector.bitcast %max3A_480 : vector<16xf32> to vector<16xi32>
        %shift_right_logical3A_482 = arith.constant 1 : i32
        %shift_right_logical3A_483 = vector.broadcast %shift_right_logical3A_482 : i32 to vector<16xi32>
        %shift_right_logical3A_484 = arith.shrui %bitcast3A_481, %shift_right_logical3A_483 : vector<16xi32>
        %sub3A_485 = arith.constant 1597463007 : i32
        %sub3A_486 = vector.broadcast %sub3A_485 : i32 to vector<16xi32>
        %sub3A_487 = arith.subi %sub3A_486, %shift_right_logical3A_484 : vector<16xi32>
        %bitcast3A_488 = vector.bitcast %sub3A_487 : vector<16xi32> to vector<16xf32>
        %mul3A_489 = arith.constant 5.000000e-01 : f32
        %mul3A_490 = vector.broadcast %mul3A_489 : f32 to vector<16xf32>
        %mul3A_491 = arith.mulf %mul3A_490, %max3A_480 : vector<16xf32>
        %mul3A_492 = arith.mulf %mul3A_491, %bitcast3A_488 : vector<16xf32>
        %mul3A_493 = arith.mulf %mul3A_492, %bitcast3A_488 : vector<16xf32>
        %sub3A_494 = arith.constant 1.500000e+00 : f32
        %sub3A_495 = vector.broadcast %sub3A_494 : f32 to vector<16xf32>
        %sub3A_496 = arith.subf %sub3A_495, %mul3A_493 : vector<16xf32>
        %mul3A_497 = arith.mulf %bitcast3A_488, %sub3A_496 : vector<16xf32>
        %mul3A_498 = arith.constant 5.000000e-01 : f32
        %mul3A_499 = vector.broadcast %mul3A_498 : f32 to vector<16xf32>
        %mul3A_500 = arith.mulf %mul3A_499, %max3A_480 : vector<16xf32>
        %mul3A_501 = arith.mulf %mul3A_500, %mul3A_497 : vector<16xf32>
        %mul3A_502 = arith.mulf %mul3A_501, %mul3A_497 : vector<16xf32>
        %sub3A_503 = arith.constant 1.500000e+00 : f32
        %sub3A_504 = vector.broadcast %sub3A_503 : f32 to vector<16xf32>
        %sub3A_505 = arith.subf %sub3A_504, %mul3A_502 : vector<16xf32>
        %mul3A_506 = arith.mulf %mul3A_497, %sub3A_505 : vector<16xf32>
        %mul3A_507 = arith.mulf %max3A_480, %mul3A_506 : vector<16xf32>
        %mul3A_508 = arith.mulf %sub3A_273, %mul3A_473 : vector<16xf32>
        %mul3A_509 = arith.mulf %mul3A_508, %mul3A_508 : vector<16xf32>
        %mul3A_510 = arith.constant 2.75573188E-6 : f32
        %mul3A_511 = vector.broadcast %mul3A_510 : f32 to vector<16xf32>
        %mul3A_512 = arith.mulf %mul3A_511, %mul3A_509 : vector<16xf32>
        %add3A_513 = arith.constant -1.98412701E-4 : f32
        %add3A_514 = vector.broadcast %add3A_513 : f32 to vector<16xf32>
        %add3A_515 = arith.addf %mul3A_512, %add3A_514 : vector<16xf32>
        %mul3A_516 = arith.mulf %add3A_515, %mul3A_509 : vector<16xf32>
        %add3A_517 = arith.constant 0.00833333377 : f32
        %add3A_518 = vector.broadcast %add3A_517 : f32 to vector<16xf32>
        %add3A_519 = arith.addf %mul3A_516, %add3A_518 : vector<16xf32>
        %mul3A_520 = arith.mulf %add3A_519, %mul3A_509 : vector<16xf32>
        %add3A_521 = arith.constant -0.166666672 : f32
        %add3A_522 = vector.broadcast %add3A_521 : f32 to vector<16xf32>
        %add3A_523 = arith.addf %mul3A_520, %add3A_522 : vector<16xf32>
        %mul3A_524 = arith.mulf %add3A_523, %mul3A_509 : vector<16xf32>
        %add3A_525 = arith.constant 1.000000e+00 : f32
        %add3A_526 = vector.broadcast %add3A_525 : f32 to vector<16xf32>
        %add3A_527 = arith.addf %mul3A_524, %add3A_526 : vector<16xf32>
        %mul3A_528 = arith.mulf %mul3A_508, %add3A_527 : vector<16xf32>
        %div3A = arith.divf %mul3A_528, %mul3A_507 : vector<16xf32>
        %mul3A_529 = arith.mulf %get3A_268, %mul3A_473 : vector<16xf32>
        %mul3A_530 = arith.mulf %mul3A_529, %mul3A_529 : vector<16xf32>
        %mul3A_531 = arith.constant 2.75573188E-6 : f32
        %mul3A_532 = vector.broadcast %mul3A_531 : f32 to vector<16xf32>
        %mul3A_533 = arith.mulf %mul3A_532, %mul3A_530 : vector<16xf32>
        %add3A_534 = arith.constant -1.98412701E-4 : f32
        %add3A_535 = vector.broadcast %add3A_534 : f32 to vector<16xf32>
        %add3A_536 = arith.addf %mul3A_533, %add3A_535 : vector<16xf32>
        %mul3A_537 = arith.mulf %add3A_536, %mul3A_530 : vector<16xf32>
        %add3A_538 = arith.constant 0.00833333377 : f32
        %add3A_539 = vector.broadcast %add3A_538 : f32 to vector<16xf32>
        %add3A_540 = arith.addf %mul3A_537, %add3A_539 : vector<16xf32>
        %mul3A_541 = arith.mulf %add3A_540, %mul3A_530 : vector<16xf32>
        %add3A_542 = arith.constant -0.166666672 : f32
        %add3A_543 = vector.broadcast %add3A_542 : f32 to vector<16xf32>
        %add3A_544 = arith.addf %mul3A_541, %add3A_543 : vector<16xf32>
        %mul3A_545 = arith.mulf %add3A_544, %mul3A_530 : vector<16xf32>
        %add3A_546 = arith.constant 1.000000e+00 : f32
        %add3A_547 = vector.broadcast %add3A_546 : f32 to vector<16xf32>
        %add3A_548 = arith.addf %mul3A_545, %add3A_547 : vector<16xf32>
        %mul3A_549 = arith.mulf %mul3A_529, %add3A_548 : vector<16xf32>
        %div3A_550 = arith.divf %mul3A_549, %mul3A_507 : vector<16xf32>
        %gt3A = arith.constant 0.999499976 : f32
        %gt3A_551 = vector.broadcast %gt3A : f32 to vector<16xf32>
        %gt3A_552 = arith.cmpf ogt, %min3A_409, %gt3A_551 : vector<16xf32>
        %select_n3A_553 = arith.select %gt3A_552, %sub3A_273, %div3A : vector<16xi1>, vector<16xf32>
        %select_n3A_554 = arith.select %gt3A_552, %get3A_268, %div3A_550 : vector<16xi1>, vector<16xf32>
        %mul3A_555 = arith.mulf %select_n3A_553, %mul3A_372 : vector<16xf32>
        %mul3A_556 = arith.mulf %select_n3A_554, %mul3A_398 : vector<16xf32>
        %mul3A_557 = arith.mulf %mul3A_556, %select_n3A : vector<16xf32>
        %mul3A_558 = arith.mulf %mul3A_555, %mul3A_555 : vector<16xf32>
        %mul3A_559 = arith.mulf %mul3A_558, %add3A_334 : vector<16xf32>
        %mul3A_560 = arith.constant 2.000000e+00 : f32
        %mul3A_561 = vector.broadcast %mul3A_560 : f32 to vector<16xf32>
        %mul3A_562 = arith.mulf %mul3A_561, %mul3A_555 : vector<16xf32>
        %mul3A_563 = arith.mulf %mul3A_562, %mul3A_557 : vector<16xf32>
        %mul3A_564 = arith.mulf %mul3A_563, %add3A_348 : vector<16xf32>
        %add3A_565 = arith.addf %mul3A_559, %mul3A_564 : vector<16xf32>
        %mul3A_566 = arith.mulf %mul3A_557, %mul3A_557 : vector<16xf32>
        %mul3A_567 = arith.mulf %mul3A_566, %add3A_341 : vector<16xf32>
        %add3A_568 = arith.addf %add3A_565, %mul3A_567 : vector<16xf32>
        %bitcast3A_569 = vector.bitcast %add3A_568 : vector<16xf32> to vector<16xi32>
        %shift_right_logical3A_570 = arith.constant 1 : i32
        %shift_right_logical3A_571 = vector.broadcast %shift_right_logical3A_570 : i32 to vector<16xi32>
        %shift_right_logical3A_572 = arith.shrui %bitcast3A_569, %shift_right_logical3A_571 : vector<16xi32>
        %sub3A_573 = arith.constant 1597463007 : i32
        %sub3A_574 = vector.broadcast %sub3A_573 : i32 to vector<16xi32>
        %sub3A_575 = arith.subi %sub3A_574, %shift_right_logical3A_572 : vector<16xi32>
        %bitcast3A_576 = vector.bitcast %sub3A_575 : vector<16xi32> to vector<16xf32>
        %mul3A_577 = arith.constant 5.000000e-01 : f32
        %mul3A_578 = vector.broadcast %mul3A_577 : f32 to vector<16xf32>
        %mul3A_579 = arith.mulf %mul3A_578, %add3A_568 : vector<16xf32>
        %mul3A_580 = arith.mulf %mul3A_579, %bitcast3A_576 : vector<16xf32>
        %mul3A_581 = arith.mulf %mul3A_580, %bitcast3A_576 : vector<16xf32>
        %sub3A_582 = arith.constant 1.500000e+00 : f32
        %sub3A_583 = vector.broadcast %sub3A_582 : f32 to vector<16xf32>
        %sub3A_584 = arith.subf %sub3A_583, %mul3A_581 : vector<16xf32>
        %mul3A_585 = arith.mulf %bitcast3A_576, %sub3A_584 : vector<16xf32>
        %mul3A_586 = arith.constant 5.000000e-01 : f32
        %mul3A_587 = vector.broadcast %mul3A_586 : f32 to vector<16xf32>
        %mul3A_588 = arith.mulf %mul3A_587, %add3A_568 : vector<16xf32>
        %mul3A_589 = arith.mulf %mul3A_588, %mul3A_585 : vector<16xf32>
        %mul3A_590 = arith.mulf %mul3A_589, %mul3A_585 : vector<16xf32>
        %sub3A_591 = arith.constant 1.500000e+00 : f32
        %sub3A_592 = vector.broadcast %sub3A_591 : f32 to vector<16xf32>
        %sub3A_593 = arith.subf %sub3A_592, %mul3A_590 : vector<16xf32>
        %mul3A_594 = arith.mulf %mul3A_585, %sub3A_593 : vector<16xf32>
        %mul3A_595 = arith.mulf %mul3A_555, %mul3A_594 : vector<16xf32>
        %mul3A_596 = arith.mulf %mul3A_557, %mul3A_594 : vector<16xf32>
        %mul3A_597 = arith.mulf %mul3A_595, %gather3A_306 : vector<16xf32>
        %mul3A_598 = arith.mulf %mul3A_596, %gather3A_318 : vector<16xf32>
        %add3A_599 = arith.addf %mul3A_597, %mul3A_598 : vector<16xf32>
        %swap3A_600 = arith.constant 3 : i32
        %swap3A_601 = arith.index_cast %swap3A_600 : i32 to index
        %swap3A_602 = arith.index_cast %mul3A_263 : i32 to index
        %swap3A_603 = tpu.vector_load %arg16[%swap3A_601, %swap3A_602] {strides = array<i32>} : memref<8x256xf32, #tpu.memory_space<vmem>>, vector<16xf32>,
        tpu.vector_store %arg16[%swap3A_601, %swap3A_602], %add3A_599 {strides = array<i32>} : memref<8x256xf32, #tpu.memory_space<vmem>>, vector<16xf32>,
        %mul3A_604 = arith.mulf %mul3A_595, %gather3A_309 : vector<16xf32>
        %mul3A_605 = arith.mulf %mul3A_596, %gather3A_321 : vector<16xf32>
        %add3A_606 = arith.addf %mul3A_604, %mul3A_605 : vector<16xf32>
        %swap3A_607 = arith.constant 4 : i32
        %swap3A_608 = arith.index_cast %swap3A_607 : i32 to index
        %swap3A_609 = arith.index_cast %mul3A_263 : i32 to index
        %swap3A_610 = tpu.vector_load %arg16[%swap3A_608, %swap3A_609] {strides = array<i32>} : memref<8x256xf32, #tpu.memory_space<vmem>>, vector<16xf32>,
        tpu.vector_store %arg16[%swap3A_608, %swap3A_609], %add3A_606 {strides = array<i32>} : memref<8x256xf32, #tpu.memory_space<vmem>>, vector<16xf32>,
        %mul3A_611 = arith.mulf %mul3A_595, %gather3A_312 : vector<16xf32>
        %mul3A_612 = arith.mulf %mul3A_596, %gather3A_324 : vector<16xf32>
        %add3A_613 = arith.addf %mul3A_611, %mul3A_612 : vector<16xf32>
        %swap3A_614 = arith.constant 5 : i32
        %swap3A_615 = arith.index_cast %swap3A_614 : i32 to index
        %swap3A_616 = arith.index_cast %mul3A_263 : i32 to index
        %swap3A_617 = tpu.vector_load %arg16[%swap3A_615, %swap3A_616] {strides = array<i32>} : memref<8x256xf32, #tpu.memory_space<vmem>>, vector<16xf32>,
        tpu.vector_store %arg16[%swap3A_615, %swap3A_616], %add3A_613 {strides = array<i32>} : memref<8x256xf32, #tpu.memory_space<vmem>>, vector<16xf32>,
        %mul3A_618 = arith.mulf %mul3A_595, %gather3A_315 : vector<16xf32>
        %mul3A_619 = arith.mulf %mul3A_596, %gather3A_327 : vector<16xf32>
        %add3A_620 = arith.addf %mul3A_618, %mul3A_619 : vector<16xf32>
        %swap3A_621 = arith.constant 6 : i32
        %swap3A_622 = arith.index_cast %swap3A_621 : i32 to index
        %swap3A_623 = arith.index_cast %mul3A_263 : i32 to index
        %swap3A_624 = tpu.vector_load %arg16[%swap3A_622, %swap3A_623] {strides = array<i32>} : memref<8x256xf32, #tpu.memory_space<vmem>>, vector<16xf32>,
        tpu.vector_store %arg16[%swap3A_622, %swap3A_623], %add3A_620 {strides = array<i32>} : memref<8x256xf32, #tpu.memory_space<vmem>>, vector<16xf32>,
      }
      %scan3A_252 = arith.constant 16 : i32
      %dma_start3A_253 = arith.constant 0 : i32
      %dma_start3A_254 = tpu.memref_slice %arg6[%dma_start3A_253, %multiple_of3A_246] : memref<8x360448xf32, #tpu.memory_space<hbm>> -> memref<8x256xf32, #tpu.memory_space<hbm>>
      %dma_start3A_255 = arith.constant 0 : i32
      %dma_start3A_256 = tpu.memref_slice %arg6[%dma_start3A_255, %multiple_of3A_246] : memref<8x360448xf32, #tpu.memory_space<hbm>> -> memref<8x256xf32, #tpu.memory_space<hbm>>
      tpu.enqueue_dma source(%arg16 : memref<8x256xf32, #tpu.memory_space<vmem>>) target(%dma_start3A_256 : memref<8x256xf32, #tpu.memory_space<hbm>>) target_semaphore(%arg19 : memref<!tpu.dma_semaphore, #tpu.memory_space<semaphore_mem>>)
      %dma_wait3A_257 = arith.constant 0 : i32
      %dma_wait3A_258 = tpu.memref_slice %arg6[%dma_wait3A_257, %multiple_of3A_246] : memref<8x360448xf32, #tpu.memory_space<hbm>> -> memref<8x256xf32, #tpu.memory_space<hbm>>
      %dma_wait3A_259 = arith.constant 0 : i32
      %dma_wait3A_260 = tpu.memref_slice %arg6[%dma_wait3A_259, %multiple_of3A_246] : memref<8x360448xf32, #tpu.memory_space<hbm>> -> memref<8x256xf32, #tpu.memory_space<hbm>>
      tpu.wait_dma2 semaphore(%arg19 : memref<!tpu.dma_semaphore, #tpu.memory_space<semaphore_mem>>) src(%arg16 : memref<8x256xf32, #tpu.memory_space<vmem>>) dst(%dma_wait3A_260 : memref<8x256xf32, #tpu.memory_space<hbm>>)
    }
    %scan3A_22 = arith.constant 21 : i32
    %dma_wait3A = arith.constant 0 : i32
    %dma_wait3A_23 = arith.constant 0 : i32
    %dma_wait3A_24 = arith.constant 0 : i32
    %dma_wait3A_25 = tpu.memref_slice %arg2[%dma_wait3A, %dma_wait3A_23, %dma_wait3A_24] : memref<3x32x500000xf32, #tpu.memory_space<hbm>> -> memref<3x32x256xf32, #tpu.memory_space<hbm>>
    %dma_wait3A_26 = arith.constant 0 : i32
    %dma_wait3A_27 = arith.constant 0 : i32
    %dma_wait3A_28 = arith.constant 0 : i32
    %dma_wait3A_29 = tpu.memref_slice %arg2[%dma_wait3A_26, %dma_wait3A_27, %dma_wait3A_28] : memref<3x32x500000xf32, #tpu.memory_space<hbm>> -> memref<3x32x256xf32, #tpu.memory_space<hbm>>
    tpu.wait_dma2 semaphore(%arg17 : memref<!tpu.dma_semaphore, #tpu.memory_space<semaphore_mem>>) src(%dma_wait3A_29 : memref<3x32x256xf32, #tpu.memory_space<hbm>>) dst(%arg7 : memref<3x32x256xf32, #tpu.memory_space<vmem>>)
    %dma_wait3A_30 = arith.constant 0 : i32
    %dma_wait3A_31 = arith.constant 0 : i32
    %dma_wait3A_32 = arith.constant 0 : i32
    %dma_wait3A_33 = tpu.memref_slice %arg3[%dma_wait3A_30, %dma_wait3A_31, %dma_wait3A_32] : memref<32x4x500000xf32, #tpu.memory_space<hbm>> -> memref<32x4x256xf32, #tpu.memory_space<hbm>>
    %dma_wait3A_34 = arith.constant 0 : i32
    %dma_wait3A_35 = arith.constant 0 : i32
    %dma_wait3A_36 = arith.constant 0 : i32
    %dma_wait3A_37 = tpu.memref_slice %arg3[%dma_wait3A_34, %dma_wait3A_35, %dma_wait3A_36] : memref<32x4x500000xf32, #tpu.memory_space<hbm>> -> memref<32x4x256xf32, #tpu.memory_space<hbm>>
    tpu.wait_dma2 semaphore(%arg17 : memref<!tpu.dma_semaphore, #tpu.memory_space<semaphore_mem>>) src(%dma_wait3A_37 : memref<32x4x256xf32, #tpu.memory_space<hbm>>) dst(%arg8 : memref<32x4x256xf32, #tpu.memory_space<vmem>>)
    %dma_wait3A_38 = arith.constant 0 : i32
    %dma_wait3A_39 = tpu.memref_slice %arg4[%dma_wait3A_38] : memref<500000xi32, #tpu.memory_space<hbm>> -> memref<256xi32, #tpu.memory_space<hbm>>
    %dma_wait3A_40 = arith.constant 0 : i32
    %dma_wait3A_41 = tpu.memref_slice %arg4[%dma_wait3A_40] : memref<500000xi32, #tpu.memory_space<hbm>> -> memref<256xi32, #tpu.memory_space<hbm>>
    tpu.wait_dma2 semaphore(%arg17 : memref<!tpu.dma_semaphore, #tpu.memory_space<semaphore_mem>>) src(%dma_wait3A_41 : memref<256xi32, #tpu.memory_space<hbm>>) dst(%arg9 : memref<256xi32, #tpu.memory_space<vmem>>)
    %dma_wait3A_42 = arith.constant 0 : i32
    %dma_wait3A_43 = tpu.memref_slice %arg5[%dma_wait3A_42] : memref<500000xf32, #tpu.memory_space<hbm>> -> memref<256xf32, #tpu.memory_space<hbm>>
    %dma_wait3A_44 = arith.constant 0 : i32
    %dma_wait3A_45 = tpu.memref_slice %arg5[%dma_wait3A_44] : memref<500000xf32, #tpu.memory_space<hbm>> -> memref<256xf32, #tpu.memory_space<hbm>>
    tpu.wait_dma2 semaphore(%arg17 : memref<!tpu.dma_semaphore, #tpu.memory_space<semaphore_mem>>) src(%dma_wait3A_45 : memref<256xf32, #tpu.memory_space<hbm>>) dst(%arg10 : memref<256xf32, #tpu.memory_space<vmem>>)
    %add3A_46 = arith.constant 1344 : i32
    %add3A_47 = arith.addi %add3A, %add3A_46 : i32
    %mul3A_48 = arith.constant 256 : i32
    %mul3A_49 = arith.muli %add3A_47, %mul3A_48 : i32
    %multiple_of3A_50 = tpu.assume_multiple %mul3A_49, 256 : i32
    %scan3A_51 = arith.constant 0 : i32
    %scan3A_52 = arith.constant 0 : i32
    %scan3A_53 = arith.constant 16 : i32
    %scan3A_54 = arith.addi %scan3A_52, %scan3A_53 : i32
    %scan3A_55 = arith.constant 1 : i32
    scf.for %scan3A_129 = %scan3A_52 to %scan3A_54 step %scan3A_55  : i32 {
      %mul3A_130 = arith.constant 16 : i32
      %mul3A_131 = arith.muli %scan3A_129, %mul3A_130 : i32
      %add3A_132 = vector.broadcast %mul3A_131 : i32 to vector<16xi32>
      %add3A_133 = arith.addi %add3A_132, %iota3A : vector<16xi32>
      %get3A = arith.index_cast %mul3A_131 : i32 to index
      %get3A_134 = tpu.vector_load %arg9[%get3A] {strides = array<i32>} : memref<256xi32, #tpu.memory_space<vmem>>, vector<16xi32>,
      %get3A_135 = arith.index_cast %mul3A_131 : i32 to index
      %get3A_136 = tpu.vector_load %arg10[%get3A_135] {strides = array<i32>} : memref<256xf32, #tpu.memory_space<vmem>>, vector<16xf32>,
      %add3A_137 = arith.constant 1 : i32
      %add3A_138 = vector.broadcast %add3A_137 : i32 to vector<16xi32>
      %add3A_139 = arith.addi %get3A_134, %add3A_138 : vector<16xi32>
      %sub3A = arith.constant 1.000000e+00 : f32
      %sub3A_140 = vector.broadcast %sub3A : f32 to vector<16xf32>
      %sub3A_141 = arith.subf %sub3A_140, %get3A_136 : vector<16xf32>
      %broadcast_in_dim3A = arith.constant 0 : i32
      %broadcast_in_dim3A_142 = vector.broadcast %broadcast_in_dim3A : i32 to vector<16xi32>
      %gather3A = tpu.vector_load_idx %arg7[%broadcast_in_dim3A_142, %get3A_134, %add3A_133] : memref<3x32x256xf32, #tpu.memory_space<vmem>>[vector<16xi32>, vector<16xi32>, vector<16xi32>], vector<16xf32>,
      %gather3A_143 = tpu.vector_load_idx %arg7[%broadcast_in_dim3A_142, %add3A_139, %add3A_133] : memref<3x32x256xf32, #tpu.memory_space<vmem>>[vector<16xi32>, vector<16xi32>, vector<16xi32>], vector<16xf32>,
      %mul3A_144 = arith.mulf %sub3A_141, %gather3A : vector<16xf32>
      %mul3A_145 = arith.mulf %get3A_136, %gather3A_143 : vector<16xf32>
      %add3A_146 = arith.addf %mul3A_144, %mul3A_145 : vector<16xf32>
      %swap3A = arith.constant 0 : i32
      %swap3A_147 = arith.index_cast %swap3A : i32 to index
      %swap3A_148 = arith.index_cast %mul3A_131 : i32 to index
      %swap3A_149 = tpu.vector_load %arg11[%swap3A_147, %swap3A_148] {strides = array<i32>} : memref<8x256xf32, #tpu.memory_space<vmem>>, vector<16xf32>,
      tpu.vector_store %arg11[%swap3A_147, %swap3A_148], %add3A_146 {strides = array<i32>} : memref<8x256xf32, #tpu.memory_space<vmem>>, vector<16xf32>,
      %broadcast_in_dim3A_150 = arith.constant 1 : i32
      %broadcast_in_dim3A_151 = vector.broadcast %broadcast_in_dim3A_150 : i32 to vector<16xi32>
      %gather3A_152 = tpu.vector_load_idx %arg7[%broadcast_in_dim3A_151, %get3A_134, %add3A_133] : memref<3x32x256xf32, #tpu.memory_space<vmem>>[vector<16xi32>, vector<16xi32>, vector<16xi32>], vector<16xf32>,
      %gather3A_153 = tpu.vector_load_idx %arg7[%broadcast_in_dim3A_151, %add3A_139, %add3A_133] : memref<3x32x256xf32, #tpu.memory_space<vmem>>[vector<16xi32>, vector<16xi32>, vector<16xi32>], vector<16xf32>,
      %mul3A_154 = arith.mulf %sub3A_141, %gather3A_152 : vector<16xf32>
      %mul3A_155 = arith.mulf %get3A_136, %gather3A_153 : vector<16xf32>
      %add3A_156 = arith.addf %mul3A_154, %mul3A_155 : vector<16xf32>
      %swap3A_157 = arith.constant 1 : i32
      %swap3A_158 = arith.index_cast %swap3A_157 : i32 to index
      %swap3A_159 = arith.index_cast %mul3A_131 : i32 to index
      %swap3A_160 = tpu.vector_load %arg11[%swap3A_158, %swap3A_159] {strides = array<i32>} : memref<8x256xf32, #tpu.memory_space<vmem>>, vector<16xf32>,
      tpu.vector_store %arg11[%swap3A_158, %swap3A_159], %add3A_156 {strides = array<i32>} : memref<8x256xf32, #tpu.memory_space<vmem>>, vector<16xf32>,
      %broadcast_in_dim3A_161 = arith.constant 2 : i32
      %broadcast_in_dim3A_162 = vector.broadcast %broadcast_in_dim3A_161 : i32 to vector<16xi32>
      %gather3A_163 = tpu.vector_load_idx %arg7[%broadcast_in_dim3A_162, %get3A_134, %add3A_133] : memref<3x32x256xf32, #tpu.memory_space<vmem>>[vector<16xi32>, vector<16xi32>, vector<16xi32>], vector<16xf32>,
      %gather3A_164 = tpu.vector_load_idx %arg7[%broadcast_in_dim3A_162, %add3A_139, %add3A_133] : memref<3x32x256xf32, #tpu.memory_space<vmem>>[vector<16xi32>, vector<16xi32>, vector<16xi32>], vector<16xf32>,
      %mul3A_165 = arith.mulf %sub3A_141, %gather3A_163 : vector<16xf32>
      %mul3A_166 = arith.mulf %get3A_136, %gather3A_164 : vector<16xf32>
      %add3A_167 = arith.addf %mul3A_165, %mul3A_166 : vector<16xf32>
      %swap3A_168 = arith.constant 2 : i32
      %swap3A_169 = arith.index_cast %swap3A_168 : i32 to index
      %swap3A_170 = arith.index_cast %mul3A_131 : i32 to index
      %swap3A_171 = tpu.vector_load %arg11[%swap3A_169, %swap3A_170] {strides = array<i32>} : memref<8x256xf32, #tpu.memory_space<vmem>>, vector<16xf32>,
      tpu.vector_store %arg11[%swap3A_169, %swap3A_170], %add3A_167 {strides = array<i32>} : memref<8x256xf32, #tpu.memory_space<vmem>>, vector<16xf32>,
      %broadcast_in_dim3A_172 = arith.constant 0 : i32
      %broadcast_in_dim3A_173 = vector.broadcast %broadcast_in_dim3A_172 : i32 to vector<16xi32>
      %gather3A_174 = tpu.vector_load_idx %arg8[%get3A_134, %broadcast_in_dim3A_173, %add3A_133] : memref<32x4x256xf32, #tpu.memory_space<vmem>>[vector<16xi32>, vector<16xi32>, vector<16xi32>], vector<16xf32>,
      %broadcast_in_dim3A_175 = arith.constant 1 : i32
      %broadcast_in_dim3A_176 = vector.broadcast %broadcast_in_dim3A_175 : i32 to vector<16xi32>
      %gather3A_177 = tpu.vector_load_idx %arg8[%get3A_134, %broadcast_in_dim3A_176, %add3A_133] : memref<32x4x256xf32, #tpu.memory_space<vmem>>[vector<16xi32>, vector<16xi32>, vector<16xi32>], vector<16xf32>,
      %broadcast_in_dim3A_178 = arith.constant 2 : i32
      %broadcast_in_dim3A_179 = vector.broadcast %broadcast_in_dim3A_178 : i32 to vector<16xi32>
      %gather3A_180 = tpu.vector_load_idx %arg8[%get3A_134, %broadcast_in_dim3A_179, %add3A_133] : memref<32x4x256xf32, #tpu.memory_space<vmem>>[vector<16xi32>, vector<16xi32>, vector<16xi32>], vector<16xf32>,
      %broadcast_in_dim3A_181 = arith.constant 3 : i32
      %broadcast_in_dim3A_182 = vector.broadcast %broadcast_in_dim3A_181 : i32 to vector<16xi32>
      %gather3A_183 = tpu.vector_load_idx %arg8[%get3A_134, %broadcast_in_dim3A_182, %add3A_133] : memref<32x4x256xf32, #tpu.memory_space<vmem>>[vector<16xi32>, vector<16xi32>, vector<16xi32>], vector<16xf32>,
      %broadcast_in_dim3A_184 = arith.constant 0 : i32
      %broadcast_in_dim3A_185 = vector.broadcast %broadcast_in_dim3A_184 : i32 to vector<16xi32>
      %gather3A_186 = tpu.vector_load_idx %arg8[%add3A_139, %broadcast_in_dim3A_185, %add3A_133] : memref<32x4x256xf32, #tpu.memory_space<vmem>>[vector<16xi32>, vector<16xi32>, vector<16xi32>], vector<16xf32>,
      %broadcast_in_dim3A_187 = arith.constant 1 : i32
      %broadcast_in_dim3A_188 = vector.broadcast %broadcast_in_dim3A_187 : i32 to vector<16xi32>
      %gather3A_189 = tpu.vector_load_idx %arg8[%add3A_139, %broadcast_in_dim3A_188, %add3A_133] : memref<32x4x256xf32, #tpu.memory_space<vmem>>[vector<16xi32>, vector<16xi32>, vector<16xi32>], vector<16xf32>,
      %broadcast_in_dim3A_190 = arith.constant 2 : i32
      %broadcast_in_dim3A_191 = vector.broadcast %broadcast_in_dim3A_190 : i32 to vector<16xi32>
      %gather3A_192 = tpu.vector_load_idx %arg8[%add3A_139, %broadcast_in_dim3A_191, %add3A_133] : memref<32x4x256xf32, #tpu.memory_space<vmem>>[vector<16xi32>, vector<16xi32>, vector<16xi32>], vector<16xf32>,
      %broadcast_in_dim3A_193 = arith.constant 3 : i32
      %broadcast_in_dim3A_194 = vector.broadcast %broadcast_in_dim3A_193 : i32 to vector<16xi32>
      %gather3A_195 = tpu.vector_load_idx %arg8[%add3A_139, %broadcast_in_dim3A_194, %add3A_133] : memref<32x4x256xf32, #tpu.memory_space<vmem>>[vector<16xi32>, vector<16xi32>, vector<16xi32>], vector<16xf32>,
      %mul3A_196 = arith.mulf %gather3A_174, %gather3A_174 : vector<16xf32>
      %mul3A_197 = arith.mulf %gather3A_177, %gather3A_177 : vector<16xf32>
      %add3A_198 = arith.addf %mul3A_196, %mul3A_197 : vector<16xf32>
      %mul3A_199 = arith.mulf %gather3A_180, %gather3A_180 : vector<16xf32>
      %add3A_200 = arith.addf %add3A_198, %mul3A_199 : vector<16xf32>
      %mul3A_201 = arith.mulf %gather3A_183, %gather3A_183 : vector<16xf32>
      %add3A_202 = arith.addf %add3A_200, %mul3A_201 : vector<16xf32>
      %mul3A_203 = arith.mulf %gather3A_186, %gather3A_186 : vector<16xf32>
      %mul3A_204 = arith.mulf %gather3A_189, %gather3A_189 : vector<16xf32>
      %add3A_205 = arith.addf %mul3A_203, %mul3A_204 : vector<16xf32>
      %mul3A_206 = arith.mulf %gather3A_192, %gather3A_192 : vector<16xf32>
      %add3A_207 = arith.addf %add3A_205, %mul3A_206 : vector<16xf32>
      %mul3A_208 = arith.mulf %gather3A_195, %gather3A_195 : vector<16xf32>
      %add3A_209 = arith.addf %add3A_207, %mul3A_208 : vector<16xf32>
      %mul3A_210 = arith.mulf %gather3A_174, %gather3A_186 : vector<16xf32>
      %mul3A_211 = arith.mulf %gather3A_177, %gather3A_189 : vector<16xf32>
      %add3A_212 = arith.addf %mul3A_210, %mul3A_211 : vector<16xf32>
      %mul3A_213 = arith.mulf %gather3A_180, %gather3A_192 : vector<16xf32>
      %add3A_214 = arith.addf %add3A_212, %mul3A_213 : vector<16xf32>
      %mul3A_215 = arith.mulf %gather3A_183, %gather3A_195 : vector<16xf32>
      %add3A_216 = arith.addf %add3A_214, %mul3A_215 : vector<16xf32>
      %bitcast3A = vector.bitcast %add3A_202 : vector<16xf32> to vector<16xi32>
      %shift_right_logical3A = arith.constant 1 : i32
      %shift_right_logical3A_217 = vector.broadcast %shift_right_logical3A : i32 to vector<16xi32>
      %shift_right_logical3A_218 = arith.shrui %bitcast3A, %shift_right_logical3A_217 : vector<16xi32>
      %sub3A_219 = arith.constant 1597463007 : i32
      %sub3A_220 = vector.broadcast %sub3A_219 : i32 to vector<16xi32>
      %sub3A_221 = arith.subi %sub3A_220, %shift_right_logical3A_218 : vector<16xi32>
      %bitcast3A_222 = vector.bitcast %sub3A_221 : vector<16xi32> to vector<16xf32>
      %mul3A_223 = arith.constant 5.000000e-01 : f32
      %mul3A_224 = vector.broadcast %mul3A_223 : f32 to vector<16xf32>
      %mul3A_225 = arith.mulf %mul3A_224, %add3A_202 : vector<16xf32>
      %mul3A_226 = arith.mulf %mul3A_225, %bitcast3A_222 : vector<16xf32>
      %mul3A_227 = arith.mulf %mul3A_226, %bitcast3A_222 : vector<16xf32>
      %sub3A_228 = arith.constant 1.500000e+00 : f32
      %sub3A_229 = vector.broadcast %sub3A_228 : f32 to vector<16xf32>
      %sub3A_230 = arith.subf %sub3A_229, %mul3A_227 : vector<16xf32>
      %mul3A_231 = arith.mulf %bitcast3A_222, %sub3A_230 : vector<16xf32>
      %mul3A_232 = arith.constant 5.000000e-01 : f32
      %mul3A_233 = vector.broadcast %mul3A_232 : f32 to vector<16xf32>
      %mul3A_234 = arith.mulf %mul3A_233, %add3A_202 : vector<16xf32>
      %mul3A_235 = arith.mulf %mul3A_234, %mul3A_231 : vector<16xf32>
      %mul3A_236 = arith.mulf %mul3A_235, %mul3A_231 : vector<16xf32>
      %sub3A_237 = arith.constant 1.500000e+00 : f32
      %sub3A_238 = vector.broadcast %sub3A_237 : f32 to vector<16xf32>
      %sub3A_239 = arith.subf %sub3A_238, %mul3A_236 : vector<16xf32>
      %mul3A_240 = arith.mulf %mul3A_231, %sub3A_239 : vector<16xf32>
      %bitcast3A_241 = vector.bitcast %add3A_209 : vector<16xf32> to vector<16xi32>
      %shift_right_logical3A_242 = arith.constant 1 : i32
      %shift_right_logical3A_243 = vector.broadcast %shift_right_logical3A_242 : i32 to vector<16xi32>
      %shift_right_logical3A_244 = arith.shrui %bitcast3A_241, %shift_right_logical3A_243 : vector<16xi32>
      %sub3A_245 = arith.constant 1597463007 : i32
      %sub3A_246 = vector.broadcast %sub3A_245 : i32 to vector<16xi32>
      %sub3A_247 = arith.subi %sub3A_246, %shift_right_logical3A_244 : vector<16xi32>
      %bitcast3A_248 = vector.bitcast %sub3A_247 : vector<16xi32> to vector<16xf32>
      %mul3A_249 = arith.constant 5.000000e-01 : f32
      %mul3A_250 = vector.broadcast %mul3A_249 : f32 to vector<16xf32>
      %mul3A_251 = arith.mulf %mul3A_250, %add3A_209 : vector<16xf32>
      %mul3A_252 = arith.mulf %mul3A_251, %bitcast3A_248 : vector<16xf32>
      %mul3A_253 = arith.mulf %mul3A_252, %bitcast3A_248 : vector<16xf32>
      %sub3A_254 = arith.constant 1.500000e+00 : f32
      %sub3A_255 = vector.broadcast %sub3A_254 : f32 to vector<16xf32>
      %sub3A_256 = arith.subf %sub3A_255, %mul3A_253 : vector<16xf32>
      %mul3A_257 = arith.mulf %bitcast3A_248, %sub3A_256 : vector<16xf32>
      %mul3A_258 = arith.constant 5.000000e-01 : f32
      %mul3A_259 = vector.broadcast %mul3A_258 : f32 to vector<16xf32>
      %mul3A_260 = arith.mulf %mul3A_259, %add3A_209 : vector<16xf32>
      %mul3A_261 = arith.mulf %mul3A_260, %mul3A_257 : vector<16xf32>
      %mul3A_262 = arith.mulf %mul3A_261, %mul3A_257 : vector<16xf32>
      %sub3A_263 = arith.constant 1.500000e+00 : f32
      %sub3A_264 = vector.broadcast %sub3A_263 : f32 to vector<16xf32>
      %sub3A_265 = arith.subf %sub3A_264, %mul3A_262 : vector<16xf32>
      %mul3A_266 = arith.mulf %mul3A_257, %sub3A_265 : vector<16xf32>
      %mul3A_267 = arith.mulf %add3A_216, %mul3A_240 : vector<16xf32>
      %mul3A_268 = arith.mulf %mul3A_267, %mul3A_266 : vector<16xf32>
      %lt3A = arith.constant 0.000000e+00 : f32
      %lt3A_269 = vector.broadcast %lt3A : f32 to vector<16xf32>
      %lt3A_270 = arith.cmpf olt, %mul3A_268, %lt3A_269 : vector<16xf32>
      %jit3A = arith.constant -1.000000e+00 : f32
      %jit3A_271 = arith.constant 1.000000e+00 : f32
      %broadcast_in_dim3A_272 = vector.broadcast %jit3A : f32 to vector<16xf32>
      %broadcast_in_dim3A_273 = vector.broadcast %jit3A_271 : f32 to vector<16xf32>
      %select_n3A = arith.select %lt3A_270, %broadcast_in_dim3A_272, %broadcast_in_dim3A_273 : vector<16xi1>, vector<16xf32>
      %abs3A = math.absf %mul3A_268 : vector<16xf32>
      %jit3A_274 = arith.constant 0.000000e+00 : f32
      %jit3A_275 = arith.constant 0.99999988 : f32
      %max3A = vector.broadcast %jit3A_274 : f32 to vector<16xf32>
      %max3A_276 = arith.maximumf %max3A, %abs3A : vector<16xf32>
      %min3A = vector.broadcast %jit3A_275 : f32 to vector<16xf32>
      %min3A_277 = arith.minimumf %min3A, %max3A_276 : vector<16xf32>
      %sub3A_278 = arith.constant 1.000000e+00 : f32
      %sub3A_279 = vector.broadcast %sub3A_278 : f32 to vector<16xf32>
      %sub3A_280 = arith.subf %sub3A_279, %min3A_277 : vector<16xf32>
      %max3A_281 = arith.constant 9.99999993E-9 : f32
      %max3A_282 = vector.broadcast %max3A_281 : f32 to vector<16xf32>
      %max3A_283 = arith.maximumf %sub3A_280, %max3A_282 : vector<16xf32>
      %bitcast3A_284 = vector.bitcast %max3A_283 : vector<16xf32> to vector<16xi32>
      %shift_right_logical3A_285 = arith.constant 1 : i32
      %shift_right_logical3A_286 = vector.broadcast %shift_right_logical3A_285 : i32 to vector<16xi32>
      %shift_right_logical3A_287 = arith.shrui %bitcast3A_284, %shift_right_logical3A_286 : vector<16xi32>
      %sub3A_288 = arith.constant 1597463007 : i32
      %sub3A_289 = vector.broadcast %sub3A_288 : i32 to vector<16xi32>
      %sub3A_290 = arith.subi %sub3A_289, %shift_right_logical3A_287 : vector<16xi32>
      %bitcast3A_291 = vector.bitcast %sub3A_290 : vector<16xi32> to vector<16xf32>
      %mul3A_292 = arith.constant 5.000000e-01 : f32
      %mul3A_293 = vector.broadcast %mul3A_292 : f32 to vector<16xf32>
      %mul3A_294 = arith.mulf %mul3A_293, %max3A_283 : vector<16xf32>
      %mul3A_295 = arith.mulf %mul3A_294, %bitcast3A_291 : vector<16xf32>
      %mul3A_296 = arith.mulf %mul3A_295, %bitcast3A_291 : vector<16xf32>
      %sub3A_297 = arith.constant 1.500000e+00 : f32
      %sub3A_298 = vector.broadcast %sub3A_297 : f32 to vector<16xf32>
      %sub3A_299 = arith.subf %sub3A_298, %mul3A_296 : vector<16xf32>
      %mul3A_300 = arith.mulf %bitcast3A_291, %sub3A_299 : vector<16xf32>
      %mul3A_301 = arith.constant 5.000000e-01 : f32
      %mul3A_302 = vector.broadcast %mul3A_301 : f32 to vector<16xf32>
      %mul3A_303 = arith.mulf %mul3A_302, %max3A_283 : vector<16xf32>
      %mul3A_304 = arith.mulf %mul3A_303, %mul3A_300 : vector<16xf32>
      %mul3A_305 = arith.mulf %mul3A_304, %mul3A_300 : vector<16xf32>
      %sub3A_306 = arith.constant 1.500000e+00 : f32
      %sub3A_307 = vector.broadcast %sub3A_306 : f32 to vector<16xf32>
      %sub3A_308 = arith.subf %sub3A_307, %mul3A_305 : vector<16xf32>
      %mul3A_309 = arith.mulf %mul3A_300, %sub3A_308 : vector<16xf32>
      %mul3A_310 = arith.mulf %max3A_283, %mul3A_309 : vector<16xf32>
      %mul3A_311 = arith.constant -0.0012624911 : f32
      %mul3A_312 = vector.broadcast %mul3A_311 : f32 to vector<16xf32>
      %mul3A_313 = arith.mulf %mul3A_312, %min3A_277 : vector<16xf32>
      %add3A_314 = arith.constant 6.670090e-03 : f32
      %add3A_315 = vector.broadcast %add3A_314 : f32 to vector<16xf32>
      %add3A_316 = arith.addf %mul3A_313, %add3A_315 : vector<16xf32>
      %mul3A_317 = arith.mulf %add3A_316, %min3A_277 : vector<16xf32>
      %add3A_318 = arith.constant -0.0170881264 : f32
      %add3A_319 = vector.broadcast %add3A_318 : f32 to vector<16xf32>
      %add3A_320 = arith.addf %mul3A_317, %add3A_319 : vector<16xf32>
      %mul3A_321 = arith.mulf %add3A_320, %min3A_277 : vector<16xf32>
      %add3A_322 = arith.constant 0.0308918804 : f32
      %add3A_323 = vector.broadcast %add3A_322 : f32 to vector<16xf32>
      %add3A_324 = arith.addf %mul3A_321, %add3A_323 : vector<16xf32>
      %mul3A_325 = arith.mulf %add3A_324, %min3A_277 : vector<16xf32>
      %add3A_326 = arith.constant -0.0501743034 : f32
      %add3A_327 = vector.broadcast %add3A_326 : f32 to vector<16xf32>
      %add3A_328 = arith.addf %mul3A_325, %add3A_327 : vector<16xf32>
      %mul3A_329 = arith.mulf %add3A_328, %min3A_277 : vector<16xf32>
      %add3A_330 = arith.constant 0.0889789909 : f32
      %add3A_331 = vector.broadcast %add3A_330 : f32 to vector<16xf32>
      %add3A_332 = arith.addf %mul3A_329, %add3A_331 : vector<16xf32>
      %mul3A_333 = arith.mulf %add3A_332, %min3A_277 : vector<16xf32>
      %add3A_334 = arith.constant -0.214598805 : f32
      %add3A_335 = vector.broadcast %add3A_334 : f32 to vector<16xf32>
      %add3A_336 = arith.addf %mul3A_333, %add3A_335 : vector<16xf32>
      %mul3A_337 = arith.mulf %add3A_336, %min3A_277 : vector<16xf32>
      %add3A_338 = arith.constant 1.57079625 : f32
      %add3A_339 = vector.broadcast %add3A_338 : f32 to vector<16xf32>
      %add3A_340 = arith.addf %mul3A_337, %add3A_339 : vector<16xf32>
      %mul3A_341 = arith.mulf %mul3A_310, %add3A_340 : vector<16xf32>
      %mul3A_342 = arith.mulf %min3A_277, %min3A_277 : vector<16xf32>
      %sub3A_343 = arith.constant 1.000000e+00 : f32
      %sub3A_344 = vector.broadcast %sub3A_343 : f32 to vector<16xf32>
      %sub3A_345 = arith.subf %sub3A_344, %mul3A_342 : vector<16xf32>
      %max3A_346 = arith.constant 9.99999993E-9 : f32
      %max3A_347 = vector.broadcast %max3A_346 : f32 to vector<16xf32>
      %max3A_348 = arith.maximumf %sub3A_345, %max3A_347 : vector<16xf32>
      %bitcast3A_349 = vector.bitcast %max3A_348 : vector<16xf32> to vector<16xi32>
      %shift_right_logical3A_350 = arith.constant 1 : i32
      %shift_right_logical3A_351 = vector.broadcast %shift_right_logical3A_350 : i32 to vector<16xi32>
      %shift_right_logical3A_352 = arith.shrui %bitcast3A_349, %shift_right_logical3A_351 : vector<16xi32>
      %sub3A_353 = arith.constant 1597463007 : i32
      %sub3A_354 = vector.broadcast %sub3A_353 : i32 to vector<16xi32>
      %sub3A_355 = arith.subi %sub3A_354, %shift_right_logical3A_352 : vector<16xi32>
      %bitcast3A_356 = vector.bitcast %sub3A_355 : vector<16xi32> to vector<16xf32>
      %mul3A_357 = arith.constant 5.000000e-01 : f32
      %mul3A_358 = vector.broadcast %mul3A_357 : f32 to vector<16xf32>
      %mul3A_359 = arith.mulf %mul3A_358, %max3A_348 : vector<16xf32>
      %mul3A_360 = arith.mulf %mul3A_359, %bitcast3A_356 : vector<16xf32>
      %mul3A_361 = arith.mulf %mul3A_360, %bitcast3A_356 : vector<16xf32>
      %sub3A_362 = arith.constant 1.500000e+00 : f32
      %sub3A_363 = vector.broadcast %sub3A_362 : f32 to vector<16xf32>
      %sub3A_364 = arith.subf %sub3A_363, %mul3A_361 : vector<16xf32>
      %mul3A_365 = arith.mulf %bitcast3A_356, %sub3A_364 : vector<16xf32>
      %mul3A_366 = arith.constant 5.000000e-01 : f32
      %mul3A_367 = vector.broadcast %mul3A_366 : f32 to vector<16xf32>
      %mul3A_368 = arith.mulf %mul3A_367, %max3A_348 : vector<16xf32>
      %mul3A_369 = arith.mulf %mul3A_368, %mul3A_365 : vector<16xf32>
      %mul3A_370 = arith.mulf %mul3A_369, %mul3A_365 : vector<16xf32>
      %sub3A_371 = arith.constant 1.500000e+00 : f32
      %sub3A_372 = vector.broadcast %sub3A_371 : f32 to vector<16xf32>
      %sub3A_373 = arith.subf %sub3A_372, %mul3A_370 : vector<16xf32>
      %mul3A_374 = arith.mulf %mul3A_365, %sub3A_373 : vector<16xf32>
      %mul3A_375 = arith.mulf %max3A_348, %mul3A_374 : vector<16xf32>
      %mul3A_376 = arith.mulf %sub3A_141, %mul3A_341 : vector<16xf32>
      %mul3A_377 = arith.mulf %mul3A_376, %mul3A_376 : vector<16xf32>
      %mul3A_378 = arith.constant 2.75573188E-6 : f32
      %mul3A_379 = vector.broadcast %mul3A_378 : f32 to vector<16xf32>
      %mul3A_380 = arith.mulf %mul3A_379, %mul3A_377 : vector<16xf32>
      %add3A_381 = arith.constant -1.98412701E-4 : f32
      %add3A_382 = vector.broadcast %add3A_381 : f32 to vector<16xf32>
      %add3A_383 = arith.addf %mul3A_380, %add3A_382 : vector<16xf32>
      %mul3A_384 = arith.mulf %add3A_383, %mul3A_377 : vector<16xf32>
      %add3A_385 = arith.constant 0.00833333377 : f32
      %add3A_386 = vector.broadcast %add3A_385 : f32 to vector<16xf32>
      %add3A_387 = arith.addf %mul3A_384, %add3A_386 : vector<16xf32>
      %mul3A_388 = arith.mulf %add3A_387, %mul3A_377 : vector<16xf32>
      %add3A_389 = arith.constant -0.166666672 : f32
      %add3A_390 = vector.broadcast %add3A_389 : f32 to vector<16xf32>
      %add3A_391 = arith.addf %mul3A_388, %add3A_390 : vector<16xf32>
      %mul3A_392 = arith.mulf %add3A_391, %mul3A_377 : vector<16xf32>
      %add3A_393 = arith.constant 1.000000e+00 : f32
      %add3A_394 = vector.broadcast %add3A_393 : f32 to vector<16xf32>
      %add3A_395 = arith.addf %mul3A_392, %add3A_394 : vector<16xf32>
      %mul3A_396 = arith.mulf %mul3A_376, %add3A_395 : vector<16xf32>
      %div3A = arith.divf %mul3A_396, %mul3A_375 : vector<16xf32>
      %mul3A_397 = arith.mulf %get3A_136, %mul3A_341 : vector<16xf32>
      %mul3A_398 = arith.mulf %mul3A_397, %mul3A_397 : vector<16xf32>
      %mul3A_399 = arith.constant 2.75573188E-6 : f32
      %mul3A_400 = vector.broadcast %mul3A_399 : f32 to vector<16xf32>
      %mul3A_401 = arith.mulf %mul3A_400, %mul3A_398 : vector<16xf32>
      %add3A_402 = arith.constant -1.98412701E-4 : f32
      %add3A_403 = vector.broadcast %add3A_402 : f32 to vector<16xf32>
      %add3A_404 = arith.addf %mul3A_401, %add3A_403 : vector<16xf32>
      %mul3A_405 = arith.mulf %add3A_404, %mul3A_398 : vector<16xf32>
      %add3A_406 = arith.constant 0.00833333377 : f32
      %add3A_407 = vector.broadcast %add3A_406 : f32 to vector<16xf32>
      %add3A_408 = arith.addf %mul3A_405, %add3A_407 : vector<16xf32>
      %mul3A_409 = arith.mulf %add3A_408, %mul3A_398 : vector<16xf32>
      %add3A_410 = arith.constant -0.166666672 : f32
      %add3A_411 = vector.broadcast %add3A_410 : f32 to vector<16xf32>
      %add3A_412 = arith.addf %mul3A_409, %add3A_411 : vector<16xf32>
      %mul3A_413 = arith.mulf %add3A_412, %mul3A_398 : vector<16xf32>
      %add3A_414 = arith.constant 1.000000e+00 : f32
      %add3A_415 = vector.broadcast %add3A_414 : f32 to vector<16xf32>
      %add3A_416 = arith.addf %mul3A_413, %add3A_415 : vector<16xf32>
      %mul3A_417 = arith.mulf %mul3A_397, %add3A_416 : vector<16xf32>
      %div3A_418 = arith.divf %mul3A_417, %mul3A_375 : vector<16xf32>
      %gt3A = arith.constant 0.999499976 : f32
      %gt3A_419 = vector.broadcast %gt3A : f32 to vector<16xf32>
      %gt3A_420 = arith.cmpf ogt, %min3A_277, %gt3A_419 : vector<16xf32>
      %select_n3A_421 = arith.select %gt3A_420, %sub3A_141, %div3A : vector<16xi1>, vector<16xf32>
      %select_n3A_422 = arith.select %gt3A_420, %get3A_136, %div3A_418 : vector<16xi1>, vector<16xf32>
      %mul3A_423 = arith.mulf %select_n3A_421, %mul3A_240 : vector<16xf32>
      %mul3A_424 = arith.mulf %select_n3A_422, %mul3A_266 : vector<16xf32>
      %mul3A_425 = arith.mulf %mul3A_424, %select_n3A : vector<16xf32>
      %mul3A_426 = arith.mulf %mul3A_423, %mul3A_423 : vector<16xf32>
      %mul3A_427 = arith.mulf %mul3A_426, %add3A_202 : vector<16xf32>
      %mul3A_428 = arith.constant 2.000000e+00 : f32
      %mul3A_429 = vector.broadcast %mul3A_428 : f32 to vector<16xf32>
      %mul3A_430 = arith.mulf %mul3A_429, %mul3A_423 : vector<16xf32>
      %mul3A_431 = arith.mulf %mul3A_430, %mul3A_425 : vector<16xf32>
      %mul3A_432 = arith.mulf %mul3A_431, %add3A_216 : vector<16xf32>
      %add3A_433 = arith.addf %mul3A_427, %mul3A_432 : vector<16xf32>
      %mul3A_434 = arith.mulf %mul3A_425, %mul3A_425 : vector<16xf32>
      %mul3A_435 = arith.mulf %mul3A_434, %add3A_209 : vector<16xf32>
      %add3A_436 = arith.addf %add3A_433, %mul3A_435 : vector<16xf32>
      %bitcast3A_437 = vector.bitcast %add3A_436 : vector<16xf32> to vector<16xi32>
      %shift_right_logical3A_438 = arith.constant 1 : i32
      %shift_right_logical3A_439 = vector.broadcast %shift_right_logical3A_438 : i32 to vector<16xi32>
      %shift_right_logical3A_440 = arith.shrui %bitcast3A_437, %shift_right_logical3A_439 : vector<16xi32>
      %sub3A_441 = arith.constant 1597463007 : i32
      %sub3A_442 = vector.broadcast %sub3A_441 : i32 to vector<16xi32>
      %sub3A_443 = arith.subi %sub3A_442, %shift_right_logical3A_440 : vector<16xi32>
      %bitcast3A_444 = vector.bitcast %sub3A_443 : vector<16xi32> to vector<16xf32>
      %mul3A_445 = arith.constant 5.000000e-01 : f32
      %mul3A_446 = vector.broadcast %mul3A_445 : f32 to vector<16xf32>
      %mul3A_447 = arith.mulf %mul3A_446, %add3A_436 : vector<16xf32>
      %mul3A_448 = arith.mulf %mul3A_447, %bitcast3A_444 : vector<16xf32>
      %mul3A_449 = arith.mulf %mul3A_448, %bitcast3A_444 : vector<16xf32>
      %sub3A_450 = arith.constant 1.500000e+00 : f32
      %sub3A_451 = vector.broadcast %sub3A_450 : f32 to vector<16xf32>
      %sub3A_452 = arith.subf %sub3A_451, %mul3A_449 : vector<16xf32>
      %mul3A_453 = arith.mulf %bitcast3A_444, %sub3A_452 : vector<16xf32>
      %mul3A_454 = arith.constant 5.000000e-01 : f32
      %mul3A_455 = vector.broadcast %mul3A_454 : f32 to vector<16xf32>
      %mul3A_456 = arith.mulf %mul3A_455, %add3A_436 : vector<16xf32>
      %mul3A_457 = arith.mulf %mul3A_456, %mul3A_453 : vector<16xf32>
      %mul3A_458 = arith.mulf %mul3A_457, %mul3A_453 : vector<16xf32>
      %sub3A_459 = arith.constant 1.500000e+00 : f32
      %sub3A_460 = vector.broadcast %sub3A_459 : f32 to vector<16xf32>
      %sub3A_461 = arith.subf %sub3A_460, %mul3A_458 : vector<16xf32>
      %mul3A_462 = arith.mulf %mul3A_453, %sub3A_461 : vector<16xf32>
      %mul3A_463 = arith.mulf %mul3A_423, %mul3A_462 : vector<16xf32>
      %mul3A_464 = arith.mulf %mul3A_425, %mul3A_462 : vector<16xf32>
      %mul3A_465 = arith.mulf %mul3A_463, %gather3A_174 : vector<16xf32>
      %mul3A_466 = arith.mulf %mul3A_464, %gather3A_186 : vector<16xf32>
      %add3A_467 = arith.addf %mul3A_465, %mul3A_466 : vector<16xf32>
      %swap3A_468 = arith.constant 3 : i32
      %swap3A_469 = arith.index_cast %swap3A_468 : i32 to index
      %swap3A_470 = arith.index_cast %mul3A_131 : i32 to index
      %swap3A_471 = tpu.vector_load %arg11[%swap3A_469, %swap3A_470] {strides = array<i32>} : memref<8x256xf32, #tpu.memory_space<vmem>>, vector<16xf32>,
      tpu.vector_store %arg11[%swap3A_469, %swap3A_470], %add3A_467 {strides = array<i32>} : memref<8x256xf32, #tpu.memory_space<vmem>>, vector<16xf32>,
      %mul3A_472 = arith.mulf %mul3A_463, %gather3A_177 : vector<16xf32>
      %mul3A_473 = arith.mulf %mul3A_464, %gather3A_189 : vector<16xf32>
      %add3A_474 = arith.addf %mul3A_472, %mul3A_473 : vector<16xf32>
      %swap3A_475 = arith.constant 4 : i32
      %swap3A_476 = arith.index_cast %swap3A_475 : i32 to index
      %swap3A_477 = arith.index_cast %mul3A_131 : i32 to index
      %swap3A_478 = tpu.vector_load %arg11[%swap3A_476, %swap3A_477] {strides = array<i32>} : memref<8x256xf32, #tpu.memory_space<vmem>>, vector<16xf32>,
      tpu.vector_store %arg11[%swap3A_476, %swap3A_477], %add3A_474 {strides = array<i32>} : memref<8x256xf32, #tpu.memory_space<vmem>>, vector<16xf32>,
      %mul3A_479 = arith.mulf %mul3A_463, %gather3A_180 : vector<16xf32>
      %mul3A_480 = arith.mulf %mul3A_464, %gather3A_192 : vector<16xf32>
      %add3A_481 = arith.addf %mul3A_479, %mul3A_480 : vector<16xf32>
      %swap3A_482 = arith.constant 5 : i32
      %swap3A_483 = arith.index_cast %swap3A_482 : i32 to index
      %swap3A_484 = arith.index_cast %mul3A_131 : i32 to index
      %swap3A_485 = tpu.vector_load %arg11[%swap3A_483, %swap3A_484] {strides = array<i32>} : memref<8x256xf32, #tpu.memory_space<vmem>>, vector<16xf32>,
      tpu.vector_store %arg11[%swap3A_483, %swap3A_484], %add3A_481 {strides = array<i32>} : memref<8x256xf32, #tpu.memory_space<vmem>>, vector<16xf32>,
      %mul3A_486 = arith.mulf %mul3A_463, %gather3A_183 : vector<16xf32>
      %mul3A_487 = arith.mulf %mul3A_464, %gather3A_195 : vector<16xf32>
      %add3A_488 = arith.addf %mul3A_486, %mul3A_487 : vector<16xf32>
      %swap3A_489 = arith.constant 6 : i32
      %swap3A_490 = arith.index_cast %swap3A_489 : i32 to index
      %swap3A_491 = arith.index_cast %mul3A_131 : i32 to index
      %swap3A_492 = tpu.vector_load %arg11[%swap3A_490, %swap3A_491] {strides = array<i32>} : memref<8x256xf32, #tpu.memory_space<vmem>>, vector<16xf32>,
      tpu.vector_store %arg11[%swap3A_490, %swap3A_491], %add3A_488 {strides = array<i32>} : memref<8x256xf32, #tpu.memory_space<vmem>>, vector<16xf32>,
    }
    %scan3A_56 = arith.constant 16 : i32
    %dma_start3A_57 = arith.constant 0 : i32
    %dma_start3A_58 = tpu.memref_slice %arg6[%dma_start3A_57, %multiple_of3A_50] : memref<8x360448xf32, #tpu.memory_space<hbm>> -> memref<8x256xf32, #tpu.memory_space<hbm>>
    %dma_start3A_59 = arith.constant 0 : i32
    %dma_start3A_60 = tpu.memref_slice %arg6[%dma_start3A_59, %multiple_of3A_50] : memref<8x360448xf32, #tpu.memory_space<hbm>> -> memref<8x256xf32, #tpu.memory_space<hbm>>
    tpu.enqueue_dma source(%arg11 : memref<8x256xf32, #tpu.memory_space<vmem>>) target(%dma_start3A_60 : memref<8x256xf32, #tpu.memory_space<hbm>>) target_semaphore(%arg19 : memref<!tpu.dma_semaphore, #tpu.memory_space<semaphore_mem>>)
    %dma_wait3A_61 = arith.constant 0 : i32
    %dma_wait3A_62 = tpu.memref_slice %arg6[%dma_wait3A_61, %multiple_of3A_50] : memref<8x360448xf32, #tpu.memory_space<hbm>> -> memref<8x256xf32, #tpu.memory_space<hbm>>
    %dma_wait3A_63 = arith.constant 0 : i32
    %dma_wait3A_64 = tpu.memref_slice %arg6[%dma_wait3A_63, %multiple_of3A_50] : memref<8x360448xf32, #tpu.memory_space<hbm>> -> memref<8x256xf32, #tpu.memory_space<hbm>>
    tpu.wait_dma2 semaphore(%arg19 : memref<!tpu.dma_semaphore, #tpu.memory_space<semaphore_mem>>) src(%arg11 : memref<8x256xf32, #tpu.memory_space<vmem>>) dst(%dma_wait3A_64 : memref<8x256xf32, #tpu.memory_space<hbm>>)
    %add3A_65 = arith.constant 1376 : i32
    %add3A_66 = arith.addi %add3A, %add3A_65 : i32
    %mul3A_67 = arith.constant 256 : i32
    %mul3A_68 = arith.muli %add3A_66, %mul3A_67 : i32
    %multiple_of3A_69 = tpu.assume_multiple %mul3A_68, 256 : i32
    %dma_start3A_70 = arith.constant 0 : i32
    %dma_start3A_71 = arith.constant 0 : i32
    %dma_start3A_72 = tpu.memref_slice %arg2[%dma_start3A_70, %dma_start3A_71, %multiple_of3A_69] : memref<3x32x500000xf32, #tpu.memory_space<hbm>> -> memref<3x32x256xf32, #tpu.memory_space<hbm>>
    %dma_start3A_73 = arith.constant 0 : i32
    %dma_start3A_74 = arith.constant 0 : i32
    %dma_start3A_75 = tpu.memref_slice %arg2[%dma_start3A_73, %dma_start3A_74, %multiple_of3A_69] : memref<3x32x500000xf32, #tpu.memory_space<hbm>> -> memref<3x32x256xf32, #tpu.memory_space<hbm>>
    tpu.enqueue_dma source(%dma_start3A_75 : memref<3x32x256xf32, #tpu.memory_space<hbm>>) target(%arg12 : memref<3x32x256xf32, #tpu.memory_space<vmem>>) target_semaphore(%arg18 : memref<!tpu.dma_semaphore, #tpu.memory_space<semaphore_mem>>)
    %dma_start3A_76 = arith.constant 0 : i32
    %dma_start3A_77 = arith.constant 0 : i32
    %dma_start3A_78 = tpu.memref_slice %arg3[%dma_start3A_76, %dma_start3A_77, %multiple_of3A_69] : memref<32x4x500000xf32, #tpu.memory_space<hbm>> -> memref<32x4x256xf32, #tpu.memory_space<hbm>>
    %dma_start3A_79 = arith.constant 0 : i32
    %dma_start3A_80 = arith.constant 0 : i32
    %dma_start3A_81 = tpu.memref_slice %arg3[%dma_start3A_79, %dma_start3A_80, %multiple_of3A_69] : memref<32x4x500000xf32, #tpu.memory_space<hbm>> -> memref<32x4x256xf32, #tpu.memory_space<hbm>>
    tpu.enqueue_dma source(%dma_start3A_81 : memref<32x4x256xf32, #tpu.memory_space<hbm>>) target(%arg13 : memref<32x4x256xf32, #tpu.memory_space<vmem>>) target_semaphore(%arg18 : memref<!tpu.dma_semaphore, #tpu.memory_space<semaphore_mem>>)
    %dma_start3A_82 = tpu.memref_slice %arg4[%multiple_of3A_69] : memref<500000xi32, #tpu.memory_space<hbm>> -> memref<256xi32, #tpu.memory_space<hbm>>
    %dma_start3A_83 = tpu.memref_slice %arg4[%multiple_of3A_69] : memref<500000xi32, #tpu.memory_space<hbm>> -> memref<256xi32, #tpu.memory_space<hbm>>
    tpu.enqueue_dma source(%dma_start3A_83 : memref<256xi32, #tpu.memory_space<hbm>>) target(%arg14 : memref<256xi32, #tpu.memory_space<vmem>>) target_semaphore(%arg18 : memref<!tpu.dma_semaphore, #tpu.memory_space<semaphore_mem>>)
    %dma_start3A_84 = tpu.memref_slice %arg5[%multiple_of3A_69] : memref<500000xf32, #tpu.memory_space<hbm>> -> memref<256xf32, #tpu.memory_space<hbm>>
    %dma_start3A_85 = tpu.memref_slice %arg5[%multiple_of3A_69] : memref<500000xf32, #tpu.memory_space<hbm>> -> memref<256xf32, #tpu.memory_space<hbm>>
    tpu.enqueue_dma source(%dma_start3A_85 : memref<256xf32, #tpu.memory_space<hbm>>) target(%arg15 : memref<256xf32, #tpu.memory_space<vmem>>) target_semaphore(%arg18 : memref<!tpu.dma_semaphore, #tpu.memory_space<semaphore_mem>>)
    %dma_wait3A_86 = arith.constant 0 : i32
    %dma_wait3A_87 = arith.constant 0 : i32
    %dma_wait3A_88 = arith.constant 0 : i32
    %dma_wait3A_89 = tpu.memref_slice %arg2[%dma_wait3A_86, %dma_wait3A_87, %dma_wait3A_88] : memref<3x32x500000xf32, #tpu.memory_space<hbm>> -> memref<3x32x256xf32, #tpu.memory_space<hbm>>
    %dma_wait3A_90 = arith.constant 0 : i32
    %dma_wait3A_91 = arith.constant 0 : i32
    %dma_wait3A_92 = arith.constant 0 : i32
    %dma_wait3A_93 = tpu.memref_slice %arg2[%dma_wait3A_90, %dma_wait3A_91, %dma_wait3A_92] : memref<3x32x500000xf32, #tpu.memory_space<hbm>> -> memref<3x32x256xf32, #tpu.memory_space<hbm>>
    tpu.wait_dma2 semaphore(%arg18 : memref<!tpu.dma_semaphore, #tpu.memory_space<semaphore_mem>>) src(%dma_wait3A_93 : memref<3x32x256xf32, #tpu.memory_space<hbm>>) dst(%arg12 : memref<3x32x256xf32, #tpu.memory_space<vmem>>)
    %dma_wait3A_94 = arith.constant 0 : i32
    %dma_wait3A_95 = arith.constant 0 : i32
    %dma_wait3A_96 = arith.constant 0 : i32
    %dma_wait3A_97 = tpu.memref_slice %arg3[%dma_wait3A_94, %dma_wait3A_95, %dma_wait3A_96] : memref<32x4x500000xf32, #tpu.memory_space<hbm>> -> memref<32x4x256xf32, #tpu.memory_space<hbm>>
    %dma_wait3A_98 = arith.constant 0 : i32
    %dma_wait3A_99 = arith.constant 0 : i32
    %dma_wait3A_100 = arith.constant 0 : i32
    %dma_wait3A_101 = tpu.memref_slice %arg3[%dma_wait3A_98, %dma_wait3A_99, %dma_wait3A_100] : memref<32x4x500000xf32, #tpu.memory_space<hbm>> -> memref<32x4x256xf32, #tpu.memory_space<hbm>>
    tpu.wait_dma2 semaphore(%arg18 : memref<!tpu.dma_semaphore, #tpu.memory_space<semaphore_mem>>) src(%dma_wait3A_101 : memref<32x4x256xf32, #tpu.memory_space<hbm>>) dst(%arg13 : memref<32x4x256xf32, #tpu.memory_space<vmem>>)
    %dma_wait3A_102 = arith.constant 0 : i32
    %dma_wait3A_103 = tpu.memref_slice %arg4[%dma_wait3A_102] : memref<500000xi32, #tpu.memory_space<hbm>> -> memref<256xi32, #tpu.memory_space<hbm>>
    %dma_wait3A_104 = arith.constant 0 : i32
    %dma_wait3A_105 = tpu.memref_slice %arg4[%dma_wait3A_104] : memref<500000xi32, #tpu.memory_space<hbm>> -> memref<256xi32, #tpu.memory_space<hbm>>
    tpu.wait_dma2 semaphore(%arg18 : memref<!tpu.dma_semaphore, #tpu.memory_space<semaphore_mem>>) src(%dma_wait3A_105 : memref<256xi32, #tpu.memory_space<hbm>>) dst(%arg14 : memref<256xi32, #tpu.memory_space<vmem>>)
    %dma_wait3A_106 = arith.constant 0 : i32
    %dma_wait3A_107 = tpu.memref_slice %arg5[%dma_wait3A_106] : memref<500000xf32, #tpu.memory_space<hbm>> -> memref<256xf32, #tpu.memory_space<hbm>>
    %dma_wait3A_108 = arith.constant 0 : i32
    %dma_wait3A_109 = tpu.memref_slice %arg5[%dma_wait3A_108] : memref<500000xf32, #tpu.memory_space<hbm>> -> memref<256xf32, #tpu.memory_space<hbm>>
    tpu.wait_dma2 semaphore(%arg18 : memref<!tpu.dma_semaphore, #tpu.memory_space<semaphore_mem>>) src(%dma_wait3A_109 : memref<256xf32, #tpu.memory_space<hbm>>) dst(%arg15 : memref<256xf32, #tpu.memory_space<vmem>>)
    %add3A_110 = arith.constant 1376 : i32
    %add3A_111 = arith.addi %add3A, %add3A_110 : i32
    %mul3A_112 = arith.constant 256 : i32
    %mul3A_113 = arith.muli %add3A_111, %mul3A_112 : i32
    %multiple_of3A_114 = tpu.assume_multiple %mul3A_113, 256 : i32
    %scan3A_115 = arith.constant 0 : i32
    %scan3A_116 = arith.constant 0 : i32
    %scan3A_117 = arith.constant 16 : i32
    %scan3A_118 = arith.addi %scan3A_116, %scan3A_117 : i32
    %scan3A_119 = arith.constant 1 : i32
    scf.for %scan3A_129 = %scan3A_116 to %scan3A_118 step %scan3A_119  : i32 {
      %mul3A_130 = arith.constant 16 : i32
      %mul3A_131 = arith.muli %scan3A_129, %mul3A_130 : i32
      %add3A_132 = vector.broadcast %mul3A_131 : i32 to vector<16xi32>
      %add3A_133 = arith.addi %add3A_132, %iota3A : vector<16xi32>
      %get3A = arith.index_cast %mul3A_131 : i32 to index
      %get3A_134 = tpu.vector_load %arg14[%get3A] {strides = array<i32>} : memref<256xi32, #tpu.memory_space<vmem>>, vector<16xi32>,
      %get3A_135 = arith.index_cast %mul3A_131 : i32 to index
      %get3A_136 = tpu.vector_load %arg15[%get3A_135] {strides = array<i32>} : memref<256xf32, #tpu.memory_space<vmem>>, vector<16xf32>,
      %add3A_137 = arith.constant 1 : i32
      %add3A_138 = vector.broadcast %add3A_137 : i32 to vector<16xi32>
      %add3A_139 = arith.addi %get3A_134, %add3A_138 : vector<16xi32>
      %sub3A = arith.constant 1.000000e+00 : f32
      %sub3A_140 = vector.broadcast %sub3A : f32 to vector<16xf32>
      %sub3A_141 = arith.subf %sub3A_140, %get3A_136 : vector<16xf32>
      %broadcast_in_dim3A = arith.constant 0 : i32
      %broadcast_in_dim3A_142 = vector.broadcast %broadcast_in_dim3A : i32 to vector<16xi32>
      %gather3A = tpu.vector_load_idx %arg12[%broadcast_in_dim3A_142, %get3A_134, %add3A_133] : memref<3x32x256xf32, #tpu.memory_space<vmem>>[vector<16xi32>, vector<16xi32>, vector<16xi32>], vector<16xf32>,
      %gather3A_143 = tpu.vector_load_idx %arg12[%broadcast_in_dim3A_142, %add3A_139, %add3A_133] : memref<3x32x256xf32, #tpu.memory_space<vmem>>[vector<16xi32>, vector<16xi32>, vector<16xi32>], vector<16xf32>,
      %mul3A_144 = arith.mulf %sub3A_141, %gather3A : vector<16xf32>
      %mul3A_145 = arith.mulf %get3A_136, %gather3A_143 : vector<16xf32>
      %add3A_146 = arith.addf %mul3A_144, %mul3A_145 : vector<16xf32>
      %swap3A = arith.constant 0 : i32
      %swap3A_147 = arith.index_cast %swap3A : i32 to index
      %swap3A_148 = arith.index_cast %mul3A_131 : i32 to index
      %swap3A_149 = tpu.vector_load %arg16[%swap3A_147, %swap3A_148] {strides = array<i32>} : memref<8x256xf32, #tpu.memory_space<vmem>>, vector<16xf32>,
      tpu.vector_store %arg16[%swap3A_147, %swap3A_148], %add3A_146 {strides = array<i32>} : memref<8x256xf32, #tpu.memory_space<vmem>>, vector<16xf32>,
      %broadcast_in_dim3A_150 = arith.constant 1 : i32
      %broadcast_in_dim3A_151 = vector.broadcast %broadcast_in_dim3A_150 : i32 to vector<16xi32>
      %gather3A_152 = tpu.vector_load_idx %arg12[%broadcast_in_dim3A_151, %get3A_134, %add3A_133] : memref<3x32x256xf32, #tpu.memory_space<vmem>>[vector<16xi32>, vector<16xi32>, vector<16xi32>], vector<16xf32>,
      %gather3A_153 = tpu.vector_load_idx %arg12[%broadcast_in_dim3A_151, %add3A_139, %add3A_133] : memref<3x32x256xf32, #tpu.memory_space<vmem>>[vector<16xi32>, vector<16xi32>, vector<16xi32>], vector<16xf32>,
      %mul3A_154 = arith.mulf %sub3A_141, %gather3A_152 : vector<16xf32>
      %mul3A_155 = arith.mulf %get3A_136, %gather3A_153 : vector<16xf32>
      %add3A_156 = arith.addf %mul3A_154, %mul3A_155 : vector<16xf32>
      %swap3A_157 = arith.constant 1 : i32
      %swap3A_158 = arith.index_cast %swap3A_157 : i32 to index
      %swap3A_159 = arith.index_cast %mul3A_131 : i32 to index
      %swap3A_160 = tpu.vector_load %arg16[%swap3A_158, %swap3A_159] {strides = array<i32>} : memref<8x256xf32, #tpu.memory_space<vmem>>, vector<16xf32>,
      tpu.vector_store %arg16[%swap3A_158, %swap3A_159], %add3A_156 {strides = array<i32>} : memref<8x256xf32, #tpu.memory_space<vmem>>, vector<16xf32>,
      %broadcast_in_dim3A_161 = arith.constant 2 : i32
      %broadcast_in_dim3A_162 = vector.broadcast %broadcast_in_dim3A_161 : i32 to vector<16xi32>
      %gather3A_163 = tpu.vector_load_idx %arg12[%broadcast_in_dim3A_162, %get3A_134, %add3A_133] : memref<3x32x256xf32, #tpu.memory_space<vmem>>[vector<16xi32>, vector<16xi32>, vector<16xi32>], vector<16xf32>,
      %gather3A_164 = tpu.vector_load_idx %arg12[%broadcast_in_dim3A_162, %add3A_139, %add3A_133] : memref<3x32x256xf32, #tpu.memory_space<vmem>>[vector<16xi32>, vector<16xi32>, vector<16xi32>], vector<16xf32>,
      %mul3A_165 = arith.mulf %sub3A_141, %gather3A_163 : vector<16xf32>
      %mul3A_166 = arith.mulf %get3A_136, %gather3A_164 : vector<16xf32>
      %add3A_167 = arith.addf %mul3A_165, %mul3A_166 : vector<16xf32>
      %swap3A_168 = arith.constant 2 : i32
      %swap3A_169 = arith.index_cast %swap3A_168 : i32 to index
      %swap3A_170 = arith.index_cast %mul3A_131 : i32 to index
      %swap3A_171 = tpu.vector_load %arg16[%swap3A_169, %swap3A_170] {strides = array<i32>} : memref<8x256xf32, #tpu.memory_space<vmem>>, vector<16xf32>,
      tpu.vector_store %arg16[%swap3A_169, %swap3A_170], %add3A_167 {strides = array<i32>} : memref<8x256xf32, #tpu.memory_space<vmem>>, vector<16xf32>,
      %broadcast_in_dim3A_172 = arith.constant 0 : i32
      %broadcast_in_dim3A_173 = vector.broadcast %broadcast_in_dim3A_172 : i32 to vector<16xi32>
      %gather3A_174 = tpu.vector_load_idx %arg13[%get3A_134, %broadcast_in_dim3A_173, %add3A_133] : memref<32x4x256xf32, #tpu.memory_space<vmem>>[vector<16xi32>, vector<16xi32>, vector<16xi32>], vector<16xf32>,
      %broadcast_in_dim3A_175 = arith.constant 1 : i32
      %broadcast_in_dim3A_176 = vector.broadcast %broadcast_in_dim3A_175 : i32 to vector<16xi32>
      %gather3A_177 = tpu.vector_load_idx %arg13[%get3A_134, %broadcast_in_dim3A_176, %add3A_133] : memref<32x4x256xf32, #tpu.memory_space<vmem>>[vector<16xi32>, vector<16xi32>, vector<16xi32>], vector<16xf32>,
      %broadcast_in_dim3A_178 = arith.constant 2 : i32
      %broadcast_in_dim3A_179 = vector.broadcast %broadcast_in_dim3A_178 : i32 to vector<16xi32>
      %gather3A_180 = tpu.vector_load_idx %arg13[%get3A_134, %broadcast_in_dim3A_179, %add3A_133] : memref<32x4x256xf32, #tpu.memory_space<vmem>>[vector<16xi32>, vector<16xi32>, vector<16xi32>], vector<16xf32>,
      %broadcast_in_dim3A_181 = arith.constant 3 : i32
      %broadcast_in_dim3A_182 = vector.broadcast %broadcast_in_dim3A_181 : i32 to vector<16xi32>
      %gather3A_183 = tpu.vector_load_idx %arg13[%get3A_134, %broadcast_in_dim3A_182, %add3A_133] : memref<32x4x256xf32, #tpu.memory_space<vmem>>[vector<16xi32>, vector<16xi32>, vector<16xi32>], vector<16xf32>,
      %broadcast_in_dim3A_184 = arith.constant 0 : i32
      %broadcast_in_dim3A_185 = vector.broadcast %broadcast_in_dim3A_184 : i32 to vector<16xi32>
      %gather3A_186 = tpu.vector_load_idx %arg13[%add3A_139, %broadcast_in_dim3A_185, %add3A_133] : memref<32x4x256xf32, #tpu.memory_space<vmem>>[vector<16xi32>, vector<16xi32>, vector<16xi32>], vector<16xf32>,
      %broadcast_in_dim3A_187 = arith.constant 1 : i32
      %broadcast_in_dim3A_188 = vector.broadcast %broadcast_in_dim3A_187 : i32 to vector<16xi32>
      %gather3A_189 = tpu.vector_load_idx %arg13[%add3A_139, %broadcast_in_dim3A_188, %add3A_133] : memref<32x4x256xf32, #tpu.memory_space<vmem>>[vector<16xi32>, vector<16xi32>, vector<16xi32>], vector<16xf32>,
      %broadcast_in_dim3A_190 = arith.constant 2 : i32
      %broadcast_in_dim3A_191 = vector.broadcast %broadcast_in_dim3A_190 : i32 to vector<16xi32>
      %gather3A_192 = tpu.vector_load_idx %arg13[%add3A_139, %broadcast_in_dim3A_191, %add3A_133] : memref<32x4x256xf32, #tpu.memory_space<vmem>>[vector<16xi32>, vector<16xi32>, vector<16xi32>], vector<16xf32>,
      %broadcast_in_dim3A_193 = arith.constant 3 : i32
      %broadcast_in_dim3A_194 = vector.broadcast %broadcast_in_dim3A_193 : i32 to vector<16xi32>
      %gather3A_195 = tpu.vector_load_idx %arg13[%add3A_139, %broadcast_in_dim3A_194, %add3A_133] : memref<32x4x256xf32, #tpu.memory_space<vmem>>[vector<16xi32>, vector<16xi32>, vector<16xi32>], vector<16xf32>,
      %mul3A_196 = arith.mulf %gather3A_174, %gather3A_174 : vector<16xf32>
      %mul3A_197 = arith.mulf %gather3A_177, %gather3A_177 : vector<16xf32>
      %add3A_198 = arith.addf %mul3A_196, %mul3A_197 : vector<16xf32>
      %mul3A_199 = arith.mulf %gather3A_180, %gather3A_180 : vector<16xf32>
      %add3A_200 = arith.addf %add3A_198, %mul3A_199 : vector<16xf32>
      %mul3A_201 = arith.mulf %gather3A_183, %gather3A_183 : vector<16xf32>
      %add3A_202 = arith.addf %add3A_200, %mul3A_201 : vector<16xf32>
      %mul3A_203 = arith.mulf %gather3A_186, %gather3A_186 : vector<16xf32>
      %mul3A_204 = arith.mulf %gather3A_189, %gather3A_189 : vector<16xf32>
      %add3A_205 = arith.addf %mul3A_203, %mul3A_204 : vector<16xf32>
      %mul3A_206 = arith.mulf %gather3A_192, %gather3A_192 : vector<16xf32>
      %add3A_207 = arith.addf %add3A_205, %mul3A_206 : vector<16xf32>
      %mul3A_208 = arith.mulf %gather3A_195, %gather3A_195 : vector<16xf32>
      %add3A_209 = arith.addf %add3A_207, %mul3A_208 : vector<16xf32>
      %mul3A_210 = arith.mulf %gather3A_174, %gather3A_186 : vector<16xf32>
      %mul3A_211 = arith.mulf %gather3A_177, %gather3A_189 : vector<16xf32>
      %add3A_212 = arith.addf %mul3A_210, %mul3A_211 : vector<16xf32>
      %mul3A_213 = arith.mulf %gather3A_180, %gather3A_192 : vector<16xf32>
      %add3A_214 = arith.addf %add3A_212, %mul3A_213 : vector<16xf32>
      %mul3A_215 = arith.mulf %gather3A_183, %gather3A_195 : vector<16xf32>
      %add3A_216 = arith.addf %add3A_214, %mul3A_215 : vector<16xf32>
      %bitcast3A = vector.bitcast %add3A_202 : vector<16xf32> to vector<16xi32>
      %shift_right_logical3A = arith.constant 1 : i32
      %shift_right_logical3A_217 = vector.broadcast %shift_right_logical3A : i32 to vector<16xi32>
      %shift_right_logical3A_218 = arith.shrui %bitcast3A, %shift_right_logical3A_217 : vector<16xi32>
      %sub3A_219 = arith.constant 1597463007 : i32
      %sub3A_220 = vector.broadcast %sub3A_219 : i32 to vector<16xi32>
      %sub3A_221 = arith.subi %sub3A_220, %shift_right_logical3A_218 : vector<16xi32>
      %bitcast3A_222 = vector.bitcast %sub3A_221 : vector<16xi32> to vector<16xf32>
      %mul3A_223 = arith.constant 5.000000e-01 : f32
      %mul3A_224 = vector.broadcast %mul3A_223 : f32 to vector<16xf32>
      %mul3A_225 = arith.mulf %mul3A_224, %add3A_202 : vector<16xf32>
      %mul3A_226 = arith.mulf %mul3A_225, %bitcast3A_222 : vector<16xf32>
      %mul3A_227 = arith.mulf %mul3A_226, %bitcast3A_222 : vector<16xf32>
      %sub3A_228 = arith.constant 1.500000e+00 : f32
      %sub3A_229 = vector.broadcast %sub3A_228 : f32 to vector<16xf32>
      %sub3A_230 = arith.subf %sub3A_229, %mul3A_227 : vector<16xf32>
      %mul3A_231 = arith.mulf %bitcast3A_222, %sub3A_230 : vector<16xf32>
      %mul3A_232 = arith.constant 5.000000e-01 : f32
      %mul3A_233 = vector.broadcast %mul3A_232 : f32 to vector<16xf32>
      %mul3A_234 = arith.mulf %mul3A_233, %add3A_202 : vector<16xf32>
      %mul3A_235 = arith.mulf %mul3A_234, %mul3A_231 : vector<16xf32>
      %mul3A_236 = arith.mulf %mul3A_235, %mul3A_231 : vector<16xf32>
      %sub3A_237 = arith.constant 1.500000e+00 : f32
      %sub3A_238 = vector.broadcast %sub3A_237 : f32 to vector<16xf32>
      %sub3A_239 = arith.subf %sub3A_238, %mul3A_236 : vector<16xf32>
      %mul3A_240 = arith.mulf %mul3A_231, %sub3A_239 : vector<16xf32>
      %bitcast3A_241 = vector.bitcast %add3A_209 : vector<16xf32> to vector<16xi32>
      %shift_right_logical3A_242 = arith.constant 1 : i32
      %shift_right_logical3A_243 = vector.broadcast %shift_right_logical3A_242 : i32 to vector<16xi32>
      %shift_right_logical3A_244 = arith.shrui %bitcast3A_241, %shift_right_logical3A_243 : vector<16xi32>
      %sub3A_245 = arith.constant 1597463007 : i32
      %sub3A_246 = vector.broadcast %sub3A_245 : i32 to vector<16xi32>
      %sub3A_247 = arith.subi %sub3A_246, %shift_right_logical3A_244 : vector<16xi32>
      %bitcast3A_248 = vector.bitcast %sub3A_247 : vector<16xi32> to vector<16xf32>
      %mul3A_249 = arith.constant 5.000000e-01 : f32
      %mul3A_250 = vector.broadcast %mul3A_249 : f32 to vector<16xf32>
      %mul3A_251 = arith.mulf %mul3A_250, %add3A_209 : vector<16xf32>
      %mul3A_252 = arith.mulf %mul3A_251, %bitcast3A_248 : vector<16xf32>
      %mul3A_253 = arith.mulf %mul3A_252, %bitcast3A_248 : vector<16xf32>
      %sub3A_254 = arith.constant 1.500000e+00 : f32
      %sub3A_255 = vector.broadcast %sub3A_254 : f32 to vector<16xf32>
      %sub3A_256 = arith.subf %sub3A_255, %mul3A_253 : vector<16xf32>
      %mul3A_257 = arith.mulf %bitcast3A_248, %sub3A_256 : vector<16xf32>
      %mul3A_258 = arith.constant 5.000000e-01 : f32
      %mul3A_259 = vector.broadcast %mul3A_258 : f32 to vector<16xf32>
      %mul3A_260 = arith.mulf %mul3A_259, %add3A_209 : vector<16xf32>
      %mul3A_261 = arith.mulf %mul3A_260, %mul3A_257 : vector<16xf32>
      %mul3A_262 = arith.mulf %mul3A_261, %mul3A_257 : vector<16xf32>
      %sub3A_263 = arith.constant 1.500000e+00 : f32
      %sub3A_264 = vector.broadcast %sub3A_263 : f32 to vector<16xf32>
      %sub3A_265 = arith.subf %sub3A_264, %mul3A_262 : vector<16xf32>
      %mul3A_266 = arith.mulf %mul3A_257, %sub3A_265 : vector<16xf32>
      %mul3A_267 = arith.mulf %add3A_216, %mul3A_240 : vector<16xf32>
      %mul3A_268 = arith.mulf %mul3A_267, %mul3A_266 : vector<16xf32>
      %lt3A = arith.constant 0.000000e+00 : f32
      %lt3A_269 = vector.broadcast %lt3A : f32 to vector<16xf32>
      %lt3A_270 = arith.cmpf olt, %mul3A_268, %lt3A_269 : vector<16xf32>
      %jit3A = arith.constant -1.000000e+00 : f32
      %jit3A_271 = arith.constant 1.000000e+00 : f32
      %broadcast_in_dim3A_272 = vector.broadcast %jit3A : f32 to vector<16xf32>
      %broadcast_in_dim3A_273 = vector.broadcast %jit3A_271 : f32 to vector<16xf32>
      %select_n3A = arith.select %lt3A_270, %broadcast_in_dim3A_272, %broadcast_in_dim3A_273 : vector<16xi1>, vector<16xf32>
      %abs3A = math.absf %mul3A_268 : vector<16xf32>
      %jit3A_274 = arith.constant 0.000000e+00 : f32
      %jit3A_275 = arith.constant 0.99999988 : f32
      %max3A = vector.broadcast %jit3A_274 : f32 to vector<16xf32>
      %max3A_276 = arith.maximumf %max3A, %abs3A : vector<16xf32>
      %min3A = vector.broadcast %jit3A_275 : f32 to vector<16xf32>
      %min3A_277 = arith.minimumf %min3A, %max3A_276 : vector<16xf32>
      %sub3A_278 = arith.constant 1.000000e+00 : f32
      %sub3A_279 = vector.broadcast %sub3A_278 : f32 to vector<16xf32>
      %sub3A_280 = arith.subf %sub3A_279, %min3A_277 : vector<16xf32>
      %max3A_281 = arith.constant 9.99999993E-9 : f32
      %max3A_282 = vector.broadcast %max3A_281 : f32 to vector<16xf32>
      %max3A_283 = arith.maximumf %sub3A_280, %max3A_282 : vector<16xf32>
      %bitcast3A_284 = vector.bitcast %max3A_283 : vector<16xf32> to vector<16xi32>
      %shift_right_logical3A_285 = arith.constant 1 : i32
      %shift_right_logical3A_286 = vector.broadcast %shift_right_logical3A_285 : i32 to vector<16xi32>
      %shift_right_logical3A_287 = arith.shrui %bitcast3A_284, %shift_right_logical3A_286 : vector<16xi32>
      %sub3A_288 = arith.constant 1597463007 : i32
      %sub3A_289 = vector.broadcast %sub3A_288 : i32 to vector<16xi32>
      %sub3A_290 = arith.subi %sub3A_289, %shift_right_logical3A_287 : vector<16xi32>
      %bitcast3A_291 = vector.bitcast %sub3A_290 : vector<16xi32> to vector<16xf32>
      %mul3A_292 = arith.constant 5.000000e-01 : f32
      %mul3A_293 = vector.broadcast %mul3A_292 : f32 to vector<16xf32>
      %mul3A_294 = arith.mulf %mul3A_293, %max3A_283 : vector<16xf32>
      %mul3A_295 = arith.mulf %mul3A_294, %bitcast3A_291 : vector<16xf32>
      %mul3A_296 = arith.mulf %mul3A_295, %bitcast3A_291 : vector<16xf32>
      %sub3A_297 = arith.constant 1.500000e+00 : f32
      %sub3A_298 = vector.broadcast %sub3A_297 : f32 to vector<16xf32>
      %sub3A_299 = arith.subf %sub3A_298, %mul3A_296 : vector<16xf32>
      %mul3A_300 = arith.mulf %bitcast3A_291, %sub3A_299 : vector<16xf32>
      %mul3A_301 = arith.constant 5.000000e-01 : f32
      %mul3A_302 = vector.broadcast %mul3A_301 : f32 to vector<16xf32>
      %mul3A_303 = arith.mulf %mul3A_302, %max3A_283 : vector<16xf32>
      %mul3A_304 = arith.mulf %mul3A_303, %mul3A_300 : vector<16xf32>
      %mul3A_305 = arith.mulf %mul3A_304, %mul3A_300 : vector<16xf32>
      %sub3A_306 = arith.constant 1.500000e+00 : f32
      %sub3A_307 = vector.broadcast %sub3A_306 : f32 to vector<16xf32>
      %sub3A_308 = arith.subf %sub3A_307, %mul3A_305 : vector<16xf32>
      %mul3A_309 = arith.mulf %mul3A_300, %sub3A_308 : vector<16xf32>
      %mul3A_310 = arith.mulf %max3A_283, %mul3A_309 : vector<16xf32>
      %mul3A_311 = arith.constant -0.0012624911 : f32
      %mul3A_312 = vector.broadcast %mul3A_311 : f32 to vector<16xf32>
      %mul3A_313 = arith.mulf %mul3A_312, %min3A_277 : vector<16xf32>
      %add3A_314 = arith.constant 6.670090e-03 : f32
      %add3A_315 = vector.broadcast %add3A_314 : f32 to vector<16xf32>
      %add3A_316 = arith.addf %mul3A_313, %add3A_315 : vector<16xf32>
      %mul3A_317 = arith.mulf %add3A_316, %min3A_277 : vector<16xf32>
      %add3A_318 = arith.constant -0.0170881264 : f32
      %add3A_319 = vector.broadcast %add3A_318 : f32 to vector<16xf32>
      %add3A_320 = arith.addf %mul3A_317, %add3A_319 : vector<16xf32>
      %mul3A_321 = arith.mulf %add3A_320, %min3A_277 : vector<16xf32>
      %add3A_322 = arith.constant 0.0308918804 : f32
      %add3A_323 = vector.broadcast %add3A_322 : f32 to vector<16xf32>
      %add3A_324 = arith.addf %mul3A_321, %add3A_323 : vector<16xf32>
      %mul3A_325 = arith.mulf %add3A_324, %min3A_277 : vector<16xf32>
      %add3A_326 = arith.constant -0.0501743034 : f32
      %add3A_327 = vector.broadcast %add3A_326 : f32 to vector<16xf32>
      %add3A_328 = arith.addf %mul3A_325, %add3A_327 : vector<16xf32>
      %mul3A_329 = arith.mulf %add3A_328, %min3A_277 : vector<16xf32>
      %add3A_330 = arith.constant 0.0889789909 : f32
      %add3A_331 = vector.broadcast %add3A_330 : f32 to vector<16xf32>
      %add3A_332 = arith.addf %mul3A_329, %add3A_331 : vector<16xf32>
      %mul3A_333 = arith.mulf %add3A_332, %min3A_277 : vector<16xf32>
      %add3A_334 = arith.constant -0.214598805 : f32
      %add3A_335 = vector.broadcast %add3A_334 : f32 to vector<16xf32>
      %add3A_336 = arith.addf %mul3A_333, %add3A_335 : vector<16xf32>
      %mul3A_337 = arith.mulf %add3A_336, %min3A_277 : vector<16xf32>
      %add3A_338 = arith.constant 1.57079625 : f32
      %add3A_339 = vector.broadcast %add3A_338 : f32 to vector<16xf32>
      %add3A_340 = arith.addf %mul3A_337, %add3A_339 : vector<16xf32>
      %mul3A_341 = arith.mulf %mul3A_310, %add3A_340 : vector<16xf32>
      %mul3A_342 = arith.mulf %min3A_277, %min3A_277 : vector<16xf32>
      %sub3A_343 = arith.constant 1.000000e+00 : f32
      %sub3A_344 = vector.broadcast %sub3A_343 : f32 to vector<16xf32>
      %sub3A_345 = arith.subf %sub3A_344, %mul3A_342 : vector<16xf32>
      %max3A_346 = arith.constant 9.99999993E-9 : f32
      %max3A_347 = vector.broadcast %max3A_346 : f32 to vector<16xf32>
      %max3A_348 = arith.maximumf %sub3A_345, %max3A_347 : vector<16xf32>
      %bitcast3A_349 = vector.bitcast %max3A_348 : vector<16xf32> to vector<16xi32>
      %shift_right_logical3A_350 = arith.constant 1 : i32
      %shift_right_logical3A_351 = vector.broadcast %shift_right_logical3A_350 : i32 to vector<16xi32>
      %shift_right_logical3A_352 = arith.shrui %bitcast3A_349, %shift_right_logical3A_351 : vector<16xi32>
      %sub3A_353 = arith.constant 1597463007 : i32
      %sub3A_354 = vector.broadcast %sub3A_353 : i32 to vector<16xi32>
      %sub3A_355 = arith.subi %sub3A_354, %shift_right_logical3A_352 : vector<16xi32>
      %bitcast3A_356 = vector.bitcast %sub3A_355 : vector<16xi32> to vector<16xf32>
      %mul3A_357 = arith.constant 5.000000e-01 : f32
      %mul3A_358 = vector.broadcast %mul3A_357 : f32 to vector<16xf32>
      %mul3A_359 = arith.mulf %mul3A_358, %max3A_348 : vector<16xf32>
      %mul3A_360 = arith.mulf %mul3A_359, %bitcast3A_356 : vector<16xf32>
      %mul3A_361 = arith.mulf %mul3A_360, %bitcast3A_356 : vector<16xf32>
      %sub3A_362 = arith.constant 1.500000e+00 : f32
      %sub3A_363 = vector.broadcast %sub3A_362 : f32 to vector<16xf32>
      %sub3A_364 = arith.subf %sub3A_363, %mul3A_361 : vector<16xf32>
      %mul3A_365 = arith.mulf %bitcast3A_356, %sub3A_364 : vector<16xf32>
      %mul3A_366 = arith.constant 5.000000e-01 : f32
      %mul3A_367 = vector.broadcast %mul3A_366 : f32 to vector<16xf32>
      %mul3A_368 = arith.mulf %mul3A_367, %max3A_348 : vector<16xf32>
      %mul3A_369 = arith.mulf %mul3A_368, %mul3A_365 : vector<16xf32>
      %mul3A_370 = arith.mulf %mul3A_369, %mul3A_365 : vector<16xf32>
      %sub3A_371 = arith.constant 1.500000e+00 : f32
      %sub3A_372 = vector.broadcast %sub3A_371 : f32 to vector<16xf32>
      %sub3A_373 = arith.subf %sub3A_372, %mul3A_370 : vector<16xf32>
      %mul3A_374 = arith.mulf %mul3A_365, %sub3A_373 : vector<16xf32>
      %mul3A_375 = arith.mulf %max3A_348, %mul3A_374 : vector<16xf32>
      %mul3A_376 = arith.mulf %sub3A_141, %mul3A_341 : vector<16xf32>
      %mul3A_377 = arith.mulf %mul3A_376, %mul3A_376 : vector<16xf32>
      %mul3A_378 = arith.constant 2.75573188E-6 : f32
      %mul3A_379 = vector.broadcast %mul3A_378 : f32 to vector<16xf32>
      %mul3A_380 = arith.mulf %mul3A_379, %mul3A_377 : vector<16xf32>
      %add3A_381 = arith.constant -1.98412701E-4 : f32
      %add3A_382 = vector.broadcast %add3A_381 : f32 to vector<16xf32>
      %add3A_383 = arith.addf %mul3A_380, %add3A_382 : vector<16xf32>
      %mul3A_384 = arith.mulf %add3A_383, %mul3A_377 : vector<16xf32>
      %add3A_385 = arith.constant 0.00833333377 : f32
      %add3A_386 = vector.broadcast %add3A_385 : f32 to vector<16xf32>
      %add3A_387 = arith.addf %mul3A_384, %add3A_386 : vector<16xf32>
      %mul3A_388 = arith.mulf %add3A_387, %mul3A_377 : vector<16xf32>
      %add3A_389 = arith.constant -0.166666672 : f32
      %add3A_390 = vector.broadcast %add3A_389 : f32 to vector<16xf32>
      %add3A_391 = arith.addf %mul3A_388, %add3A_390 : vector<16xf32>
      %mul3A_392 = arith.mulf %add3A_391, %mul3A_377 : vector<16xf32>
      %add3A_393 = arith.constant 1.000000e+00 : f32
      %add3A_394 = vector.broadcast %add3A_393 : f32 to vector<16xf32>
      %add3A_395 = arith.addf %mul3A_392, %add3A_394 : vector<16xf32>
      %mul3A_396 = arith.mulf %mul3A_376, %add3A_395 : vector<16xf32>
      %div3A = arith.divf %mul3A_396, %mul3A_375 : vector<16xf32>
      %mul3A_397 = arith.mulf %get3A_136, %mul3A_341 : vector<16xf32>
      %mul3A_398 = arith.mulf %mul3A_397, %mul3A_397 : vector<16xf32>
      %mul3A_399 = arith.constant 2.75573188E-6 : f32
      %mul3A_400 = vector.broadcast %mul3A_399 : f32 to vector<16xf32>
      %mul3A_401 = arith.mulf %mul3A_400, %mul3A_398 : vector<16xf32>
      %add3A_402 = arith.constant -1.98412701E-4 : f32
      %add3A_403 = vector.broadcast %add3A_402 : f32 to vector<16xf32>
      %add3A_404 = arith.addf %mul3A_401, %add3A_403 : vector<16xf32>
      %mul3A_405 = arith.mulf %add3A_404, %mul3A_398 : vector<16xf32>
      %add3A_406 = arith.constant 0.00833333377 : f32
      %add3A_407 = vector.broadcast %add3A_406 : f32 to vector<16xf32>
      %add3A_408 = arith.addf %mul3A_405, %add3A_407 : vector<16xf32>
      %mul3A_409 = arith.mulf %add3A_408, %mul3A_398 : vector<16xf32>
      %add3A_410 = arith.constant -0.166666672 : f32
      %add3A_411 = vector.broadcast %add3A_410 : f32 to vector<16xf32>
      %add3A_412 = arith.addf %mul3A_409, %add3A_411 : vector<16xf32>
      %mul3A_413 = arith.mulf %add3A_412, %mul3A_398 : vector<16xf32>
      %add3A_414 = arith.constant 1.000000e+00 : f32
      %add3A_415 = vector.broadcast %add3A_414 : f32 to vector<16xf32>
      %add3A_416 = arith.addf %mul3A_413, %add3A_415 : vector<16xf32>
      %mul3A_417 = arith.mulf %mul3A_397, %add3A_416 : vector<16xf32>
      %div3A_418 = arith.divf %mul3A_417, %mul3A_375 : vector<16xf32>
      %gt3A = arith.constant 0.999499976 : f32
      %gt3A_419 = vector.broadcast %gt3A : f32 to vector<16xf32>
      %gt3A_420 = arith.cmpf ogt, %min3A_277, %gt3A_419 : vector<16xf32>
      %select_n3A_421 = arith.select %gt3A_420, %sub3A_141, %div3A : vector<16xi1>, vector<16xf32>
      %select_n3A_422 = arith.select %gt3A_420, %get3A_136, %div3A_418 : vector<16xi1>, vector<16xf32>
      %mul3A_423 = arith.mulf %select_n3A_421, %mul3A_240 : vector<16xf32>
      %mul3A_424 = arith.mulf %select_n3A_422, %mul3A_266 : vector<16xf32>
      %mul3A_425 = arith.mulf %mul3A_424, %select_n3A : vector<16xf32>
      %mul3A_426 = arith.mulf %mul3A_423, %mul3A_423 : vector<16xf32>
      %mul3A_427 = arith.mulf %mul3A_426, %add3A_202 : vector<16xf32>
      %mul3A_428 = arith.constant 2.000000e+00 : f32
      %mul3A_429 = vector.broadcast %mul3A_428 : f32 to vector<16xf32>
      %mul3A_430 = arith.mulf %mul3A_429, %mul3A_423 : vector<16xf32>
      %mul3A_431 = arith.mulf %mul3A_430, %mul3A_425 : vector<16xf32>
      %mul3A_432 = arith.mulf %mul3A_431, %add3A_216 : vector<16xf32>
      %add3A_433 = arith.addf %mul3A_427, %mul3A_432 : vector<16xf32>
      %mul3A_434 = arith.mulf %mul3A_425, %mul3A_425 : vector<16xf32>
      %mul3A_435 = arith.mulf %mul3A_434, %add3A_209 : vector<16xf32>
      %add3A_436 = arith.addf %add3A_433, %mul3A_435 : vector<16xf32>
      %bitcast3A_437 = vector.bitcast %add3A_436 : vector<16xf32> to vector<16xi32>
      %shift_right_logical3A_438 = arith.constant 1 : i32
      %shift_right_logical3A_439 = vector.broadcast %shift_right_logical3A_438 : i32 to vector<16xi32>
      %shift_right_logical3A_440 = arith.shrui %bitcast3A_437, %shift_right_logical3A_439 : vector<16xi32>
      %sub3A_441 = arith.constant 1597463007 : i32
      %sub3A_442 = vector.broadcast %sub3A_441 : i32 to vector<16xi32>
      %sub3A_443 = arith.subi %sub3A_442, %shift_right_logical3A_440 : vector<16xi32>
      %bitcast3A_444 = vector.bitcast %sub3A_443 : vector<16xi32> to vector<16xf32>
      %mul3A_445 = arith.constant 5.000000e-01 : f32
      %mul3A_446 = vector.broadcast %mul3A_445 : f32 to vector<16xf32>
      %mul3A_447 = arith.mulf %mul3A_446, %add3A_436 : vector<16xf32>
      %mul3A_448 = arith.mulf %mul3A_447, %bitcast3A_444 : vector<16xf32>
      %mul3A_449 = arith.mulf %mul3A_448, %bitcast3A_444 : vector<16xf32>
      %sub3A_450 = arith.constant 1.500000e+00 : f32
      %sub3A_451 = vector.broadcast %sub3A_450 : f32 to vector<16xf32>
      %sub3A_452 = arith.subf %sub3A_451, %mul3A_449 : vector<16xf32>
      %mul3A_453 = arith.mulf %bitcast3A_444, %sub3A_452 : vector<16xf32>
      %mul3A_454 = arith.constant 5.000000e-01 : f32
      %mul3A_455 = vector.broadcast %mul3A_454 : f32 to vector<16xf32>
      %mul3A_456 = arith.mulf %mul3A_455, %add3A_436 : vector<16xf32>
      %mul3A_457 = arith.mulf %mul3A_456, %mul3A_453 : vector<16xf32>
      %mul3A_458 = arith.mulf %mul3A_457, %mul3A_453 : vector<16xf32>
      %sub3A_459 = arith.constant 1.500000e+00 : f32
      %sub3A_460 = vector.broadcast %sub3A_459 : f32 to vector<16xf32>
      %sub3A_461 = arith.subf %sub3A_460, %mul3A_458 : vector<16xf32>
      %mul3A_462 = arith.mulf %mul3A_453, %sub3A_461 : vector<16xf32>
      %mul3A_463 = arith.mulf %mul3A_423, %mul3A_462 : vector<16xf32>
      %mul3A_464 = arith.mulf %mul3A_425, %mul3A_462 : vector<16xf32>
      %mul3A_465 = arith.mulf %mul3A_463, %gather3A_174 : vector<16xf32>
      %mul3A_466 = arith.mulf %mul3A_464, %gather3A_186 : vector<16xf32>
      %add3A_467 = arith.addf %mul3A_465, %mul3A_466 : vector<16xf32>
      %swap3A_468 = arith.constant 3 : i32
      %swap3A_469 = arith.index_cast %swap3A_468 : i32 to index
      %swap3A_470 = arith.index_cast %mul3A_131 : i32 to index
      %swap3A_471 = tpu.vector_load %arg16[%swap3A_469, %swap3A_470] {strides = array<i32>} : memref<8x256xf32, #tpu.memory_space<vmem>>, vector<16xf32>,
      tpu.vector_store %arg16[%swap3A_469, %swap3A_470], %add3A_467 {strides = array<i32>} : memref<8x256xf32, #tpu.memory_space<vmem>>, vector<16xf32>,
      %mul3A_472 = arith.mulf %mul3A_463, %gather3A_177 : vector<16xf32>
      %mul3A_473 = arith.mulf %mul3A_464, %gather3A_189 : vector<16xf32>
      %add3A_474 = arith.addf %mul3A_472, %mul3A_473 : vector<16xf32>
      %swap3A_475 = arith.constant 4 : i32
      %swap3A_476 = arith.index_cast %swap3A_475 : i32 to index
      %swap3A_477 = arith.index_cast %mul3A_131 : i32 to index
      %swap3A_478 = tpu.vector_load %arg16[%swap3A_476, %swap3A_477] {strides = array<i32>} : memref<8x256xf32, #tpu.memory_space<vmem>>, vector<16xf32>,
      tpu.vector_store %arg16[%swap3A_476, %swap3A_477], %add3A_474 {strides = array<i32>} : memref<8x256xf32, #tpu.memory_space<vmem>>, vector<16xf32>,
      %mul3A_479 = arith.mulf %mul3A_463, %gather3A_180 : vector<16xf32>
      %mul3A_480 = arith.mulf %mul3A_464, %gather3A_192 : vector<16xf32>
      %add3A_481 = arith.addf %mul3A_479, %mul3A_480 : vector<16xf32>
      %swap3A_482 = arith.constant 5 : i32
      %swap3A_483 = arith.index_cast %swap3A_482 : i32 to index
      %swap3A_484 = arith.index_cast %mul3A_131 : i32 to index
      %swap3A_485 = tpu.vector_load %arg16[%swap3A_483, %swap3A_484] {strides = array<i32>} : memref<8x256xf32, #tpu.memory_space<vmem>>, vector<16xf32>,
      tpu.vector_store %arg16[%swap3A_483, %swap3A_484], %add3A_481 {strides = array<i32>} : memref<8x256xf32, #tpu.memory_space<vmem>>, vector<16xf32>,
      %mul3A_486 = arith.mulf %mul3A_463, %gather3A_183 : vector<16xf32>
      %mul3A_487 = arith.mulf %mul3A_464, %gather3A_195 : vector<16xf32>
      %add3A_488 = arith.addf %mul3A_486, %mul3A_487 : vector<16xf32>
      %swap3A_489 = arith.constant 6 : i32
      %swap3A_490 = arith.index_cast %swap3A_489 : i32 to index
      %swap3A_491 = arith.index_cast %mul3A_131 : i32 to index
      %swap3A_492 = tpu.vector_load %arg16[%swap3A_490, %swap3A_491] {strides = array<i32>} : memref<8x256xf32, #tpu.memory_space<vmem>>, vector<16xf32>,
      tpu.vector_store %arg16[%swap3A_490, %swap3A_491], %add3A_488 {strides = array<i32>} : memref<8x256xf32, #tpu.memory_space<vmem>>, vector<16xf32>,
    }
    %scan3A_120 = arith.constant 16 : i32
    %dma_start3A_121 = arith.constant 0 : i32
    %dma_start3A_122 = tpu.memref_slice %arg6[%dma_start3A_121, %multiple_of3A_114] : memref<8x360448xf32, #tpu.memory_space<hbm>> -> memref<8x256xf32, #tpu.memory_space<hbm>>
    %dma_start3A_123 = arith.constant 0 : i32
    %dma_start3A_124 = tpu.memref_slice %arg6[%dma_start3A_123, %multiple_of3A_114] : memref<8x360448xf32, #tpu.memory_space<hbm>> -> memref<8x256xf32, #tpu.memory_space<hbm>>
    tpu.enqueue_dma source(%arg16 : memref<8x256xf32, #tpu.memory_space<vmem>>) target(%dma_start3A_124 : memref<8x256xf32, #tpu.memory_space<hbm>>) target_semaphore(%arg19 : memref<!tpu.dma_semaphore, #tpu.memory_space<semaphore_mem>>)
    %dma_wait3A_125 = arith.constant 0 : i32
    %dma_wait3A_126 = tpu.memref_slice %arg6[%dma_wait3A_125, %multiple_of3A_114] : memref<8x360448xf32, #tpu.memory_space<hbm>> -> memref<8x256xf32, #tpu.memory_space<hbm>>
    %dma_wait3A_127 = arith.constant 0 : i32
    %dma_wait3A_128 = tpu.memref_slice %arg6[%dma_wait3A_127, %multiple_of3A_114] : memref<8x360448xf32, #tpu.memory_space<hbm>> -> memref<8x256xf32, #tpu.memory_space<hbm>>
    tpu.wait_dma2 semaphore(%arg19 : memref<!tpu.dma_semaphore, #tpu.memory_space<semaphore_mem>>) src(%arg16 : memref<8x256xf32, #tpu.memory_space<vmem>>) dst(%dma_wait3A_128 : memref<8x256xf32, #tpu.memory_space<hbm>>)
    return
  }
}

module attributes {stable_mosaic.version = 14 : i64} {
  func.func @_tc_body(%arg0: i32, %arg1: memref<1x4096xf32, #tpu.memory_space<vmem>>, %arg2: memref<1x4096xi32, #tpu.memory_space<vmem>>, %arg3: memref<3x32x4096xf32, #tpu.memory_space<vmem>>, %arg4: memref<32x4x4096xf32, #tpu.memory_space<vmem>>, %arg5: memref<7x4096xf32, #tpu.memory_space<vmem>>) attributes {dimension_semantics = [#tpu.dimension_semantics<arbitrary>], iteration_bounds = array<i64: 35>, scalar_prefetch = 0 : i64, scratch_operands = 0 : i64, tpu.core_type = #tpu.core_type<tc>, window_params = [{transform_indices = @transform_0, window_bounds = array<i64: 1, 4096>}, {transform_indices = @transform_1, window_bounds = array<i64: 1, 4096>}, {transform_indices = @transform_2, window_bounds = array<i64: 3, 32, 4096>}, {transform_indices = @transform_3, window_bounds = array<i64: 32, 4, 4096>}, {transform_indices = @transform_4, window_bounds = array<i64: 7, 4096>}]} {
    %get3A = arith.constant 0 : index
    %get3A_0 = arith.constant 0 : index
    %get3A_1 = vector.load %arg1[%get3A, %get3A_0] : memref<1x4096xf32, #tpu.memory_space<vmem>>, vector<1x4096xf32>
    %get3A_2 = arith.constant 0 : index
    %get3A_3 = arith.constant 0 : index
    %get3A_4 = vector.load %arg2[%get3A_2, %get3A_3] : memref<1x4096xi32, #tpu.memory_space<vmem>>, vector<1x4096xi32>
    %broadcast_in_dim3A = vector.shape_cast %get3A_4 : vector<1x4096xi32> to vector<1x1x4096xi32>
    %get3A_5 = arith.constant 0 : index
    %get3A_6 = arith.constant 0 : index
    %get3A_7 = arith.constant 0 : index
    %get3A_8 = vector.load %arg3[%get3A_5, %get3A_6, %get3A_7] : memref<3x32x4096xf32, #tpu.memory_space<vmem>>, vector<3x32x4096xf32>
    %iota3A = tpu.iota {dimensions = array<i32: 1>} : vector<1x32x1xi32>
    %eq3A = vector.broadcast %iota3A : vector<1x32x1xi32> to vector<1x32x4096xi32>
    %eq3A_9 = vector.broadcast %broadcast_in_dim3A : vector<1x1x4096xi32> to vector<1x32x4096xi32>
    %eq3A_10 = arith.cmpi eq, %eq3A, %eq3A_9 : vector<1x32x4096xi32>
    %add3A = arith.constant 1 : i32
    %add3A_11 = vector.broadcast %add3A : i32 to vector<1x1x4096xi32>
    %add3A_12 = arith.addi %broadcast_in_dim3A, %add3A_11 : vector<1x1x4096xi32>
    %eq3A_13 = vector.broadcast %iota3A : vector<1x32x1xi32> to vector<1x32x4096xi32>
    %eq3A_14 = vector.broadcast %add3A_12 : vector<1x1x4096xi32> to vector<1x32x4096xi32>
    %eq3A_15 = arith.cmpi eq, %eq3A_13, %eq3A_14 : vector<1x32x4096xi32>
    %jit3A = arith.constant 0.000000e+00 : f32
    %broadcast_in_dim3A_16 = vector.shape_cast %eq3A_10 : vector<1x32x4096xi1> to vector<1x32x4096xi1>
    %broadcast_in_dim3A_17 = vector.broadcast %broadcast_in_dim3A_16 : vector<1x32x4096xi1> to vector<3x32x4096xi1>
    %broadcast_in_dim3A_18 = vector.broadcast %jit3A : f32 to vector<3x32x4096xf32>
    %select_n3A = arith.select %broadcast_in_dim3A_17, %get3A_8, %broadcast_in_dim3A_18 : vector<3x32x4096xi1>, vector<3x32x4096xf32>
    %reduce_sum3A = arith.constant dense<0.000000e+00> : vector<3x4096xf32>
    %reduce_sum3A_19 = vector.multi_reduction <add>, %select_n3A, %reduce_sum3A [1] : vector<3x32x4096xf32> to vector<3x4096xf32>
    %jit3A_20 = arith.constant 0.000000e+00 : f32
    %broadcast_in_dim3A_21 = vector.shape_cast %eq3A_15 : vector<1x32x4096xi1> to vector<1x32x4096xi1>
    %broadcast_in_dim3A_22 = vector.broadcast %broadcast_in_dim3A_21 : vector<1x32x4096xi1> to vector<3x32x4096xi1>
    %broadcast_in_dim3A_23 = vector.broadcast %jit3A_20 : f32 to vector<3x32x4096xf32>
    %select_n3A_24 = arith.select %broadcast_in_dim3A_22, %get3A_8, %broadcast_in_dim3A_23 : vector<3x32x4096xi1>, vector<3x32x4096xf32>
    %reduce_sum3A_25 = arith.constant dense<0.000000e+00> : vector<3x4096xf32>
    %reduce_sum3A_26 = vector.multi_reduction <add>, %select_n3A_24, %reduce_sum3A_25 [1] : vector<3x32x4096xf32> to vector<3x4096xf32>
    %sub3A = arith.constant 1.000000e+00 : f32
    %sub3A_27 = vector.broadcast %sub3A : f32 to vector<1x4096xf32>
    %sub3A_28 = arith.subf %sub3A_27, %get3A_1 : vector<1x4096xf32>
    %mul3A = vector.broadcast %sub3A_28 : vector<1x4096xf32> to vector<3x4096xf32>
    %mul3A_29 = arith.mulf %mul3A, %reduce_sum3A_19 : vector<3x4096xf32>
    %mul3A_30 = vector.broadcast %get3A_1 : vector<1x4096xf32> to vector<3x4096xf32>
    %mul3A_31 = arith.mulf %mul3A_30, %reduce_sum3A_26 : vector<3x4096xf32>
    %add3A_32 = arith.addf %mul3A_29, %mul3A_31 : vector<3x4096xf32>
    %get3A_33 = arith.constant 0 : index
    %get3A_34 = arith.constant 0 : index
    %get3A_35 = arith.constant 0 : index
    %get3A_36 = vector.load %arg4[%get3A_33, %get3A_34, %get3A_35] : memref<32x4x4096xf32, #tpu.memory_space<vmem>>, vector<32x4x4096xf32>
    %iota3A_37 = tpu.iota {dimensions = array<i32: 0>} : vector<32x1x1xi32>
    %eq3A_38 = vector.broadcast %iota3A_37 : vector<32x1x1xi32> to vector<32x1x4096xi32>
    %eq3A_39 = vector.broadcast %broadcast_in_dim3A : vector<1x1x4096xi32> to vector<32x1x4096xi32>
    %eq3A_40 = arith.cmpi eq, %eq3A_38, %eq3A_39 : vector<32x1x4096xi32>
    %add3A_41 = arith.constant 1 : i32
    %add3A_42 = vector.broadcast %add3A_41 : i32 to vector<1x1x4096xi32>
    %add3A_43 = arith.addi %broadcast_in_dim3A, %add3A_42 : vector<1x1x4096xi32>
    %eq3A_44 = vector.broadcast %iota3A_37 : vector<32x1x1xi32> to vector<32x1x4096xi32>
    %eq3A_45 = vector.broadcast %add3A_43 : vector<1x1x4096xi32> to vector<32x1x4096xi32>
    %eq3A_46 = arith.cmpi eq, %eq3A_44, %eq3A_45 : vector<32x1x4096xi32>
    %jit3A_47 = arith.constant 0.000000e+00 : f32
    %broadcast_in_dim3A_48 = vector.shape_cast %eq3A_40 : vector<32x1x4096xi1> to vector<32x1x4096xi1>
    %broadcast_in_dim3A_49 = vector.broadcast %broadcast_in_dim3A_48 : vector<32x1x4096xi1> to vector<32x4x4096xi1>
    %broadcast_in_dim3A_50 = vector.broadcast %jit3A_47 : f32 to vector<32x4x4096xf32>
    %select_n3A_51 = arith.select %broadcast_in_dim3A_49, %get3A_36, %broadcast_in_dim3A_50 : vector<32x4x4096xi1>, vector<32x4x4096xf32>
    %reduce_sum3A_52 = arith.constant dense<0.000000e+00> : vector<4x4096xf32>
    %reduce_sum3A_53 = vector.multi_reduction <add>, %select_n3A_51, %reduce_sum3A_52 [0] : vector<32x4x4096xf32> to vector<4x4096xf32>
    %jit3A_54 = arith.constant 0.000000e+00 : f32
    %broadcast_in_dim3A_55 = vector.shape_cast %eq3A_46 : vector<32x1x4096xi1> to vector<32x1x4096xi1>
    %broadcast_in_dim3A_56 = vector.broadcast %broadcast_in_dim3A_55 : vector<32x1x4096xi1> to vector<32x4x4096xi1>
    %broadcast_in_dim3A_57 = vector.broadcast %jit3A_54 : f32 to vector<32x4x4096xf32>
    %select_n3A_58 = arith.select %broadcast_in_dim3A_56, %get3A_36, %broadcast_in_dim3A_57 : vector<32x4x4096xi1>, vector<32x4x4096xf32>
    %reduce_sum3A_59 = arith.constant dense<0.000000e+00> : vector<4x4096xf32>
    %reduce_sum3A_60 = vector.multi_reduction <add>, %select_n3A_58, %reduce_sum3A_59 [0] : vector<32x4x4096xf32> to vector<4x4096xf32>
    %mul3A_61 = arith.mulf %reduce_sum3A_53, %reduce_sum3A_53 : vector<4x4096xf32>
    %reduce_sum3A_62 = arith.constant dense<0.000000e+00> : vector<4096xf32>
    %reduce_sum3A_63 = vector.multi_reduction <add>, %mul3A_61, %reduce_sum3A_62 [0] : vector<4x4096xf32> to vector<4096xf32>
    %broadcast_in_dim3A_64 = vector.shape_cast %reduce_sum3A_63 : vector<4096xf32> to vector<1x4096xf32>
    %mul3A_65 = arith.mulf %reduce_sum3A_60, %reduce_sum3A_60 : vector<4x4096xf32>
    %reduce_sum3A_66 = arith.constant dense<0.000000e+00> : vector<4096xf32>
    %reduce_sum3A_67 = vector.multi_reduction <add>, %mul3A_65, %reduce_sum3A_66 [0] : vector<4x4096xf32> to vector<4096xf32>
    %broadcast_in_dim3A_68 = vector.shape_cast %reduce_sum3A_67 : vector<4096xf32> to vector<1x4096xf32>
    %mul3A_69 = arith.mulf %reduce_sum3A_53, %reduce_sum3A_60 : vector<4x4096xf32>
    %reduce_sum3A_70 = arith.constant dense<0.000000e+00> : vector<4096xf32>
    %reduce_sum3A_71 = vector.multi_reduction <add>, %mul3A_69, %reduce_sum3A_70 [0] : vector<4x4096xf32> to vector<4096xf32>
    %broadcast_in_dim3A_72 = vector.shape_cast %reduce_sum3A_71 : vector<4096xf32> to vector<1x4096xf32>
    %rsqrt3A = math.rsqrt %broadcast_in_dim3A_64 : vector<1x4096xf32>
    %rsqrt3A_73 = math.rsqrt %broadcast_in_dim3A_68 : vector<1x4096xf32>
    %mul3A_74 = arith.mulf %broadcast_in_dim3A_72, %rsqrt3A : vector<1x4096xf32>
    %mul3A_75 = arith.mulf %mul3A_74, %rsqrt3A_73 : vector<1x4096xf32>
    %lt3A = arith.constant 0.000000e+00 : f32
    %lt3A_76 = vector.broadcast %lt3A : f32 to vector<1x4096xf32>
    %lt3A_77 = arith.cmpf olt, %mul3A_75, %lt3A_76 : vector<1x4096xf32>
    %jit3A_78 = arith.constant -1.000000e+00 : f32
    %jit3A_79 = arith.constant 1.000000e+00 : f32
    %broadcast_in_dim3A_80 = vector.broadcast %jit3A_78 : f32 to vector<1x4096xf32>
    %broadcast_in_dim3A_81 = vector.broadcast %jit3A_79 : f32 to vector<1x4096xf32>
    %select_n3A_82 = arith.select %lt3A_77, %broadcast_in_dim3A_80, %broadcast_in_dim3A_81 : vector<1x4096xi1>, vector<1x4096xf32>
    %abs3A = math.absf %mul3A_75 : vector<1x4096xf32>
    %jit3A_83 = arith.constant 0.000000e+00 : f32
    %jit3A_84 = arith.constant 0.99999988 : f32
    %max3A = vector.broadcast %jit3A_83 : f32 to vector<1x4096xf32>
    %max3A_85 = arith.maximumf %max3A, %abs3A : vector<1x4096xf32>
    %min3A = vector.broadcast %jit3A_84 : f32 to vector<1x4096xf32>
    %min3A_86 = arith.minimumf %min3A, %max3A_85 : vector<1x4096xf32>
    %sub3A_87 = arith.constant 1.000000e+00 : f32
    %sub3A_88 = vector.broadcast %sub3A_87 : f32 to vector<1x4096xf32>
    %sub3A_89 = arith.subf %sub3A_88, %min3A_86 : vector<1x4096xf32>
    %max3A_90 = arith.constant 0.000000e+00 : f32
    %max3A_91 = vector.broadcast %max3A_90 : f32 to vector<1x4096xf32>
    %max3A_92 = arith.maximumf %sub3A_89, %max3A_91 : vector<1x4096xf32>
    %sqrt3A = math.sqrt %max3A_92 : vector<1x4096xf32>
    %mul3A_93 = arith.constant -0.0012624911 : f32
    %mul3A_94 = vector.broadcast %mul3A_93 : f32 to vector<1x4096xf32>
    %mul3A_95 = arith.mulf %mul3A_94, %min3A_86 : vector<1x4096xf32>
    %add3A_96 = arith.constant 6.670090e-03 : f32
    %add3A_97 = vector.broadcast %add3A_96 : f32 to vector<1x4096xf32>
    %add3A_98 = arith.addf %mul3A_95, %add3A_97 : vector<1x4096xf32>
    %mul3A_99 = arith.mulf %add3A_98, %min3A_86 : vector<1x4096xf32>
    %add3A_100 = arith.constant -0.0170881264 : f32
    %add3A_101 = vector.broadcast %add3A_100 : f32 to vector<1x4096xf32>
    %add3A_102 = arith.addf %mul3A_99, %add3A_101 : vector<1x4096xf32>
    %mul3A_103 = arith.mulf %add3A_102, %min3A_86 : vector<1x4096xf32>
    %add3A_104 = arith.constant 0.0308918804 : f32
    %add3A_105 = vector.broadcast %add3A_104 : f32 to vector<1x4096xf32>
    %add3A_106 = arith.addf %mul3A_103, %add3A_105 : vector<1x4096xf32>
    %mul3A_107 = arith.mulf %add3A_106, %min3A_86 : vector<1x4096xf32>
    %add3A_108 = arith.constant -0.0501743034 : f32
    %add3A_109 = vector.broadcast %add3A_108 : f32 to vector<1x4096xf32>
    %add3A_110 = arith.addf %mul3A_107, %add3A_109 : vector<1x4096xf32>
    %mul3A_111 = arith.mulf %add3A_110, %min3A_86 : vector<1x4096xf32>
    %add3A_112 = arith.constant 0.0889789909 : f32
    %add3A_113 = vector.broadcast %add3A_112 : f32 to vector<1x4096xf32>
    %add3A_114 = arith.addf %mul3A_111, %add3A_113 : vector<1x4096xf32>
    %mul3A_115 = arith.mulf %add3A_114, %min3A_86 : vector<1x4096xf32>
    %add3A_116 = arith.constant -0.214598805 : f32
    %add3A_117 = vector.broadcast %add3A_116 : f32 to vector<1x4096xf32>
    %add3A_118 = arith.addf %mul3A_115, %add3A_117 : vector<1x4096xf32>
    %mul3A_119 = arith.mulf %add3A_118, %min3A_86 : vector<1x4096xf32>
    %add3A_120 = arith.constant 1.57079625 : f32
    %add3A_121 = vector.broadcast %add3A_120 : f32 to vector<1x4096xf32>
    %add3A_122 = arith.addf %mul3A_119, %add3A_121 : vector<1x4096xf32>
    %mul3A_123 = arith.mulf %sqrt3A, %add3A_122 : vector<1x4096xf32>
    %mul3A_124 = arith.mulf %min3A_86, %min3A_86 : vector<1x4096xf32>
    %sub3A_125 = arith.constant 1.000000e+00 : f32
    %sub3A_126 = vector.broadcast %sub3A_125 : f32 to vector<1x4096xf32>
    %sub3A_127 = arith.subf %sub3A_126, %mul3A_124 : vector<1x4096xf32>
    %sqrt3A_128 = math.sqrt %sub3A_127 : vector<1x4096xf32>
    %lt3A_129 = arith.constant 9.99999997E-7 : f32
    %lt3A_130 = vector.broadcast %lt3A_129 : f32 to vector<1x4096xf32>
    %lt3A_131 = arith.cmpf olt, %sqrt3A_128, %lt3A_130 : vector<1x4096xf32>
    %jit3A_132 = arith.constant 1.000000e+00 : f32
    %broadcast_in_dim3A_133 = vector.broadcast %jit3A_132 : f32 to vector<1x4096xf32>
    %select_n3A_134 = arith.select %lt3A_131, %broadcast_in_dim3A_133, %sqrt3A_128 : vector<1x4096xi1>, vector<1x4096xf32>
    %sub3A_135 = arith.constant 1.000000e+00 : f32
    %sub3A_136 = vector.broadcast %sub3A_135 : f32 to vector<1x4096xf32>
    %sub3A_137 = arith.subf %sub3A_136, %get3A_1 : vector<1x4096xf32>
    %mul3A_138 = arith.mulf %sub3A_137, %mul3A_123 : vector<1x4096xf32>
    %sin3A = math.sin %mul3A_138 : vector<1x4096xf32>
    %div3A = arith.divf %sin3A, %select_n3A_134 : vector<1x4096xf32>
    %mul3A_139 = arith.mulf %get3A_1, %mul3A_123 : vector<1x4096xf32>
    %sin3A_140 = math.sin %mul3A_139 : vector<1x4096xf32>
    %div3A_141 = arith.divf %sin3A_140, %select_n3A_134 : vector<1x4096xf32>
    %gt3A = arith.constant 0.999499976 : f32
    %gt3A_142 = vector.broadcast %gt3A : f32 to vector<1x4096xf32>
    %gt3A_143 = arith.cmpf ogt, %min3A_86, %gt3A_142 : vector<1x4096xf32>
    %sub3A_144 = arith.constant 1.000000e+00 : f32
    %sub3A_145 = vector.broadcast %sub3A_144 : f32 to vector<1x4096xf32>
    %sub3A_146 = arith.subf %sub3A_145, %get3A_1 : vector<1x4096xf32>
    %select_n3A_147 = arith.select %gt3A_143, %sub3A_146, %div3A : vector<1x4096xi1>, vector<1x4096xf32>
    %select_n3A_148 = arith.select %gt3A_143, %get3A_1, %div3A_141 : vector<1x4096xi1>, vector<1x4096xf32>
    %mul3A_149 = arith.mulf %select_n3A_147, %rsqrt3A : vector<1x4096xf32>
    %mul3A_150 = arith.mulf %select_n3A_148, %rsqrt3A_73 : vector<1x4096xf32>
    %mul3A_151 = arith.mulf %mul3A_150, %select_n3A_82 : vector<1x4096xf32>
    %mul3A_152 = arith.mulf %mul3A_149, %mul3A_149 : vector<1x4096xf32>
    %mul3A_153 = arith.mulf %mul3A_152, %broadcast_in_dim3A_64 : vector<1x4096xf32>
    %mul3A_154 = arith.constant 2.000000e+00 : f32
    %mul3A_155 = vector.broadcast %mul3A_154 : f32 to vector<1x4096xf32>
    %mul3A_156 = arith.mulf %mul3A_155, %mul3A_149 : vector<1x4096xf32>
    %mul3A_157 = arith.mulf %mul3A_156, %mul3A_151 : vector<1x4096xf32>
    %mul3A_158 = arith.mulf %mul3A_157, %broadcast_in_dim3A_72 : vector<1x4096xf32>
    %add3A_159 = arith.addf %mul3A_153, %mul3A_158 : vector<1x4096xf32>
    %mul3A_160 = arith.mulf %mul3A_151, %mul3A_151 : vector<1x4096xf32>
    %mul3A_161 = arith.mulf %mul3A_160, %broadcast_in_dim3A_68 : vector<1x4096xf32>
    %add3A_162 = arith.addf %add3A_159, %mul3A_161 : vector<1x4096xf32>
    %rsqrt3A_163 = math.rsqrt %add3A_162 : vector<1x4096xf32>
    %mul3A_164 = arith.mulf %mul3A_149, %rsqrt3A_163 : vector<1x4096xf32>
    %mul3A_165 = arith.mulf %mul3A_151, %rsqrt3A_163 : vector<1x4096xf32>
    %mul3A_166 = vector.broadcast %mul3A_164 : vector<1x4096xf32> to vector<4x4096xf32>
    %mul3A_167 = arith.mulf %mul3A_166, %reduce_sum3A_53 : vector<4x4096xf32>
    %mul3A_168 = vector.broadcast %mul3A_165 : vector<1x4096xf32> to vector<4x4096xf32>
    %mul3A_169 = arith.mulf %mul3A_168, %reduce_sum3A_60 : vector<4x4096xf32>
    %add3A_170 = arith.addf %mul3A_167, %mul3A_169 : vector<4x4096xf32>
    %concatenate3A = tpu.concatenate %add3A_32, %add3A_170 in 0 : vector<3x4096xf32>, vector<4x4096xf32> -> vector<7x4096xf32>
    %swap3A = arith.constant 0 : index
    %swap3A_171 = arith.constant 0 : index
    %swap3A_172 = vector.load %arg5[%swap3A, %swap3A_171] : memref<7x4096xf32, #tpu.memory_space<vmem>>, vector<7x4096xf32>
    tpu.vector_store %arg5[%swap3A, %swap3A_171], %concatenate3A {strides = array<i32>} : memref<7x4096xf32, #tpu.memory_space<vmem>>, vector<7x4096xf32>,
    return
  }
  func.func @transform_0(%arg0: i32) -> (i32, i32) {
    %add3A = arith.constant 88 : i32
    %add3A_0 = arith.addi %arg0, %add3A : i32
    %c0_i32 = arith.constant 0 : i32
    %c0_i32_1 = arith.constant 0 : i32
    return %c0_i32, %add3A_0 : i32, i32
  }
  func.func @transform_1(%arg0: i32) -> (i32, i32) {
    %add3A = arith.constant 88 : i32
    %add3A_0 = arith.addi %arg0, %add3A : i32
    %c0_i32 = arith.constant 0 : i32
    %c0_i32_1 = arith.constant 0 : i32
    return %c0_i32, %add3A_0 : i32, i32
  }
  func.func @transform_2(%arg0: i32) -> (i32, i32, i32) {
    %add3A = arith.constant 88 : i32
    %add3A_0 = arith.addi %arg0, %add3A : i32
    %c0_i32 = arith.constant 0 : i32
    %c0_i32_1 = arith.constant 0 : i32
    %c0_i32_2 = arith.constant 0 : i32
    return %c0_i32, %c0_i32_1, %add3A_0 : i32, i32, i32
  }
  func.func @transform_3(%arg0: i32) -> (i32, i32, i32) {
    %add3A = arith.constant 88 : i32
    %add3A_0 = arith.addi %arg0, %add3A : i32
    %c0_i32 = arith.constant 0 : i32
    %c0_i32_1 = arith.constant 0 : i32
    %c0_i32_2 = arith.constant 0 : i32
    return %c0_i32, %c0_i32_1, %add3A_0 : i32, i32, i32
  }
  func.func @transform_4(%arg0: i32) -> (i32, i32) {
    %c0_i32 = arith.constant 0 : i32
    %c0_i32_0 = arith.constant 0 : i32
    return %c0_i32, %arg0 : i32, i32
  }
}

</mosaic_0001>

<sc_bundles>
// kernel: kernel.4.cloned.1.call-start
scs
__scs_entry_jumppad:
0x0: {  	(pc) =	sbr.rel $0x88, $3  }
0x1: {  	(tag) =	ssettag $0x0;
	lr =	simm.s32 $0x1  }
0x2: {  	[smem:$0x3F9D] =	sst lr;
	_ =	strace $0xD0000000  }
0x3: {  	_ = 	snop  }
0x4: {  	_ = 	snop  }
0x5: {  	_ = 	snop  }
0x6: {  	_ = 	snop  }
0x7: {  	_ = 	snop  }
__scs_overlays_trampoline_lowered:
0x8: {  	[smem:$0x3FAC] =	sst s0  }
0x9: {  	[smem:$0x3FAD] =	sst s1  }
0xa: {  	[smem:$0x3FAE] =	sst s2  }
0xb: {  	[smem:$0x3FAF] =	sst s3  }
0xc: {  	[smem:$0x3FB0] =	sst s4  }
0xd: {  	[smem:$0x3FB1] =	sst s5  }
0xe: {  	[smem:$0x3FB2] =	sst s6  }
0xf: {  	[smem:$0x3FB3] =	sst s7  }
0x10: {  	[smem:$0x3FB4] =	sst s8  }
0x11: {  	[smem:$0x3FB5] =	sst s9;
	s0 =	simm.s32 @!p0 $0x0  }
0x12: {  	s1 =	sld [smem:$0x3F9B];
	s0 =	simm.s32 @p0 $0x1  }
0x13: {  	[smem:$0x3FB6] =	sst s0;
	s0 =	simm.s32 @!p1 $0x0  }
0x14: {  	s2 =	sld [smem:$0x3F9A];
	s0 =	simm.s32 @p1 $0x1  }
0x15: {  	[smem:$0x3FB7] =	sst s0;
	s0 =	simm.s32 @!p2 $0x0  }
0x16: {  	s3 =	sld [smem:$0x3FDB];
	s0 =	simm.s32 @p2 $0x1  }
0x17: {  	s4 =	simm.s32 $0x1BF5;
	[smem:$0x3FB9] =	sst s0  }
0x18: {  	s0 =	sld [smem:$0x3F9C];
	_ =	swait.ge [sflag:s4], $0x0  }
0x19: {  	s7 =	sld [smem:$0x3F9D]  }
0x1a: {  	s8 =	sadd.s32 $0xFFFFE003, lr  }
0x1b: {  	s9 =	sadd.s32 $0xFFFFFEF7, lr;
	s5 =	simm.s32 $0xFFFFFFFF;
	p2 =	slt.u32 s8, $0xFFFFF086  }
0x1c: {  	p1 =	slt.u32 s9, $0xF7A;
	s5 =	simm.s32 @!p2 $0x0  }
0x1d: {  	s5 =	simm.s32 @p1 $0x1;
	p0 =	seq.s32 s7, s2  }
0x1e: {  	s7 =	smul.u32 @!p0 $0xF7A, s2;
	p2 =	seq.s32 @!p0 s5, $0x0  }
0x1f: {  	s9 =	smul.u32 $0xF7A, s1;
	s8 =	simm.s32 @!p0 $0x1BF5;
	p2 =	por !p2, p0  }
0x20: {  	[sflag:s8] =	ssyncset.s32 @!p0 $0xFFFFF086;
	s6 =	sadd.s32 @!p0 s3, s7;
	s7 =	simm.s32 @!p0 $0x108  }
0x21: {  	s3 =	sadd.s32 s3, s9;
	s6 =	sadd.s32 @!p0 $0x88, s6;
	s7 =	simm.s32 @p2 $0x1082  }
0x22: {  	[simem:s7], [sflag:s8] =	dma.local @!p0 [hbm:s6], $0xF7A  }
0x23: {  	s9 =	sor.u32 $0xD0000000, s2;
	s6 =	simm.s32 $0x108;
	_ =	swait.ge @!p0 [sflag:s8], $0x0  }
0x24: {  	s3 =	sadd.s32 $0x88, s3;
	s6 =	simm.s32 @!p1 $0x1082;
	[sflag:s4] =	ssyncset.s32 $0xFFFFF086  }
0x25: {  	[simem:s6], [sflag:s4] =	dma.local [hbm:s3], $0xF7A  }
0x26: {  	[smem:$0x3F9D] =	sst s1;
	(tag) =	ssettag s2;
	_ =	strace s9  }
0x27: {  	s1 =	sld [smem:$0x3FAD]  }
0x28: {  	s2 =	sld [smem:$0x3FAE]  }
0x29: {  	s4 =	sld [smem:$0x3FB0]  }
0x2a: {  	p0 =	seq.s32 s5, $0x0;
	s5 =	sld [smem:$0x3FB1]  }
0x2b: {  	s6 =	sld [smem:$0x3FB2]  }
0x2c: {  	s7 =	sld [smem:$0x3FB3]  }
0x2d: {  	s3 =	simm.s32 $0x108;
	s8 =	sld [smem:$0x3FB4]  }
0x2e: {  	s3 =	simm.s32 @!p0 $0x1082;
	s9 =	sld [smem:$0x3FB5]  }
0x2f: {  	lr =	sadd.s32 s0, s3;
	s0 =	sld [smem:$0x3FAC]  }
0x30: {  	s3 =	sld [smem:$0x3FAF]  }
0x31: {  	[smem:$0x3FB8] =	sst s10  }
0x32: {  	s10 =	sld [smem:$0x3FB6];
	_ =	sdelay $0x3  }
0x33: {  	p0 =	seq.s32 s10, $0x1;
	s10 =	sld [smem:$0x3FB8];
	_ =	sdelay $0x3  }
0x34: {  	[smem:$0x3FB8] =	sst s10  }
0x35: {  	s10 =	sld [smem:$0x3FB7];
	_ =	sdelay $0x3  }
0x36: {  	p1 =	seq.s32 s10, $0x1;
	s10 =	sld [smem:$0x3FB8];
	_ =	sdelay $0x3  }
0x37: {  	[smem:$0x3FB8] =	sst s10  }
0x38: {  	s10 =	sld [smem:$0x3FB9]  }
0x39: {  	_ = 	snop;
	(pc) =	sbr.ind lr, $3  }
0x3a: {  	_ = 	snop  }
0x3b: {  	_ = 	snop  }
0x3c: {  	p2 =	seq.s32 s10, $0x1;
	s10 =	sld [smem:$0x3FB8]  }
0x3d: {  	_ =	shalt  }
0x3e: {  	_ =	shalt  }
0x3f: {  	_ =	shalt  }
0x40: {  	_ =	shalt  }
0x41: {  	_ =	shalt  }
0x42: {  	_ =	shalt  }
0x43: {  	_ =	shalt  }
0x44: {  	_ =	shalt  }
0x45: {  	_ =	shalt  }
0x46: {  	_ =	shalt  }
0x47: {  	_ =	shalt  }
0x48: {  	_ =	shalt  }
0x49: {  	_ =	shalt  }
0x4a: {  	_ =	shalt  }
0x4b: {  	_ =	shalt  }
0x4c: {  	_ =	shalt  }
0x4d: {  	_ =	shalt  }
0x4e: {  	_ =	shalt  }
0x4f: {  	_ =	shalt  }
0x50: {  	_ =	shalt  }
0x51: {  	_ =	shalt  }
0x52: {  	_ =	shalt  }
0x53: {  	_ =	shalt  }
0x54: {  	_ =	shalt  }
0x55: {  	_ =	shalt  }
0x56: {  	_ =	shalt  }
0x57: {  	_ =	shalt  }
0x58: {  	_ =	shalt  }
0x59: {  	_ =	shalt  }
0x5a: {  	_ =	shalt  }
0x5b: {  	_ =	shalt  }
0x5c: {  	_ =	shalt  }
0x5d: {  	_ =	shalt  }
0x5e: {  	_ =	shalt  }
0x5f: {  	_ =	shalt  }
0x60: {  	_ =	shalt  }
0x61: {  	_ =	shalt  }
0x62: {  	_ =	shalt  }
0x63: {  	_ =	shalt  }
0x64: {  	_ =	shalt  }
0x65: {  	_ =	shalt  }
0x66: {  	_ =	shalt  }
0x67: {  	_ =	shalt  }
0x68: {  	_ =	shalt  }
0x69: {  	_ =	shalt  }
0x6a: {  	_ =	shalt  }
0x6b: {  	_ =	shalt  }
0x6c: {  	_ =	shalt  }
0x6d: {  	_ =	shalt  }
0x6e: {  	_ =	shalt  }
0x6f: {  	_ =	shalt  }
0x70: {  	_ =	shalt  }
0x71: {  	_ =	shalt  }
0x72: {  	_ =	shalt  }
0x73: {  	_ =	shalt  }
0x74: {  	_ =	shalt  }
0x75: {  	_ =	shalt  }
0x76: {  	_ =	shalt  }
0x77: {  	_ =	shalt  }
0x78: {  	_ =	shalt  }
0x79: {  	_ =	shalt  }
0x7a: {  	_ =	shalt  }
0x7b: {  	_ =	shalt  }
0x7c: {  	_ =	shalt  }
0x7d: {  	_ =	shalt  }
0x7e: {  	_ =	shalt  }
0x7f: {  	_ =	shalt  }
0x80: {  	_ =	shalt  }
0x81: {  	_ =	shalt  }
0x82: {  	_ =	shalt  }
0x83: {  	_ =	shalt  }
0x84: {  	_ =	shalt  }
0x85: {  	_ =	shalt  }
0x86: {  	_ =	shalt  }
0x87: {  	_ =	shalt  }
.Lfunc_end0:
.L_simem_size_0:
called_computation_lowered:
.L_overlay_start_0:
0x88: {  	s2 =	sld [smem:$0x3FD9]  }
0x89: {  	s3 =	sld [smem:$0x3FFE];
	_ =	sdelay $0x1  }
0x8a: {  	s1 =	srdreg.scid  }
0x8b: {  	s0 =	sand.u32 $0x1, s1  }
0x8c: {  	s17 =	sshll.u32 s0, $0xA;
	s2 =	sadd.s32 s3, s2  }
0x8d: {  	s2 =	sadd.s32 s2, s17  }
0x8e: {  	[smem:$0x3FC4] =	sst s2  }
0x8f: {  	_ = 	snop  }
0x90: {  	s2 =	sld [smem:$0x3FC9]  }
0x91: {  	s18 =	sld [smem:$0x3FC8]  }
0x92: {  	s4 =	sld [smem:$0x3FD0];
	(tm) =	ssettm $0x1  }
0x93: {  	s5 =	sld [smem:$0x3FFB];
	_ =	sdelay $0x3  }
0x94: {  	_ =	strace s5  }
0x95: {  	s5 =	sld [smem:$0x3FFC];
	_ =	sdelay $0x3  }
0x96: {  	_ =	strace s5  }
0x97: {  	s5 =	sld [smem:$0x3FFD];
	_ =	sdelay $0x3  }
0x98: {  	_ =	strace s5  }
0x99: {  	_ =	strace $0x8FFFFFFF  }
0x9a: {  	s19 =	sld [smem:$0x3FDB];
	_ =	sdelay $0x1  }
0x9b: {  	s6 =	simm.s32 $_scs_section_size  }
0x9c: {  	s7 =	simm.s32 $_size__tile_overlayer_lowered;
	s8 =	simm.s32 $_tile_overlayer_lowered  }
0x9d: {  	s22 =	simm.s32 $0x1BFF;
	s21 =	sshll.u32 s8, $0x1;
	s5 =	sadd.s32 s6, s19  }
0x9e: {  	s9 =	simm.s32 $0x0;
	s20 =	sshll.u32 s7, $0x1;
	s7 =	sadd.s32 s21, s5  }
0x9f: {  	[timem:s9], [sflag:s22] =	dma.local [hbm:s7], s20  }
0xa0: {  	_ =	swait.ge [sflag:s22], s20  }
0xa1: {  	s6 =	ssub.s32 $0x0, s20;
	[sflag:s22] =	ssyncset.done $0x0  }
0xa2: {  	[sflag:s22] =	ssyncadd.s32 s6;
	_ =	sdelay $0x1  }
0xa3: {  	s23 =	simm.s32 $0x1B8B  }
0xa4: {  	_ =	swait.ge [sflag:s23], $0x1  }
0xa5: {  	[sflag:s23] =	ssyncset.done $0x0  }
0xa6: {  	s25 =	simm.s32 $0x1B8E;
	s24 =	sld [smem:$0x3FFE];
	[sflag:s23] =	ssyncadd.s32 $0xFFFFFFFF  }
0xa7: {  	s26 =	simm.s32 $execute0_lowered;
	[smem:$0x3FD2] =	sst s25  }
0xa8: {  	s7 =	sshll.u32 s26, $0x1;
	_ =	strace $0x80000046;
	[dreg:$0x1] =	wrdreg $0xFFFFFFFF  }
0xa9: {  	s28 =	simm.s32 $_size_execute0_lowered;
	s5 =	sadd.s32 s5, s7;
	[dreg:$0x0] =	wrdreg $0x0  }
0xaa: {  	s7 =	sshll.u32 s28, $0x1;
	[dreg:$0x2] =	wrdreg s5  }
0xab: {  	[dreg:$0x3] =	wrdreg s7  }
0xac: {  	[dreg:$0x4] =	wrdreg $0xC0  }
0xad: {  	_ =	task [dreg:s9], $0x5FFFF  }
0xae: {  	[dreg:$0x1] =	wrdreg $0xFFFFFFFF  }
0xaf: {  	[dreg:$0x0] =	wrdreg $0x60  }
0xb0: {  	[dreg:$0x2] =	wrdreg s2  }
0xb1: {  	[dreg:$0x3] =	wrdreg s18  }
0xb2: {  	[dreg:$0x4] =	wrdreg s4  }
0xb3: {  	[dreg:$0x5] =	wrdreg s24  }
0xb4: {  	[dreg:$0x6] =	wrdreg $0x9  }
0xb5: {  	_ =	task.clear_ibuf [dreg:s9], $0x7FFFF;
	_ =	strace $0x90000046  }
0xb6: {  	s29 =	simm.s32 $0x9;
	_ =	strace $0x80000048  }
0xb7: {  	_ =	swait.ge [sflag:s29], $0x1  }
0xb8: {  	[sflag:s29] =	ssyncadd.s32 $0xFFFFFFFF  }
0xb9: {  	_ =	strace $0x90000048  }
0xba: {  	_ =	sfence  }
0xbb: {  	s30 =	sld [smem:$0x0];
	_ =	sdelay $0x2  }
0xbc: {  	s31 =	sshll.u32 s1, $0xD;
	s1 =	sshrl.u32 s1, $0x2  }
0xbd: {  	s3 =	sand.u32 $0x4000, s31;
	s1 =	sadd.s32 s1, s30  }
0xbe: {  	s0 =	sor.u32 s3, s0;
	s1 =	sshll.u32 s1, $0x11  }
0xbf: {  	s0 =	sor.u32 s1, s0  }
0xc0: {  	s0 =	sadd.s32 $0x8F2B, s0  }
0xc1: {  	[sflag:s0] =	ssyncadd.remote.s32 $0x1  }
0xc2: {  	_ =	sfence.sel $0xFFFF  }
0xc3: {  	[dreg:$0x0] =	wrdreg $0xFFFFFFFF;
	(pc) =	sbr.abs _section_cstart, $3  }
0xc4: {  	[dreg:$0x1] =	wrdreg $0xFFFFFFFF  }
0xc5: {  	_ =	task.clear_ibuf [dreg:s9], $0x2FFFF;
	_ =	strace $0x9FFFFFFF  }
0xc6: {  	(tm) =	ssettm $0x7FFFFFFF  }
0xc7: {  	_ =	shalt  }
tec
execute0_lowered:
.L_overlay_start_1:
0x0: {  	(tag) =	ssettag $0x1  }
0x1: {  	s1 =	rddreg [dreg:$0x0]  }
0x2: {  	s2 =	rddreg [dreg:$0x1]  }
0x3: {  	s3 =	rddreg [dreg:$0x2]  }
0x4: {  	s4 =	rddreg [dreg:$0x3]  }
0x5: {  	s6 =	simm.s32 $0x0;
	s0 =	srdreg.scid;
	s7 =	stileid.u32  }
0x6: {  	s28 =	simm.s32 $0xEA00;
	s29 =	simm.s32 $0x14A00;
	s31 =	simm.s32 $0x1CB00  }
0x7: {  	s11 =	simm.s32 $0x1CC00;
	s0 =	sand.u32 $0x1, s0;
	s8 =	sshll.u32 s7, $0x1  }
0x8: {  	[smem:$0x7FF] =	sst s6;
	s5 =	ssub.s32 $0x2, s0;
	s0 =	sor.u32 s0, s8  }
0x9: {  	_ =	strace $0x80000047;
	s9 =	sshrl.u32 s5, $0x1;
	s8 =	sshll.u32 s0, $0x8  }
0xa: {  	s17 =	sshll.u32 s0, $0x7;
	s0 =	sshll.u32 s0, $0x5;
	s10 =	sadd.s32 s1, s8  }
0xb: {  	s5 =	ssub.s32 s5, s9;
	s9 =	sadd.s32 s2, s17;
	[dreg:$0x5] =	wrdreg s10  }
0xc: {  	s13 =	simm.s32 $0x0;
	s18 =	sadd.s32 s3, s0;
	[dreg:$0x6] =	wrdreg s9  }
0xd: {  	s7 =	sadd.s32 $0xF600, s4;
	s0 =	sadd.s32 s4, s0;
	[dreg:$0x7] =	wrdreg s18  }
0xe: {  	s19 =	sadd.s32 s8, s7;
	s20 =	sor.u32 $0x56000, s8;
	[dreg:$0x8] =	wrdreg s0  }
0xf: {  	s21 =	sadd.s32 $0x54000, s19;
	s22 =	sshrl.u32 s20, $0x1;
	s23 =	sadd.s32 s1, s20  }
0x10: {  	s24 =	sshrl.u32 s20, $0x3;
	s26 =	sadd.s32 s7, s20;
	s30 =	smax.u32 s5, $0x1  }
0x11: {  	s20 =	simm.s32 $0x800;
	s5 =	simm.s32 $0xE200;
	[dreg:$0x9] =	wrdreg s21  }
0x12: {  	s9 =	simm.s32 $0x3;
	s10 =	simm.s32 $0x2;
	[dreg:$0xa] =	wrdreg s23  }
0x13: {  	s0 =	sadd.s32 s2, s22;
	s25 =	sadd.s32 s3, s24;
	[dreg:$0xe] =	wrdreg s26  }
0x14: {  	[dreg:$0xf] =	wrdreg s30;
	s21 =	simm.s32 $0x3D0C00;
	s22 =	simm.s32 $0x400  }
0x15: {  	s23 =	simm.s32 $0x1E8600;
	s26 =	simm.s32 $0xE100;
	[dreg:$0xb] =	wrdreg s0  }
0x16: {  	[dreg:$0xc] =	wrdreg s25;
	s0 =	sadd.s32 s4, s24;
	s24 =	simm.s32 $0x6000  }
0x17: {  	v0 =	vlaneseq.u32;
	s25 =	simm.s32 $0xE000;
	[dreg:$0xd] =	wrdreg s0;
	s0 =	simm.s32 $0x1  }
.LBB2_1:
0x18: {  	[dreg:$0x10] =	wrdreg s13  }
0x19: {  	s12 =	rddreg [dreg:$0x5]  }
0x1a: {  	[tilespmem:s6], [sflag:$0x1] =	stream.strided.gather [hbm4b:s12+s20], $0x6000, s21, s20, $0x38;
	[tilespmem:$0x1D400] =	vst v63  }
0x1b: {  	s18 =	rddreg [dreg:$0x6]  }
0x1c: {  	[tilespmem:s24], [sflag:$0x1] =	stream.strided.gather [hbm4b:s18+s22], $0x8000, s23, s22, $0x38;
	[tilespmem:$0x1D400] =	vst v63  }
0x1d: {  	s19 =	rddreg [dreg:$0x7]  }
0x1e: {  	[tilespmem:s25], [sflag:$0x1] =	stream.linear.gather [hbm4b:s19+s6], $0x100, $0x38;
	[tilespmem:$0x1D400] =	vst v63  }
0x1f: {  	s30 =	rddreg [dreg:$0x8];
	s13 =	simm.s32 $0x0  }
0x20: {  	[tilespmem:s26], [sflag:$0x1] =	stream.linear.gather [hbm4b:s30+s6], $0x100, $0x38;
	[tilespmem:$0x1D400] =	vst v63  }
.LBB2_2:
0x21: {  	s12 =	sshll.u32 s13, $0xE  }
0x22: {  	s15 =	sor.u32 s8, s12  }
0x23: {  	s14 =	sor.u32 $0x2000, s15  }
0x24: {  	s18 =	sadd.s32 s1, s14;
	s19 =	sshrl.u32 s14, $0x1  }
0x25: {  	[tilespmem:s28], [sflag:$0x2] =	stream.strided.gather [hbm4b:s18+s20], $0x6000, s21, s20, $0x38;
	[tilespmem:$0x1D400] =	vst v63  }
0x26: {  	s30 =	sshrl.u32 s14, $0x3;
	s12 =	sadd.s32 s2, s19  }
0x27: {  	[tilespmem:s29], [sflag:$0x2] =	stream.strided.gather [hbm4b:s12+s22], $0x8000, s23, s22, $0x38;
	[tilespmem:$0x1D400] =	vst v63  }
0x28: {  	s16 =	simm.s32 $0x0;
	s17 =	sadd.s32 s3, s30;
	s18 =	simm.s32 $0x1CA00  }
0x29: {  	[tilespmem:s18], [sflag:$0x2] =	stream.linear.gather [hbm4b:s17+s16], $0x100, $0x38;
	[tilespmem:$0x1D400] =	vst v63  }
0x2a: {  	s12 =	sadd.s32 s4, s30  }
0x2b: {  	[tilespmem:s31], [sflag:$0x2] =	stream.linear.gather [hbm4b:s12+s16], $0x100, $0x38;
	[tilespmem:$0x1D400] =	vst v63  }
0x2c: {  	_ =	swait.ge [sflag:s0], $0x6000  }
0x2d: {  	[sflag:s0] =	ssyncset.done $0x0  }
0x2e: {  	[sflag:s0] =	ssyncadd.s32 $0xFFFFA000  }
0x2f: {  	_ =	swait.ge [sflag:s0], $0x8000  }
0x30: {  	[sflag:s0] =	ssyncset.done $0x0  }
0x31: {  	[sflag:s0] =	ssyncadd.s32 $0xFFFF8000  }
0x32: {  	_ =	swait.ge [sflag:s0], $0x100  }
0x33: {  	[sflag:s0] =	ssyncset.done $0x0  }
0x34: {  	[sflag:s0] =	ssyncadd.s32 $0xFFFFFF00  }
0x35: {  	_ =	swait.ge [sflag:s0], $0x100  }
0x36: {  	s19 =	simm.s32 $0x0;
	[sflag:s0] =	ssyncset.done $0x0  }
0x37: {  	s17 =	simm.s32 $0xE000;
	s18 =	simm.s32 $0xE100;
	[sflag:s0] =	ssyncadd.s32 $0xFFFFFF00  }
.LBB2_3:
0x38: {  	v3 =	vld [tilespmem:s17+$0x0];
	_ =	sdelay $0x2  }
0x39: {  	v1 =	vmov s19  }
0x3a: {  	v2 =	vor.u32 s19, v0;
	v5 =	vshrl.u32 v1, $0x7  }
0x3b: {  	v6 =	vand.u32 $0x7F, v2;
	v8 =	vshll.u32 v5, $0xA;
	v1 =	vshll.u32 v3, $0x8  }
0x3c: {  	v4 =	vadd.s32 $0x1, v3;
	v7 =	vand.u32 $0xFFFFF800, v1;
	v1 =	vshll.u32 v3, $0x7  }
0x3d: {  	v2 =	vshll.u32 v4, $0x8;
	v9 =	vand.u32 $0x380, v1;
	v1 =	vor.u32 v8, v6  }
0x3e: {  	v11 =	vand.u32 $0xFFFFF800, v2;
	v2 =	vshll.u32 v4, $0x7;
	v10 =	vor.u32 v7, v1  }
0x3f: {  	v12 =	vand.u32 $0x380, v2;
	v1 =	vor.u32 v11, v1;
	v10 =	vor.u32 v9, v10  }
0x40: {  	v2 =	vor.u32 v12, v1;
	_ =	sdelay $0x2  }
0x41: {  	v1 =	vld [tilespmem:s18+$0x0]  }
0x42: {  	v10 =	vld.idx.msk [tilespmem:v10+s6+$0x0], $0xffff  }
0x43: {  	v13 =	vld.idx.msk [tilespmem:v2+s6+$0x0], $0xffff;
	_ =	sdelay $0x1  }
0x44: {  	v7 =	vadd.s32 v8, v7;
	v8 =	vadd.s32 v8, v11  }
0x45: {  	v7 =	vor.u32 v9, v7;
	v8 =	vor.u32 v12, v8;
	v2 =	vsub.f32 $1.000000000e+00, v1  }
0x46: {  	v7 =	vor.u32 v6, v7;
	v8 =	vor.u32 v6, v8  }
0x47: {  	v55 =	vadd.s32 $0x2000, v7;
	v53 =	vmul.f32 v10, v2;
	v54 =	vmul.f32 v13, v1  }
0x48: {  	v56 =	vadd.s32 $0x2000, v8  }
0x49: {  	s12 =	sand.u32 $0x70, s19;
	s30 =	sand.u32 $0x400, s16;
	v9 =	vadd.f32 v54, v53  }
0x4a: {  	s12 =	sor.u32 s12, s30  }
0x4b: {  	[tilespmem:s12+$0xE200] =	vst v9  }
0x4c: {  	v9 =	vld.idx.msk [tilespmem:v55+s6+$0x0], $0xffff  }
0x4d: {  	v57 =	vld.idx.msk [tilespmem:v56+s6+$0x0], $0xffff;
	_ =	sdelay $0x4  }
0x4e: {  	v7 =	vadd.s32 $0x4000, v7;
	v9 =	vmul.f32 v9, v2;
	v10 =	vmul.f32 v57, v1  }
0x4f: {  	v8 =	vadd.s32 $0x4000, v8  }
0x50: {  	v9 =	vadd.f32 v10, v9;
	_ =	sdelay $0x1  }
0x51: {  	[tilespmem:s12+$0xE280] =	vst v9  }
0x52: {  	v7 =	vld.idx.msk [tilespmem:v7+s6+$0x0], $0xffff  }
0x53: {  	v8 =	vld.idx.msk [tilespmem:v8+s6+$0x0], $0xffff;
	_ =	sdelay $0x2  }
0x54: {  	v5 =	vshll.u32 v5, $0x9;
	v3 =	vshll.u32 v3, $0xA  }
0x55: {  	v59 =	vor.u32 $0x80, v6;
	v3 =	vadd.s32 v5, v3  }
0x56: {  	v58 =	vor.u32 v6, v3;
	v7 =	vmul.f32 v7, v2;
	v8 =	vmul.f32 v8, v1  }
0x57: {  	v61 =	vor.u32 $0x100, v6;
	v4 =	vshll.u32 v4, $0xA;
	v60 =	vor.u32 v3, v59  }
0x58: {  	v62 =	vor.u32 v3, v61;
	v63 =	vadd.s32 v5, v4;
	v7 =	vadd.f32 v8, v7  }
0x59: {  	v14 =	vor.u32 v6, v63  }
0x5a: {  	v18 =	vor.u32 v63, v59;
	v6 =	vor.u32 $0x180, v6;
	[tilespmem:s12+$0xE300] =	vst v7  }
0x5b: {  	v15 =	vor.u32 v3, v6;
	v4 =	vld.idx.msk [tilespmem:v58+s24+$0x0], $0xffff  }
0x5c: {  	v19 =	vor.u32 v63, v61;
	v5 =	vld.idx.msk [tilespmem:v60+s24+$0x0], $0xffff  }
0x5d: {  	v3 =	vld.idx.msk [tilespmem:v62+s24+$0x0], $0xffff  }
0x5e: {  	v20 =	vor.u32 v63, v6;
	v9 =	vld.idx.msk [tilespmem:v14+s24+$0x0], $0xffff  }
0x5f: {  	v10 =	vld.idx.msk [tilespmem:v18+s24+$0x0], $0xffff  }
0x60: {  	v6 =	vld.idx.msk [tilespmem:v15+s24+$0x0], $0xffff  }
0x61: {  	v7 =	vld.idx.msk [tilespmem:v19+s24+$0x0], $0xffff  }
0x62: {  	v21 =	vmul.f32 v4, v4;
	v22 =	vmul.f32 v5, v5  }
0x63: {  	v8 =	vld.idx.msk [tilespmem:v20+s24+$0x0], $0xffff;
	v23 =	vmul.f32 v3, v3  }
0x64: {  	v24 =	vmul.f32 v9, v9;
	v25 =	vmul.f32 v10, v10;
	v11 =	vadd.f32 v22, v21  }
0x65: {  	v26 =	vmul.f32 v6, v6  }
0x66: {  	v27 =	vmul.f32 v7, v7;
	v13 =	vadd.f32 v25, v24;
	v11 =	vadd.f32 v23, v11;
	_ =	sdelay $0x1  }
0x67: {  	v29 =	vmul.f32 v8, v8;
	v28 =	vadd.f32 v27, v13;
	v11 =	vadd.f32 v26, v11;
	_ =	sdelay $0x1  }
0x68: {  	v12 =	vadd.f32 v29, v28;
	v30 =	vshrl.u32 v11, $0x1;
	v31 =	vmul.f32 $5.000000000e-01, v11  }
0x69: {  	v13 =	vsub.s32 $0x5F3759DF, v30  }
0x6a: {  	v16 =	vshrl.u32 v12, $0x1;
	v17 =	vmul.f32 $5.000000000e-01, v12;
	v32 =	vmul.f32 v13, v31  }
0x6b: {  	v16 =	vsub.s32 $0x5F3759DF, v16  }
0x6c: {  	v18 =	vmul.f32 v16, v17;
	v15 =	vmul.f32 v13, v32;
	_ =	sdelay $0x1  }
0x6d: {  	v18 =	vmul.f32 v16, v18;
	v15 =	vsub.f32 $1.500000000e+00, v15;
	_ =	sdelay $0x1  }
0x6e: {  	v33 =	vsub.f32 $1.500000000e+00, v18;
	v13 =	vmul.f32 v13, v15  }
0x6f: {  	v34 =	vmul.f32 v9, v4;
	v19 =	vmul.f32 v10, v5  }
0x70: {  	v15 =	vmul.f32 v16, v33;
	v14 =	vmul.f32 v13, v31  }
0x71: {  	v36 =	vmul.f32 v7, v3  }
0x72: {  	v35 =	vadd.f32 v19, v34;
	v17 =	vmul.f32 v15, v17;
	v14 =	vmul.f32 v14, v13  }
0x73: {  	v37 =	vmul.f32 v8, v6  }
0x74: {  	v16 =	vadd.f32 v36, v35;
	v17 =	vmul.f32 v17, v15;
	v14 =	vsub.f32 $1.500000000e+00, v14;
	_ =	sdelay $0x1  }
0x75: {  	v16 =	vadd.f32 v37, v16;
	v38 =	vsub.f32 $1.500000000e+00, v17;
	v13 =	vmul.f32 v14, v13;
	_ =	sdelay $0x1  }
0x76: {  	v14 =	vmul.f32 v38, v15;
	v39 =	vmul.f32 v13, v16;
	_ =	sdelay $0x1  }
0x77: {  	v15 =	vmul.f32 v14, v39;
	_ =	sdelay $0x1  }
0x78: {  	v40 =	vand.u32 $0x7FFFFFFF, v15  }
0x79: {  	v17 =	vmax.f32 v40, $0.0e+00  }
0x7a: {  	v17 =	vmin.f32 v17, $9.999998800e-01  }
0x7b: {  	v41 =	vmul.f32 $-1.262491100e-03, v17;
	_ =	sdelay $0x1  }
0x7c: {  	v18 =	vadd.f32 $6.670089900e-03, v41;
	_ =	sdelay $0x1  }
0x7d: {  	v18 =	vmul.f32 v18, v17  }
0x7e: {  	v42 =	vsub.f32 $1.000000000e+00, v17  }
0x7f: {  	v18 =	vadd.f32 $-1.708812640e-02, v18  }
0x80: {  	v19 =	vmax.f32 v42, $9.999999930e-09  }
0x81: {  	v20 =	vshrl.u32 v19, $0x1;
	v21 =	vmul.f32 $5.000000000e-01, v19;
	v18 =	vmul.f32 v18, v17  }
0x82: {  	v20 =	vsub.s32 $0x5F3759DF, v20  }
0x83: {  	v22 =	vmul.f32 v20, v21;
	v18 =	vadd.f32 $3.089188040e-02, v18;
	_ =	sdelay $0x1  }
0x84: {  	v22 =	vmul.f32 v20, v22;
	v18 =	vmul.f32 v18, v17;
	_ =	sdelay $0x1  }
0x85: {  	v22 =	vsub.f32 $1.500000000e+00, v22;
	v18 =	vadd.f32 $-5.017430340e-02, v18  }
0x86: {  	v43 =	vmul.f32 v17, v17  }
0x87: {  	v20 =	vmul.f32 v20, v22;
	v18 =	vmul.f32 v18, v17;
	_ =	sdelay $0x1  }
0x88: {  	v22 =	vsub.f32 $1.000000000e+00, v43;
	v21 =	vmul.f32 v20, v21;
	v18 =	vadd.f32 $8.897899090e-02, v18;
	_ =	sdelay $0x1  }
0x89: {  	v22 =	vmax.f32 v22, $9.999999930e-09;
	v21 =	vmul.f32 v21, v20;
	v18 =	vmul.f32 v18, v17  }
0x8a: {  	v23 =	vshrl.u32 v22, $0x1;
	v24 =	vmul.f32 $5.000000000e-01, v22  }
0x8b: {  	v23 =	vsub.s32 $0x5F3759DF, v23;
	v21 =	vsub.f32 $1.500000000e+00, v21;
	v18 =	vadd.f32 $-2.145988050e-01, v18  }
0x8c: {  	v25 =	vmul.f32 v23, v24  }
0x8d: {  	v20 =	vmul.f32 v21, v20;
	v18 =	vmul.f32 v18, v17  }
0x8e: {  	v44 =	vmul.f32 v23, v25  }
0x8f: {  	v19 =	vmul.f32 v20, v19;
	v18 =	vadd.f32 $1.570796250e+00, v18  }
0x90: {  	v45 =	vsub.f32 $1.500000000e+00, v44  }
0x91: {  	v18 =	vmul.f32 v19, v18  }
0x92: {  	v46 =	vmul.f32 v23, v45  }
0x93: {  	v47 =	vmul.f32 v18, v2;
	v18 =	vmul.f32 v18, v1  }
0x94: {  	v48 =	vmul.f32 v46, v24  }
0x95: {  	v49 =	vmul.f32 v47, v47;
	v50 =	vmul.f32 v18, v18  }
0x96: {  	v21 =	vmul.f32 v48, v46  }
0x97: {  	v51 =	vmul.f32 $2.755731880e-06, v49;
	v26 =	vmul.f32 $2.755731880e-06, v50  }
0x98: {  	v21 =	vsub.f32 $1.500000000e+00, v21  }
0x99: {  	v25 =	vadd.f32 $-1.984127010e-04, v51;
	v26 =	vadd.f32 $-1.984127010e-04, v26  }
0x9a: {  	v19 =	vmul.f32 v21, v46  }
0x9b: {  	v52 =	vmul.f32 v25, v49;
	v53 =	vmul.f32 v26, v50  }
0x9c: {  	v19 =	vmul.f32 v19, v22  }
0x9d: {  	v21 =	vadd.f32 $8.333333770e-03, v52;
	v54 =	vadd.f32 $8.333333770e-03, v53  }
0x9e: {  	(erf) = vrcp.f32 v19  }
0x9f: {  	v55 =	vmul.f32 v21, v49;
	v56 =	vmul.f32 v54, v50;
	_ =	sdelay $0x1  }
0xa0: {  	v19 =	vadd.f32 $-1.666666720e-01, v55;
	v21 =	vadd.f32 $-1.666666720e-01, v56;
	_ =	sdelay $0x1  }
0xa1: {  	v19 =	vmul.f32 v19, v49;
	v21 =	vmul.f32 v21, v50;
	_ =	sdelay $0x1  }
0xa2: {  	v19 =	vadd.f32 $1.000000000e+00, v19;
	v21 =	vadd.f32 $1.000000000e+00, v21;
	_ =	sdelay $0x1  }
0xa3: {  	v19 =	vmul.f32 v19, v47;
	v18 =	vmul.f32 v21, v18  }
0xa4: {  	v57 =	vpop (erf)  }
0xa5: {  	v19 =	vmul.f32 v19, v57;
	v18 =	vmul.f32 v18, v57  }
0xa6: {  	vm0 =	vgt.f32 v17, $9.994999760e-01  }
0xa7: {  	v2 =	vsel vm0, v2, v19;
	v1 =	vsel vm0, v1, v18  }
0xa8: {  	v2 =	vmul.f32 v2, v13;
	v1 =	vmul.f32 v1, v14;
	_ =	sdelay $0x1  }
0xa9: {  	vm15 =	vlt.f32 v15, $0.0e+00;
	v58 =	vxor.u32 $0x80000000, v1;
	v59 =	vadd.f32 v2, v2  }
0xaa: {  	v60 =	vmul.f32 v2, v2;
	v1 =	vsel vm15, v58, v1  }
0xab: {  	v14 =	vmul.f32 v1, v59  }
0xac: {  	v11 =	vmul.f32 v60, v11  }
0xad: {  	v62 =	vmul.f32 v1, v1;
	v61 =	vmul.f32 v14, v16;
	_ =	sdelay $0x1  }
0xae: {  	v12 =	vmul.f32 v62, v12;
	v11 =	vadd.f32 v61, v11;
	_ =	sdelay $0x1  }
0xaf: {  	v11 =	vadd.f32 v11, v12;
	_ =	sdelay $0x1  }
0xb0: {  	v12 =	vshrl.u32 v11, $0x1;
	v11 =	vmul.f32 $5.000000000e-01, v11  }
0xb1: {  	v12 =	vsub.s32 $0x5F3759DF, v12  }
0xb2: {  	v63 =	vmul.f32 v12, v11;
	_ =	sdelay $0x1  }
0xb3: {  	v13 =	vmul.f32 v12, v63;
	_ =	sdelay $0x1  }
0xb4: {  	v13 =	vsub.f32 $1.500000000e+00, v13;
	_ =	sdelay $0x1  }
0xb5: {  	v12 =	vmul.f32 v12, v13;
	_ =	sdelay $0x1  }
0xb6: {  	v11 =	vmul.f32 v12, v11;
	_ =	sdelay $0x1  }
0xb7: {  	v11 =	vmul.f32 v11, v12;
	_ =	sdelay $0x1  }
0xb8: {  	v11 =	vsub.f32 $1.500000000e+00, v11;
	_ =	sdelay $0x1  }
0xb9: {  	v11 =	vmul.f32 v11, v12;
	_ =	sdelay $0x1  }
0xba: {  	v2 =	vmul.f32 v11, v2;
	v1 =	vmul.f32 v11, v1;
	_ =	sdelay $0x1  }
0xbb: {  	v4 =	vmul.f32 v2, v4;
	v9 =	vmul.f32 v1, v9  }
0xbc: {  	v5 =	vmul.f32 v2, v5;
	v10 =	vmul.f32 v1, v10  }
0xbd: {  	p0 =	sne.s32 s19, $0xF0;
	v3 =	vmul.f32 v2, v3;
	v7 =	vmul.f32 v1, v7;
	v4 =	vadd.f32 v9, v4  }
.Ltmp0:
0xbe: {  	v2 =	vmul.f32 v2, v6;
	v1 =	vmul.f32 v1, v8;
	v5 =	vadd.f32 v10, v5;
	(pc) =	sbr.rel @p0 .LBB2_3-.Ltmp0, $4  }
0xbf: {  	v3 =	vadd.f32 v7, v3;
	[tilespmem:s12+$0xE380] =	vst v4  }
0xc0: {  	v1 =	vadd.f32 v1, v2;
	[tilespmem:s12+$0xE400] =	vst v5  }
0xc1: {  	s16 =	sadd.s32 $0x80, s16;
	[tilespmem:s12+$0xE480] =	vst v3  }
0xc2: {  	s17 =	sadd.s32 $0x10, s17;
	s19 =	sadd.s32 $0x10, s19;
	s18 =	sadd.s32 $0x10, s18;
	[tilespmem:s12+$0xE500] =	vst v1  }
0xc3: {  	s12 =	sadd.s32 s7, s15;
	s16 =	simm.s32 $0x0  }
0xc4: {  	[hbm4b:s12+s16] =	stream.linear.scatter [tilespmem:s5], [sflag:$0x3], $0x800, $0x38;
	[tilespmem:$0x1D400] =	vst v63  }
0xc5: {  	_ =	swait.ge [sflag:s9], $0x800  }
0xc6: {  	s18 =	sadd.s32 $0x4000, s15;
	[sflag:s9] =	ssyncset.done $0x0  }
0xc7: {  	s15 =	sadd.s32 s1, s18;
	s19 =	sshrl.u32 s18, $0x1;
	[sflag:s9] =	ssyncadd.s32 $0xFFFFF800  }
0xc8: {  	[tilespmem:s16], [sflag:$0x1] =	stream.strided.gather [hbm4b:s15+s20], $0x6000, s21, s20, $0x38;
	[tilespmem:$0x1D400] =	vst v63  }
0xc9: {  	s12 =	sshrl.u32 s18, $0x3;
	s15 =	sadd.s32 s2, s19  }
0xca: {  	[tilespmem:s24], [sflag:$0x1] =	stream.strided.gather [hbm4b:s15+s22], $0x8000, s23, s22, $0x38;
	[tilespmem:$0x1D400] =	vst v63  }
0xcb: {  	s30 =	sadd.s32 s3, s12  }
0xcc: {  	[tilespmem:s25], [sflag:$0x1] =	stream.linear.gather [hbm4b:s30+s16], $0x100, $0x38;
	[tilespmem:$0x1D400] =	vst v63  }
0xcd: {  	s12 =	sadd.s32 s4, s12  }
0xce: {  	[tilespmem:s26], [sflag:$0x1] =	stream.linear.gather [hbm4b:s12+s16], $0x100, $0x38;
	[tilespmem:$0x1D400] =	vst v63  }
0xcf: {  	_ =	swait.ge [sflag:s10], $0x6000  }
0xd0: {  	[sflag:s10] =	ssyncset.done $0x0  }
0xd1: {  	[sflag:s10] =	ssyncadd.s32 $0xFFFFA000  }
0xd2: {  	_ =	swait.ge [sflag:s10], $0x8000  }
0xd3: {  	[sflag:s10] =	ssyncset.done $0x0  }
0xd4: {  	[sflag:s10] =	ssyncadd.s32 $0xFFFF8000  }
0xd5: {  	_ =	swait.ge [sflag:s10], $0x100  }
0xd6: {  	[sflag:s10] =	ssyncset.done $0x0  }
0xd7: {  	[sflag:s10] =	ssyncadd.s32 $0xFFFFFF00  }
0xd8: {  	_ =	swait.ge [sflag:s10], $0x100  }
0xd9: {  	s17 =	simm.s32 $0x1CB00;
	[sflag:s10] =	ssyncset.done $0x0  }
0xda: {  	s18 =	simm.s32 $0x0;
	s15 =	simm.s32 $0x1CA00;
	[sflag:s10] =	ssyncadd.s32 $0xFFFFFF00  }
.LBB2_5:
0xdb: {  	v3 =	vld [tilespmem:s15+$0x0];
	_ =	sdelay $0x2  }
0xdc: {  	v1 =	vmov s18  }
0xdd: {  	v2 =	vor.u32 s18, v0;
	v5 =	vshrl.u32 v1, $0x7  }
0xde: {  	v6 =	vand.u32 $0x7F, v2;
	v8 =	vshll.u32 v5, $0xA;
	v1 =	vshll.u32 v3, $0x8  }
0xdf: {  	v4 =	vadd.s32 $0x1, v3;
	v7 =	vand.u32 $0xFFFFF800, v1;
	v1 =	vshll.u32 v3, $0x7  }
0xe0: {  	v2 =	vshll.u32 v4, $0x8;
	v9 =	vand.u32 $0x380, v1;
	v1 =	vor.u32 v8, v6  }
0xe1: {  	v11 =	vand.u32 $0xFFFFF800, v2;
	v2 =	vshll.u32 v4, $0x7;
	v10 =	vor.u32 v7, v1  }
0xe2: {  	v12 =	vand.u32 $0x380, v2;
	v1 =	vor.u32 v11, v1;
	v10 =	vor.u32 v9, v10  }
0xe3: {  	v2 =	vor.u32 v12, v1;
	_ =	sdelay $0x2  }
0xe4: {  	v1 =	vld [tilespmem:s17+$0x0]  }
0xe5: {  	v10 =	vld.idx.msk [tilespmem:v10+s28+$0x0], $0xffff  }
0xe6: {  	v13 =	vld.idx.msk [tilespmem:v2+s28+$0x0], $0xffff;
	_ =	sdelay $0x1  }
0xe7: {  	v7 =	vadd.s32 v8, v7;
	v8 =	vadd.s32 v8, v11  }
0xe8: {  	v7 =	vor.u32 v9, v7;
	v8 =	vor.u32 v12, v8;
	v2 =	vsub.f32 $1.000000000e+00, v1  }
0xe9: {  	v7 =	vor.u32 v6, v7;
	v8 =	vor.u32 v6, v8  }
0xea: {  	v55 =	vadd.s32 $0x2000, v7;
	v53 =	vmul.f32 v10, v2;
	v54 =	vmul.f32 v13, v1  }
0xeb: {  	v56 =	vadd.s32 $0x2000, v8  }
0xec: {  	s12 =	sand.u32 $0x70, s18;
	s19 =	sand.u32 $0x400, s16;
	v9 =	vadd.f32 v54, v53  }
0xed: {  	s12 =	sor.u32 s12, s19  }
0xee: {  	[tilespmem:s12+$0x1CC00] =	vst v9  }
0xef: {  	v9 =	vld.idx.msk [tilespmem:v55+s28+$0x0], $0xffff  }
0xf0: {  	v57 =	vld.idx.msk [tilespmem:v56+s28+$0x0], $0xffff;
	_ =	sdelay $0x4  }
0xf1: {  	v7 =	vadd.s32 $0x4000, v7;
	v9 =	vmul.f32 v9, v2;
	v10 =	vmul.f32 v57, v1  }
0xf2: {  	v8 =	vadd.s32 $0x4000, v8  }
0xf3: {  	v9 =	vadd.f32 v10, v9  }
0xf4: {  	s12 =	sadd.s32 $0x1CC00, s12  }
0xf5: {  	[tilespmem:s12+$0x80] =	vst v9  }
0xf6: {  	v7 =	vld.idx.msk [tilespmem:v7+s28+$0x0], $0xffff  }
0xf7: {  	v8 =	vld.idx.msk [tilespmem:v8+s28+$0x0], $0xffff;
	_ =	sdelay $0x2  }
0xf8: {  	v5 =	vshll.u32 v5, $0x9;
	v3 =	vshll.u32 v3, $0xA  }
0xf9: {  	v59 =	vor.u32 $0x80, v6;
	v3 =	vadd.s32 v5, v3  }
0xfa: {  	v58 =	vor.u32 v6, v3;
	v7 =	vmul.f32 v7, v2;
	v8 =	vmul.f32 v8, v1  }
0xfb: {  	v61 =	vor.u32 $0x100, v6;
	v4 =	vshll.u32 v4, $0xA;
	v60 =	vor.u32 v3, v59  }
0xfc: {  	v62 =	vor.u32 v3, v61;
	v63 =	vadd.s32 v5, v4;
	v7 =	vadd.f32 v8, v7  }
0xfd: {  	v14 =	vor.u32 v6, v63  }
0xfe: {  	v18 =	vor.u32 v63, v59;
	v6 =	vor.u32 $0x180, v6;
	[tilespmem:s12+$0x100] =	vst v7  }
0xff: {  	v15 =	vor.u32 v3, v6;
	v4 =	vld.idx.msk [tilespmem:v58+s29+$0x0], $0xffff  }
0x100: {  	v19 =	vor.u32 v63, v61;
	v5 =	vld.idx.msk [tilespmem:v60+s29+$0x0], $0xffff  }
0x101: {  	v3 =	vld.idx.msk [tilespmem:v62+s29+$0x0], $0xffff  }
0x102: {  	v20 =	vor.u32 v63, v6;
	v9 =	vld.idx.msk [tilespmem:v14+s29+$0x0], $0xffff  }
0x103: {  	v10 =	vld.idx.msk [tilespmem:v18+s29+$0x0], $0xffff  }
0x104: {  	v6 =	vld.idx.msk [tilespmem:v15+s29+$0x0], $0xffff  }
0x105: {  	v7 =	vld.idx.msk [tilespmem:v19+s29+$0x0], $0xffff  }
0x106: {  	v21 =	vmul.f32 v4, v4;
	v22 =	vmul.f32 v5, v5  }
0x107: {  	v8 =	vld.idx.msk [tilespmem:v20+s29+$0x0], $0xffff;
	v23 =	vmul.f32 v3, v3  }
0x108: {  	v24 =	vmul.f32 v9, v9;
	v25 =	vmul.f32 v10, v10;
	v11 =	vadd.f32 v22, v21  }
0x109: {  	v26 =	vmul.f32 v6, v6  }
0x10a: {  	v27 =	vmul.f32 v7, v7;
	v13 =	vadd.f32 v25, v24;
	v11 =	vadd.f32 v23, v11;
	_ =	sdelay $0x1  }
0x10b: {  	v29 =	vmul.f32 v8, v8;
	v28 =	vadd.f32 v27, v13;
	v11 =	vadd.f32 v26, v11;
	_ =	sdelay $0x1  }
0x10c: {  	v12 =	vadd.f32 v29, v28;
	v30 =	vshrl.u32 v11, $0x1;
	v31 =	vmul.f32 $5.000000000e-01, v11  }
0x10d: {  	v13 =	vsub.s32 $0x5F3759DF, v30  }
0x10e: {  	v16 =	vshrl.u32 v12, $0x1;
	v17 =	vmul.f32 $5.000000000e-01, v12;
	v32 =	vmul.f32 v13, v31  }
0x10f: {  	v16 =	vsub.s32 $0x5F3759DF, v16  }
0x110: {  	v18 =	vmul.f32 v16, v17;
	v15 =	vmul.f32 v13, v32;
	_ =	sdelay $0x1  }
0x111: {  	v18 =	vmul.f32 v16, v18;
	v15 =	vsub.f32 $1.500000000e+00, v15;
	_ =	sdelay $0x1  }
0x112: {  	v33 =	vsub.f32 $1.500000000e+00, v18;
	v13 =	vmul.f32 v13, v15  }
0x113: {  	v34 =	vmul.f32 v9, v4;
	v19 =	vmul.f32 v10, v5  }
0x114: {  	v15 =	vmul.f32 v16, v33;
	v14 =	vmul.f32 v13, v31  }
0x115: {  	v36 =	vmul.f32 v7, v3  }
0x116: {  	v35 =	vadd.f32 v19, v34;
	v17 =	vmul.f32 v15, v17;
	v14 =	vmul.f32 v14, v13  }
0x117: {  	v37 =	vmul.f32 v8, v6  }
0x118: {  	v16 =	vadd.f32 v36, v35;
	v17 =	vmul.f32 v17, v15;
	v14 =	vsub.f32 $1.500000000e+00, v14;
	_ =	sdelay $0x1  }
0x119: {  	v16 =	vadd.f32 v37, v16;
	v38 =	vsub.f32 $1.500000000e+00, v17;
	v13 =	vmul.f32 v14, v13;
	_ =	sdelay $0x1  }
0x11a: {  	v14 =	vmul.f32 v38, v15;
	v39 =	vmul.f32 v13, v16;
	_ =	sdelay $0x1  }
0x11b: {  	v15 =	vmul.f32 v14, v39;
	_ =	sdelay $0x1  }
0x11c: {  	v40 =	vand.u32 $0x7FFFFFFF, v15  }
0x11d: {  	v17 =	vmax.f32 v40, $0.0e+00  }
0x11e: {  	v17 =	vmin.f32 v17, $9.999998800e-01  }
0x11f: {  	v41 =	vmul.f32 $-1.262491100e-03, v17;
	_ =	sdelay $0x1  }
0x120: {  	v18 =	vadd.f32 $6.670089900e-03, v41;
	_ =	sdelay $0x1  }
0x121: {  	v18 =	vmul.f32 v18, v17  }
0x122: {  	v42 =	vsub.f32 $1.000000000e+00, v17  }
0x123: {  	v18 =	vadd.f32 $-1.708812640e-02, v18  }
0x124: {  	v19 =	vmax.f32 v42, $9.999999930e-09  }
0x125: {  	v20 =	vshrl.u32 v19, $0x1;
	v21 =	vmul.f32 $5.000000000e-01, v19;
	v18 =	vmul.f32 v18, v17  }
0x126: {  	v20 =	vsub.s32 $0x5F3759DF, v20  }
0x127: {  	v22 =	vmul.f32 v20, v21;
	v18 =	vadd.f32 $3.089188040e-02, v18;
	_ =	sdelay $0x1  }
0x128: {  	v22 =	vmul.f32 v20, v22;
	v18 =	vmul.f32 v18, v17;
	_ =	sdelay $0x1  }
0x129: {  	v22 =	vsub.f32 $1.500000000e+00, v22;
	v18 =	vadd.f32 $-5.017430340e-02, v18  }
0x12a: {  	v43 =	vmul.f32 v17, v17  }
0x12b: {  	v20 =	vmul.f32 v20, v22;
	v18 =	vmul.f32 v18, v17;
	_ =	sdelay $0x1  }
0x12c: {  	v22 =	vsub.f32 $1.000000000e+00, v43;
	v21 =	vmul.f32 v20, v21;
	v18 =	vadd.f32 $8.897899090e-02, v18;
	_ =	sdelay $0x1  }
0x12d: {  	v22 =	vmax.f32 v22, $9.999999930e-09;
	v21 =	vmul.f32 v21, v20;
	v18 =	vmul.f32 v18, v17  }
0x12e: {  	v23 =	vshrl.u32 v22, $0x1;
	v24 =	vmul.f32 $5.000000000e-01, v22  }
0x12f: {  	v23 =	vsub.s32 $0x5F3759DF, v23;
	v21 =	vsub.f32 $1.500000000e+00, v21;
	v18 =	vadd.f32 $-2.145988050e-01, v18  }
0x130: {  	v25 =	vmul.f32 v23, v24  }
0x131: {  	v20 =	vmul.f32 v21, v20;
	v18 =	vmul.f32 v18, v17  }
0x132: {  	v44 =	vmul.f32 v23, v25  }
0x133: {  	v19 =	vmul.f32 v20, v19;
	v18 =	vadd.f32 $1.570796250e+00, v18  }
0x134: {  	v45 =	vsub.f32 $1.500000000e+00, v44  }
0x135: {  	v18 =	vmul.f32 v19, v18  }
0x136: {  	v46 =	vmul.f32 v23, v45  }
0x137: {  	v47 =	vmul.f32 v18, v2;
	v18 =	vmul.f32 v18, v1  }
0x138: {  	v48 =	vmul.f32 v46, v24  }
0x139: {  	v49 =	vmul.f32 v47, v47;
	v50 =	vmul.f32 v18, v18  }
0x13a: {  	v21 =	vmul.f32 v48, v46  }
0x13b: {  	v51 =	vmul.f32 $2.755731880e-06, v49;
	v26 =	vmul.f32 $2.755731880e-06, v50  }
0x13c: {  	v21 =	vsub.f32 $1.500000000e+00, v21  }
0x13d: {  	v25 =	vadd.f32 $-1.984127010e-04, v51;
	v26 =	vadd.f32 $-1.984127010e-04, v26  }
0x13e: {  	v19 =	vmul.f32 v21, v46  }
0x13f: {  	v52 =	vmul.f32 v25, v49;
	v53 =	vmul.f32 v26, v50  }
0x140: {  	v19 =	vmul.f32 v19, v22  }
0x141: {  	v21 =	vadd.f32 $8.333333770e-03, v52;
	v54 =	vadd.f32 $8.333333770e-03, v53  }
0x142: {  	(erf) = vrcp.f32 v19  }
0x143: {  	v55 =	vmul.f32 v21, v49;
	v56 =	vmul.f32 v54, v50;
	_ =	sdelay $0x1  }
0x144: {  	v19 =	vadd.f32 $-1.666666720e-01, v55;
	v21 =	vadd.f32 $-1.666666720e-01, v56;
	_ =	sdelay $0x1  }
0x145: {  	v19 =	vmul.f32 v19, v49;
	v21 =	vmul.f32 v21, v50;
	_ =	sdelay $0x1  }
0x146: {  	v19 =	vadd.f32 $1.000000000e+00, v19;
	v21 =	vadd.f32 $1.000000000e+00, v21;
	_ =	sdelay $0x1  }
0x147: {  	v19 =	vmul.f32 v19, v47;
	v18 =	vmul.f32 v21, v18  }
0x148: {  	v57 =	vpop (erf)  }
0x149: {  	v19 =	vmul.f32 v19, v57;
	v18 =	vmul.f32 v18, v57  }
0x14a: {  	vm0 =	vgt.f32 v17, $9.994999760e-01  }
0x14b: {  	v2 =	vsel vm0, v2, v19;
	v1 =	vsel vm0, v1, v18  }
0x14c: {  	v2 =	vmul.f32 v2, v13;
	v1 =	vmul.f32 v1, v14;
	_ =	sdelay $0x1  }
0x14d: {  	vm15 =	vlt.f32 v15, $0.0e+00;
	v58 =	vxor.u32 $0x80000000, v1;
	v59 =	vadd.f32 v2, v2  }
0x14e: {  	v60 =	vmul.f32 v2, v2;
	v1 =	vsel vm15, v58, v1  }
0x14f: {  	v14 =	vmul.f32 v1, v59  }
0x150: {  	v11 =	vmul.f32 v60, v11  }
0x151: {  	v62 =	vmul.f32 v1, v1;
	v61 =	vmul.f32 v14, v16;
	_ =	sdelay $0x1  }
0x152: {  	v12 =	vmul.f32 v62, v12;
	v11 =	vadd.f32 v61, v11;
	_ =	sdelay $0x1  }
0x153: {  	v11 =	vadd.f32 v11, v12;
	_ =	sdelay $0x1  }
0x154: {  	v12 =	vshrl.u32 v11, $0x1;
	v11 =	vmul.f32 $5.000000000e-01, v11  }
0x155: {  	v12 =	vsub.s32 $0x5F3759DF, v12  }
0x156: {  	v63 =	vmul.f32 v12, v11;
	_ =	sdelay $0x1  }
0x157: {  	v13 =	vmul.f32 v12, v63;
	_ =	sdelay $0x1  }
0x158: {  	v13 =	vsub.f32 $1.500000000e+00, v13;
	_ =	sdelay $0x1  }
0x159: {  	v12 =	vmul.f32 v12, v13;
	_ =	sdelay $0x1  }
0x15a: {  	v11 =	vmul.f32 v12, v11;
	_ =	sdelay $0x1  }
0x15b: {  	v11 =	vmul.f32 v11, v12;
	_ =	sdelay $0x1  }
0x15c: {  	v11 =	vsub.f32 $1.500000000e+00, v11;
	_ =	sdelay $0x1  }
0x15d: {  	v11 =	vmul.f32 v11, v12;
	_ =	sdelay $0x1  }
0x15e: {  	v2 =	vmul.f32 v11, v2;
	v1 =	vmul.f32 v11, v1;
	_ =	sdelay $0x1  }
0x15f: {  	v4 =	vmul.f32 v2, v4;
	v9 =	vmul.f32 v1, v9  }
0x160: {  	v5 =	vmul.f32 v2, v5;
	v10 =	vmul.f32 v1, v10  }
0x161: {  	p0 =	sne.s32 s18, $0xF0;
	v3 =	vmul.f32 v2, v3;
	v7 =	vmul.f32 v1, v7;
	v4 =	vadd.f32 v9, v4  }
.Ltmp1:
0x162: {  	v2 =	vmul.f32 v2, v6;
	v1 =	vmul.f32 v1, v8;
	v5 =	vadd.f32 v10, v5;
	(pc) =	sbr.rel @p0 .LBB2_5-.Ltmp1, $4  }
0x163: {  	v3 =	vadd.f32 v7, v3;
	[tilespmem:s12+$0x180] =	vst v4  }
0x164: {  	v1 =	vadd.f32 v1, v2;
	[tilespmem:s12+$0x200] =	vst v5  }
0x165: {  	s16 =	sadd.s32 $0x80, s16;
	[tilespmem:s12+$0x280] =	vst v3  }
0x166: {  	s15 =	sadd.s32 $0x10, s15;
	s18 =	sadd.s32 $0x10, s18;
	s17 =	sadd.s32 $0x10, s17;
	[tilespmem:s12+$0x300] =	vst v1  }
0x167: {  	s13 =	sadd.s32 $0x1, s13  }
0x168: {  	p0 =	sne.s32 s13, $0x15  }
.Ltmp2:
0x169: {  	s12 =	sadd.s32 s7, s14;
	(pc) =	sbr.rel @p0 .LBB2_2-.Ltmp2, $4  }
0x16a: {  	[hbm4b:s12+s6] =	stream.linear.scatter [tilespmem:s11], [sflag:$0x3], $0x800, $0x38;
	[tilespmem:$0x1D400] =	vst v63  }
0x16b: {  	_ =	swait.ge [sflag:s9], $0x800  }
0x16c: {  	[sflag:s9] =	ssyncset.done $0x0  }
0x16d: {  	[sflag:s9] =	ssyncadd.s32 $0xFFFFF800  }
0x16e: {  	_ =	swait.ge [sflag:s0], $0x6000  }
0x16f: {  	[sflag:s0] =	ssyncset.done $0x0  }
0x170: {  	[sflag:s0] =	ssyncadd.s32 $0xFFFFA000  }
0x171: {  	_ =	swait.ge [sflag:s0], $0x8000  }
0x172: {  	[sflag:s0] =	ssyncset.done $0x0  }
0x173: {  	[sflag:s0] =	ssyncadd.s32 $0xFFFF8000  }
0x174: {  	_ =	swait.ge [sflag:s0], $0x100  }
0x175: {  	[sflag:s0] =	ssyncset.done $0x0  }
0x176: {  	[sflag:s0] =	ssyncadd.s32 $0xFFFFFF00  }
0x177: {  	_ =	swait.ge [sflag:s0], $0x100  }
0x178: {  	s13 =	simm.s32 $0x0;
	s14 =	simm.s32 $0xE000;
	[sflag:s0] =	ssyncset.done $0x0  }
0x179: {  	s15 =	simm.s32 $0xE100;
	s16 =	simm.s32 $0x0;
	[sflag:s0] =	ssyncadd.s32 $0xFFFFFF00  }
.LBB2_8:
0x17a: {  	v3 =	vld [tilespmem:s14+$0x0];
	_ =	sdelay $0x2  }
0x17b: {  	v1 =	vmov s16  }
0x17c: {  	v2 =	vor.u32 s16, v0;
	v5 =	vshrl.u32 v1, $0x7  }
0x17d: {  	v6 =	vand.u32 $0x7F, v2;
	v8 =	vshll.u32 v5, $0xA;
	v1 =	vshll.u32 v3, $0x8  }
0x17e: {  	v4 =	vadd.s32 $0x1, v3;
	v7 =	vand.u32 $0xFFFFF800, v1;
	v1 =	vshll.u32 v3, $0x7  }
0x17f: {  	v2 =	vshll.u32 v4, $0x8;
	v9 =	vand.u32 $0x380, v1;
	v1 =	vor.u32 v8, v6  }
0x180: {  	v11 =	vand.u32 $0xFFFFF800, v2;
	v2 =	vshll.u32 v4, $0x7;
	v10 =	vor.u32 v7, v1  }
0x181: {  	v12 =	vand.u32 $0x380, v2;
	v1 =	vor.u32 v11, v1;
	v10 =	vor.u32 v9, v10  }
0x182: {  	v2 =	vor.u32 v12, v1;
	_ =	sdelay $0x2  }
0x183: {  	v1 =	vld [tilespmem:s15+$0x0]  }
0x184: {  	v10 =	vld.idx.msk [tilespmem:v10+s6+$0x0], $0xffff  }
0x185: {  	v13 =	vld.idx.msk [tilespmem:v2+s6+$0x0], $0xffff;
	_ =	sdelay $0x1  }
0x186: {  	v7 =	vadd.s32 v8, v7;
	v8 =	vadd.s32 v8, v11  }
0x187: {  	v7 =	vor.u32 v9, v7;
	v8 =	vor.u32 v12, v8;
	v2 =	vsub.f32 $1.000000000e+00, v1  }
0x188: {  	v7 =	vor.u32 v6, v7;
	v8 =	vor.u32 v6, v8  }
0x189: {  	v55 =	vadd.s32 $0x2000, v7;
	v53 =	vmul.f32 v10, v2;
	v54 =	vmul.f32 v13, v1  }
0x18a: {  	v56 =	vadd.s32 $0x2000, v8  }
0x18b: {  	s12 =	sand.u32 $0x70, s16;
	s17 =	sand.u32 $0x400, s13;
	v9 =	vadd.f32 v54, v53  }
0x18c: {  	s12 =	sor.u32 s12, s17  }
0x18d: {  	[tilespmem:s12+$0xE200] =	vst v9  }
0x18e: {  	v9 =	vld.idx.msk [tilespmem:v55+s6+$0x0], $0xffff  }
0x18f: {  	v57 =	vld.idx.msk [tilespmem:v56+s6+$0x0], $0xffff;
	_ =	sdelay $0x4  }
0x190: {  	v7 =	vadd.s32 $0x4000, v7;
	v9 =	vmul.f32 v9, v2;
	v10 =	vmul.f32 v57, v1  }
0x191: {  	v8 =	vadd.s32 $0x4000, v8  }
0x192: {  	v9 =	vadd.f32 v10, v9;
	_ =	sdelay $0x1  }
0x193: {  	[tilespmem:s12+$0xE280] =	vst v9  }
0x194: {  	v7 =	vld.idx.msk [tilespmem:v7+s6+$0x0], $0xffff  }
0x195: {  	v8 =	vld.idx.msk [tilespmem:v8+s6+$0x0], $0xffff;
	_ =	sdelay $0x2  }
0x196: {  	v5 =	vshll.u32 v5, $0x9;
	v3 =	vshll.u32 v3, $0xA  }
0x197: {  	v59 =	vor.u32 $0x80, v6;
	v3 =	vadd.s32 v5, v3  }
0x198: {  	v58 =	vor.u32 v6, v3;
	v7 =	vmul.f32 v7, v2;
	v8 =	vmul.f32 v8, v1  }
0x199: {  	v61 =	vor.u32 $0x100, v6;
	v4 =	vshll.u32 v4, $0xA;
	v60 =	vor.u32 v3, v59  }
0x19a: {  	v62 =	vor.u32 v3, v61;
	v63 =	vadd.s32 v5, v4;
	v7 =	vadd.f32 v8, v7  }
0x19b: {  	v14 =	vor.u32 v6, v63  }
0x19c: {  	v18 =	vor.u32 v63, v59;
	v6 =	vor.u32 $0x180, v6;
	[tilespmem:s12+$0xE300] =	vst v7  }
0x19d: {  	v15 =	vor.u32 v3, v6;
	v4 =	vld.idx.msk [tilespmem:v58+s24+$0x0], $0xffff  }
0x19e: {  	v19 =	vor.u32 v63, v61;
	v5 =	vld.idx.msk [tilespmem:v60+s24+$0x0], $0xffff  }
0x19f: {  	v3 =	vld.idx.msk [tilespmem:v62+s24+$0x0], $0xffff  }
0x1a0: {  	v20 =	vor.u32 v63, v6;
	v9 =	vld.idx.msk [tilespmem:v14+s24+$0x0], $0xffff  }
0x1a1: {  	v10 =	vld.idx.msk [tilespmem:v18+s24+$0x0], $0xffff  }
0x1a2: {  	v6 =	vld.idx.msk [tilespmem:v15+s24+$0x0], $0xffff  }
0x1a3: {  	v7 =	vld.idx.msk [tilespmem:v19+s24+$0x0], $0xffff  }
0x1a4: {  	v21 =	vmul.f32 v4, v4;
	v22 =	vmul.f32 v5, v5  }
0x1a5: {  	v8 =	vld.idx.msk [tilespmem:v20+s24+$0x0], $0xffff;
	v23 =	vmul.f32 v3, v3  }
0x1a6: {  	v24 =	vmul.f32 v9, v9;
	v25 =	vmul.f32 v10, v10;
	v11 =	vadd.f32 v22, v21  }
0x1a7: {  	v26 =	vmul.f32 v6, v6  }
0x1a8: {  	v27 =	vmul.f32 v7, v7;
	v13 =	vadd.f32 v25, v24;
	v11 =	vadd.f32 v23, v11;
	_ =	sdelay $0x1  }
0x1a9: {  	v29 =	vmul.f32 v8, v8;
	v28 =	vadd.f32 v27, v13;
	v11 =	vadd.f32 v26, v11;
	_ =	sdelay $0x1  }
0x1aa: {  	v12 =	vadd.f32 v29, v28;
	v30 =	vshrl.u32 v11, $0x1;
	v31 =	vmul.f32 $5.000000000e-01, v11  }
0x1ab: {  	v13 =	vsub.s32 $0x5F3759DF, v30  }
0x1ac: {  	v16 =	vshrl.u32 v12, $0x1;
	v17 =	vmul.f32 $5.000000000e-01, v12;
	v32 =	vmul.f32 v13, v31  }
0x1ad: {  	v16 =	vsub.s32 $0x5F3759DF, v16  }
0x1ae: {  	v18 =	vmul.f32 v16, v17;
	v15 =	vmul.f32 v13, v32;
	_ =	sdelay $0x1  }
0x1af: {  	v18 =	vmul.f32 v16, v18;
	v15 =	vsub.f32 $1.500000000e+00, v15;
	_ =	sdelay $0x1  }
0x1b0: {  	v33 =	vsub.f32 $1.500000000e+00, v18;
	v13 =	vmul.f32 v13, v15  }
0x1b1: {  	v34 =	vmul.f32 v9, v4;
	v19 =	vmul.f32 v10, v5  }
0x1b2: {  	v15 =	vmul.f32 v16, v33;
	v14 =	vmul.f32 v13, v31  }
0x1b3: {  	v36 =	vmul.f32 v7, v3  }
0x1b4: {  	v35 =	vadd.f32 v19, v34;
	v17 =	vmul.f32 v15, v17;
	v14 =	vmul.f32 v14, v13  }
0x1b5: {  	v37 =	vmul.f32 v8, v6  }
0x1b6: {  	v16 =	vadd.f32 v36, v35;
	v17 =	vmul.f32 v17, v15;
	v14 =	vsub.f32 $1.500000000e+00, v14;
	_ =	sdelay $0x1  }
0x1b7: {  	v16 =	vadd.f32 v37, v16;
	v38 =	vsub.f32 $1.500000000e+00, v17;
	v13 =	vmul.f32 v14, v13;
	_ =	sdelay $0x1  }
0x1b8: {  	v14 =	vmul.f32 v38, v15;
	v39 =	vmul.f32 v13, v16;
	_ =	sdelay $0x1  }
0x1b9: {  	v15 =	vmul.f32 v14, v39;
	_ =	sdelay $0x1  }
0x1ba: {  	v40 =	vand.u32 $0x7FFFFFFF, v15  }
0x1bb: {  	v17 =	vmax.f32 v40, $0.0e+00  }
0x1bc: {  	v17 =	vmin.f32 v17, $9.999998800e-01  }
0x1bd: {  	v41 =	vmul.f32 $-1.262491100e-03, v17;
	_ =	sdelay $0x1  }
0x1be: {  	v18 =	vadd.f32 $6.670089900e-03, v41;
	_ =	sdelay $0x1  }
0x1bf: {  	v18 =	vmul.f32 v18, v17  }
0x1c0: {  	v42 =	vsub.f32 $1.000000000e+00, v17  }
0x1c1: {  	v18 =	vadd.f32 $-1.708812640e-02, v18  }
0x1c2: {  	v19 =	vmax.f32 v42, $9.999999930e-09  }
0x1c3: {  	v20 =	vshrl.u32 v19, $0x1;
	v21 =	vmul.f32 $5.000000000e-01, v19;
	v18 =	vmul.f32 v18, v17  }
0x1c4: {  	v20 =	vsub.s32 $0x5F3759DF, v20  }
0x1c5: {  	v22 =	vmul.f32 v20, v21;
	v18 =	vadd.f32 $3.089188040e-02, v18;
	_ =	sdelay $0x1  }
0x1c6: {  	v22 =	vmul.f32 v20, v22;
	v18 =	vmul.f32 v18, v17;
	_ =	sdelay $0x1  }
0x1c7: {  	v22 =	vsub.f32 $1.500000000e+00, v22;
	v18 =	vadd.f32 $-5.017430340e-02, v18  }
0x1c8: {  	v43 =	vmul.f32 v17, v17  }
0x1c9: {  	v20 =	vmul.f32 v20, v22;
	v18 =	vmul.f32 v18, v17;
	_ =	sdelay $0x1  }
0x1ca: {  	v22 =	vsub.f32 $1.000000000e+00, v43;
	v21 =	vmul.f32 v20, v21;
	v18 =	vadd.f32 $8.897899090e-02, v18;
	_ =	sdelay $0x1  }
0x1cb: {  	v22 =	vmax.f32 v22, $9.999999930e-09;
	v21 =	vmul.f32 v21, v20;
	v18 =	vmul.f32 v18, v17  }
0x1cc: {  	v23 =	vshrl.u32 v22, $0x1;
	v24 =	vmul.f32 $5.000000000e-01, v22  }
0x1cd: {  	v23 =	vsub.s32 $0x5F3759DF, v23;
	v21 =	vsub.f32 $1.500000000e+00, v21;
	v18 =	vadd.f32 $-2.145988050e-01, v18  }
0x1ce: {  	v25 =	vmul.f32 v23, v24  }
0x1cf: {  	v20 =	vmul.f32 v21, v20;
	v18 =	vmul.f32 v18, v17  }
0x1d0: {  	v44 =	vmul.f32 v23, v25  }
0x1d1: {  	v19 =	vmul.f32 v20, v19;
	v18 =	vadd.f32 $1.570796250e+00, v18  }
0x1d2: {  	v45 =	vsub.f32 $1.500000000e+00, v44  }
0x1d3: {  	v18 =	vmul.f32 v19, v18  }
0x1d4: {  	v46 =	vmul.f32 v23, v45  }
0x1d5: {  	v47 =	vmul.f32 v18, v2;
	v18 =	vmul.f32 v18, v1  }
0x1d6: {  	v48 =	vmul.f32 v46, v24  }
0x1d7: {  	v49 =	vmul.f32 v47, v47;
	v50 =	vmul.f32 v18, v18  }
0x1d8: {  	v21 =	vmul.f32 v48, v46  }
0x1d9: {  	v51 =	vmul.f32 $2.755731880e-06, v49;
	v26 =	vmul.f32 $2.755731880e-06, v50  }
0x1da: {  	v21 =	vsub.f32 $1.500000000e+00, v21  }
0x1db: {  	v25 =	vadd.f32 $-1.984127010e-04, v51;
	v26 =	vadd.f32 $-1.984127010e-04, v26  }
0x1dc: {  	v19 =	vmul.f32 v21, v46  }
0x1dd: {  	v52 =	vmul.f32 v25, v49;
	v53 =	vmul.f32 v26, v50  }
0x1de: {  	v19 =	vmul.f32 v19, v22  }
0x1df: {  	v21 =	vadd.f32 $8.333333770e-03, v52;
	v54 =	vadd.f32 $8.333333770e-03, v53  }
0x1e0: {  	(erf) = vrcp.f32 v19  }
0x1e1: {  	v55 =	vmul.f32 v21, v49;
	v56 =	vmul.f32 v54, v50;
	_ =	sdelay $0x1  }
0x1e2: {  	v19 =	vadd.f32 $-1.666666720e-01, v55;
	v21 =	vadd.f32 $-1.666666720e-01, v56;
	_ =	sdelay $0x1  }
0x1e3: {  	v19 =	vmul.f32 v19, v49;
	v21 =	vmul.f32 v21, v50;
	_ =	sdelay $0x1  }
0x1e4: {  	v19 =	vadd.f32 $1.000000000e+00, v19;
	v21 =	vadd.f32 $1.000000000e+00, v21;
	_ =	sdelay $0x1  }
0x1e5: {  	v19 =	vmul.f32 v19, v47;
	v18 =	vmul.f32 v21, v18  }
0x1e6: {  	v57 =	vpop (erf)  }
0x1e7: {  	v19 =	vmul.f32 v19, v57;
	v18 =	vmul.f32 v18, v57  }
0x1e8: {  	vm0 =	vgt.f32 v17, $9.994999760e-01  }
0x1e9: {  	v2 =	vsel vm0, v2, v19;
	v1 =	vsel vm0, v1, v18  }
0x1ea: {  	v2 =	vmul.f32 v2, v13;
	v1 =	vmul.f32 v1, v14;
	_ =	sdelay $0x1  }
0x1eb: {  	vm15 =	vlt.f32 v15, $0.0e+00;
	v58 =	vxor.u32 $0x80000000, v1;
	v59 =	vadd.f32 v2, v2  }
0x1ec: {  	v60 =	vmul.f32 v2, v2;
	v1 =	vsel vm15, v58, v1  }
0x1ed: {  	v14 =	vmul.f32 v1, v59  }
0x1ee: {  	v11 =	vmul.f32 v60, v11  }
0x1ef: {  	v62 =	vmul.f32 v1, v1;
	v61 =	vmul.f32 v14, v16;
	_ =	sdelay $0x1  }
0x1f0: {  	v12 =	vmul.f32 v62, v12;
	v11 =	vadd.f32 v61, v11;
	_ =	sdelay $0x1  }
0x1f1: {  	v11 =	vadd.f32 v11, v12;
	_ =	sdelay $0x1  }
0x1f2: {  	v12 =	vshrl.u32 v11, $0x1;
	v11 =	vmul.f32 $5.000000000e-01, v11  }
0x1f3: {  	v12 =	vsub.s32 $0x5F3759DF, v12  }
0x1f4: {  	v63 =	vmul.f32 v12, v11;
	_ =	sdelay $0x1  }
0x1f5: {  	v13 =	vmul.f32 v12, v63;
	_ =	sdelay $0x1  }
0x1f6: {  	v13 =	vsub.f32 $1.500000000e+00, v13;
	_ =	sdelay $0x1  }
0x1f7: {  	v12 =	vmul.f32 v12, v13;
	_ =	sdelay $0x1  }
0x1f8: {  	v11 =	vmul.f32 v12, v11;
	_ =	sdelay $0x1  }
0x1f9: {  	v11 =	vmul.f32 v11, v12;
	_ =	sdelay $0x1  }
0x1fa: {  	v11 =	vsub.f32 $1.500000000e+00, v11;
	_ =	sdelay $0x1  }
0x1fb: {  	v11 =	vmul.f32 v11, v12;
	_ =	sdelay $0x1  }
0x1fc: {  	v2 =	vmul.f32 v11, v2;
	v1 =	vmul.f32 v11, v1;
	_ =	sdelay $0x1  }
0x1fd: {  	v4 =	vmul.f32 v2, v4;
	v9 =	vmul.f32 v1, v9  }
0x1fe: {  	v5 =	vmul.f32 v2, v5;
	v10 =	vmul.f32 v1, v10  }
0x1ff: {  	p0 =	sne.s32 s16, $0xF0;
	v3 =	vmul.f32 v2, v3;
	v7 =	vmul.f32 v1, v7;
	v4 =	vadd.f32 v9, v4  }
.Ltmp3:
0x200: {  	v2 =	vmul.f32 v2, v6;
	v1 =	vmul.f32 v1, v8;
	v5 =	vadd.f32 v10, v5;
	(pc) =	sbr.rel @p0 .LBB2_8-.Ltmp3, $4  }
0x201: {  	v3 =	vadd.f32 v7, v3;
	[tilespmem:s12+$0xE380] =	vst v4  }
0x202: {  	v1 =	vadd.f32 v1, v2;
	[tilespmem:s12+$0xE400] =	vst v5  }
0x203: {  	s13 =	sadd.s32 $0x80, s13;
	[tilespmem:s12+$0xE480] =	vst v3  }
0x204: {  	s14 =	sadd.s32 $0x10, s14;
	s16 =	sadd.s32 $0x10, s16;
	s15 =	sadd.s32 $0x10, s15;
	[tilespmem:s12+$0xE500] =	vst v1  }
0x205: {  	s13 =	simm.s32 $0x0;
	s12 =	rddreg [dreg:$0x9]  }
0x206: {  	[hbm4b:s12+s13] =	stream.linear.scatter [tilespmem:s5], [sflag:$0x3], $0x800, $0x38;
	[tilespmem:$0x1D400] =	vst v63  }
0x207: {  	_ =	swait.ge [sflag:s9], $0x800  }
0x208: {  	[sflag:s9] =	ssyncset.done $0x0  }
0x209: {  	s17 =	rddreg [dreg:$0xa];
	[sflag:s9] =	ssyncadd.s32 $0xFFFFF800  }
0x20a: {  	[tilespmem:s28], [sflag:$0x2] =	stream.strided.gather [hbm4b:s17+s20], $0x6000, s21, s20, $0x38;
	[tilespmem:$0x1D400] =	vst v63  }
0x20b: {  	s18 =	rddreg [dreg:$0xb]  }
0x20c: {  	[tilespmem:s29], [sflag:$0x2] =	stream.strided.gather [hbm4b:s18+s22], $0x8000, s23, s22, $0x38;
	[tilespmem:$0x1D400] =	vst v63  }
0x20d: {  	s14 =	simm.s32 $0x1CA00;
	s19 =	rddreg [dreg:$0xc]  }
0x20e: {  	[tilespmem:s14], [sflag:$0x2] =	stream.linear.gather [hbm4b:s19+s13], $0x100, $0x38;
	[tilespmem:$0x1D400] =	vst v63  }
0x20f: {  	s15 =	simm.s32 $0x1CB00;
	s30 =	rddreg [dreg:$0xd]  }
0x210: {  	[tilespmem:s15], [sflag:$0x2] =	stream.linear.gather [hbm4b:s30+s13], $0x100, $0x38;
	[tilespmem:$0x1D400] =	vst v63  }
0x211: {  	_ =	swait.ge [sflag:s10], $0x6000  }
0x212: {  	[sflag:s10] =	ssyncset.done $0x0  }
0x213: {  	[sflag:s10] =	ssyncadd.s32 $0xFFFFA000  }
0x214: {  	_ =	swait.ge [sflag:s10], $0x8000  }
0x215: {  	[sflag:s10] =	ssyncset.done $0x0  }
0x216: {  	[sflag:s10] =	ssyncadd.s32 $0xFFFF8000  }
0x217: {  	_ =	swait.ge [sflag:s10], $0x100  }
0x218: {  	[sflag:s10] =	ssyncset.done $0x0  }
0x219: {  	[sflag:s10] =	ssyncadd.s32 $0xFFFFFF00  }
0x21a: {  	_ =	swait.ge [sflag:s10], $0x100  }
0x21b: {  	[sflag:s10] =	ssyncset.done $0x0  }
0x21c: {  	s16 =	simm.s32 $0x0;
	[sflag:s10] =	ssyncadd.s32 $0xFFFFFF00  }
.LBB2_10:
0x21d: {  	v3 =	vld [tilespmem:s14+$0x0];
	_ =	sdelay $0x2  }
0x21e: {  	v1 =	vmov s16  }
0x21f: {  	v2 =	vor.u32 s16, v0;
	v5 =	vshrl.u32 v1, $0x7  }
0x220: {  	v6 =	vand.u32 $0x7F, v2;
	v8 =	vshll.u32 v5, $0xA;
	v1 =	vshll.u32 v3, $0x8  }
0x221: {  	v4 =	vadd.s32 $0x1, v3;
	v7 =	vand.u32 $0xFFFFF800, v1;
	v1 =	vshll.u32 v3, $0x7  }
0x222: {  	v2 =	vshll.u32 v4, $0x8;
	v9 =	vand.u32 $0x380, v1;
	v1 =	vor.u32 v8, v6  }
0x223: {  	v11 =	vand.u32 $0xFFFFF800, v2;
	v2 =	vshll.u32 v4, $0x7;
	v10 =	vor.u32 v7, v1  }
0x224: {  	v12 =	vand.u32 $0x380, v2;
	v1 =	vor.u32 v11, v1;
	v10 =	vor.u32 v9, v10  }
0x225: {  	v2 =	vor.u32 v12, v1;
	_ =	sdelay $0x2  }
0x226: {  	v1 =	vld [tilespmem:s15+$0x0]  }
0x227: {  	v10 =	vld.idx.msk [tilespmem:v10+s28+$0x0], $0xffff  }
0x228: {  	v13 =	vld.idx.msk [tilespmem:v2+s28+$0x0], $0xffff;
	_ =	sdelay $0x1  }
0x229: {  	v7 =	vadd.s32 v8, v7;
	v8 =	vadd.s32 v8, v11  }
0x22a: {  	v7 =	vor.u32 v9, v7;
	v8 =	vor.u32 v12, v8;
	v2 =	vsub.f32 $1.000000000e+00, v1  }
0x22b: {  	v7 =	vor.u32 v6, v7;
	v8 =	vor.u32 v6, v8  }
0x22c: {  	v55 =	vadd.s32 $0x2000, v7;
	v53 =	vmul.f32 v10, v2;
	v54 =	vmul.f32 v13, v1  }
0x22d: {  	v56 =	vadd.s32 $0x2000, v8  }
0x22e: {  	s12 =	sand.u32 $0x70, s16;
	s17 =	sand.u32 $0x400, s13;
	v9 =	vadd.f32 v54, v53  }
0x22f: {  	s12 =	sor.u32 s12, s17  }
0x230: {  	[tilespmem:s12+$0x1CC00] =	vst v9  }
0x231: {  	v9 =	vld.idx.msk [tilespmem:v55+s28+$0x0], $0xffff  }
0x232: {  	v57 =	vld.idx.msk [tilespmem:v56+s28+$0x0], $0xffff;
	_ =	sdelay $0x4  }
0x233: {  	v7 =	vadd.s32 $0x4000, v7;
	v9 =	vmul.f32 v9, v2;
	v10 =	vmul.f32 v57, v1  }
0x234: {  	v8 =	vadd.s32 $0x4000, v8  }
0x235: {  	v9 =	vadd.f32 v10, v9  }
0x236: {  	s12 =	sadd.s32 $0x1CC00, s12  }
0x237: {  	[tilespmem:s12+$0x80] =	vst v9  }
0x238: {  	v7 =	vld.idx.msk [tilespmem:v7+s28+$0x0], $0xffff  }
0x239: {  	v8 =	vld.idx.msk [tilespmem:v8+s28+$0x0], $0xffff;
	_ =	sdelay $0x2  }
0x23a: {  	v5 =	vshll.u32 v5, $0x9;
	v3 =	vshll.u32 v3, $0xA  }
0x23b: {  	v59 =	vor.u32 $0x80, v6;
	v3 =	vadd.s32 v5, v3  }
0x23c: {  	v58 =	vor.u32 v6, v3;
	v7 =	vmul.f32 v7, v2;
	v8 =	vmul.f32 v8, v1  }
0x23d: {  	v61 =	vor.u32 $0x100, v6;
	v4 =	vshll.u32 v4, $0xA;
	v60 =	vor.u32 v3, v59  }
0x23e: {  	v62 =	vor.u32 v3, v61;
	v63 =	vadd.s32 v5, v4;
	v7 =	vadd.f32 v8, v7  }
0x23f: {  	v14 =	vor.u32 v6, v63  }
0x240: {  	v18 =	vor.u32 v63, v59;
	v6 =	vor.u32 $0x180, v6;
	[tilespmem:s12+$0x100] =	vst v7  }
0x241: {  	v15 =	vor.u32 v3, v6;
	v4 =	vld.idx.msk [tilespmem:v58+s29+$0x0], $0xffff  }
0x242: {  	v19 =	vor.u32 v63, v61;
	v5 =	vld.idx.msk [tilespmem:v60+s29+$0x0], $0xffff  }
0x243: {  	v3 =	vld.idx.msk [tilespmem:v62+s29+$0x0], $0xffff  }
0x244: {  	v20 =	vor.u32 v63, v6;
	v9 =	vld.idx.msk [tilespmem:v14+s29+$0x0], $0xffff  }
0x245: {  	v10 =	vld.idx.msk [tilespmem:v18+s29+$0x0], $0xffff  }
0x246: {  	v6 =	vld.idx.msk [tilespmem:v15+s29+$0x0], $0xffff  }
0x247: {  	v7 =	vld.idx.msk [tilespmem:v19+s29+$0x0], $0xffff  }
0x248: {  	v21 =	vmul.f32 v4, v4;
	v22 =	vmul.f32 v5, v5  }
0x249: {  	v8 =	vld.idx.msk [tilespmem:v20+s29+$0x0], $0xffff;
	v23 =	vmul.f32 v3, v3  }
0x24a: {  	v24 =	vmul.f32 v9, v9;
	v25 =	vmul.f32 v10, v10;
	v11 =	vadd.f32 v22, v21  }
0x24b: {  	v26 =	vmul.f32 v6, v6  }
0x24c: {  	v27 =	vmul.f32 v7, v7;
	v13 =	vadd.f32 v25, v24;
	v11 =	vadd.f32 v23, v11;
	_ =	sdelay $0x1  }
0x24d: {  	v29 =	vmul.f32 v8, v8;
	v28 =	vadd.f32 v27, v13;
	v11 =	vadd.f32 v26, v11;
	_ =	sdelay $0x1  }
0x24e: {  	v12 =	vadd.f32 v29, v28;
	v30 =	vshrl.u32 v11, $0x1;
	v31 =	vmul.f32 $5.000000000e-01, v11  }
0x24f: {  	v13 =	vsub.s32 $0x5F3759DF, v30  }
0x250: {  	v16 =	vshrl.u32 v12, $0x1;
	v17 =	vmul.f32 $5.000000000e-01, v12;
	v32 =	vmul.f32 v13, v31  }
0x251: {  	v16 =	vsub.s32 $0x5F3759DF, v16  }
0x252: {  	v18 =	vmul.f32 v16, v17;
	v15 =	vmul.f32 v13, v32;
	_ =	sdelay $0x1  }
0x253: {  	v18 =	vmul.f32 v16, v18;
	v15 =	vsub.f32 $1.500000000e+00, v15;
	_ =	sdelay $0x1  }
0x254: {  	v33 =	vsub.f32 $1.500000000e+00, v18;
	v13 =	vmul.f32 v13, v15  }
0x255: {  	v34 =	vmul.f32 v9, v4;
	v19 =	vmul.f32 v10, v5  }
0x256: {  	v15 =	vmul.f32 v16, v33;
	v14 =	vmul.f32 v13, v31  }
0x257: {  	v36 =	vmul.f32 v7, v3  }
0x258: {  	v35 =	vadd.f32 v19, v34;
	v17 =	vmul.f32 v15, v17;
	v14 =	vmul.f32 v14, v13  }
0x259: {  	v37 =	vmul.f32 v8, v6  }
0x25a: {  	v16 =	vadd.f32 v36, v35;
	v17 =	vmul.f32 v17, v15;
	v14 =	vsub.f32 $1.500000000e+00, v14;
	_ =	sdelay $0x1  }
0x25b: {  	v16 =	vadd.f32 v37, v16;
	v38 =	vsub.f32 $1.500000000e+00, v17;
	v13 =	vmul.f32 v14, v13;
	_ =	sdelay $0x1  }
0x25c: {  	v14 =	vmul.f32 v38, v15;
	v39 =	vmul.f32 v13, v16;
	_ =	sdelay $0x1  }
0x25d: {  	v15 =	vmul.f32 v14, v39;
	_ =	sdelay $0x1  }
0x25e: {  	v40 =	vand.u32 $0x7FFFFFFF, v15  }
0x25f: {  	v17 =	vmax.f32 v40, $0.0e+00  }
0x260: {  	v17 =	vmin.f32 v17, $9.999998800e-01  }
0x261: {  	v41 =	vmul.f32 $-1.262491100e-03, v17;
	_ =	sdelay $0x1  }
0x262: {  	v18 =	vadd.f32 $6.670089900e-03, v41;
	_ =	sdelay $0x1  }
0x263: {  	v18 =	vmul.f32 v18, v17  }
0x264: {  	v42 =	vsub.f32 $1.000000000e+00, v17  }
0x265: {  	v18 =	vadd.f32 $-1.708812640e-02, v18  }
0x266: {  	v19 =	vmax.f32 v42, $9.999999930e-09  }
0x267: {  	v20 =	vshrl.u32 v19, $0x1;
	v21 =	vmul.f32 $5.000000000e-01, v19;
	v18 =	vmul.f32 v18, v17  }
0x268: {  	v20 =	vsub.s32 $0x5F3759DF, v20  }
0x269: {  	v22 =	vmul.f32 v20, v21;
	v18 =	vadd.f32 $3.089188040e-02, v18;
	_ =	sdelay $0x1  }
0x26a: {  	v22 =	vmul.f32 v20, v22;
	v18 =	vmul.f32 v18, v17;
	_ =	sdelay $0x1  }
0x26b: {  	v22 =	vsub.f32 $1.500000000e+00, v22;
	v18 =	vadd.f32 $-5.017430340e-02, v18  }
0x26c: {  	v43 =	vmul.f32 v17, v17  }
0x26d: {  	v20 =	vmul.f32 v20, v22;
	v18 =	vmul.f32 v18, v17;
	_ =	sdelay $0x1  }
0x26e: {  	v22 =	vsub.f32 $1.000000000e+00, v43;
	v21 =	vmul.f32 v20, v21;
	v18 =	vadd.f32 $8.897899090e-02, v18;
	_ =	sdelay $0x1  }
0x26f: {  	v22 =	vmax.f32 v22, $9.999999930e-09;
	v21 =	vmul.f32 v21, v20;
	v18 =	vmul.f32 v18, v17  }
0x270: {  	v23 =	vshrl.u32 v22, $0x1;
	v24 =	vmul.f32 $5.000000000e-01, v22  }
0x271: {  	v23 =	vsub.s32 $0x5F3759DF, v23;
	v21 =	vsub.f32 $1.500000000e+00, v21;
	v18 =	vadd.f32 $-2.145988050e-01, v18  }
0x272: {  	v25 =	vmul.f32 v23, v24  }
0x273: {  	v20 =	vmul.f32 v21, v20;
	v18 =	vmul.f32 v18, v17  }
0x274: {  	v44 =	vmul.f32 v23, v25  }
0x275: {  	v19 =	vmul.f32 v20, v19;
	v18 =	vadd.f32 $1.570796250e+00, v18  }
0x276: {  	v45 =	vsub.f32 $1.500000000e+00, v44  }
0x277: {  	v18 =	vmul.f32 v19, v18  }
0x278: {  	v46 =	vmul.f32 v23, v45  }
0x279: {  	v47 =	vmul.f32 v18, v2;
	v18 =	vmul.f32 v18, v1  }
0x27a: {  	v48 =	vmul.f32 v46, v24  }
0x27b: {  	v49 =	vmul.f32 v47, v47;
	v50 =	vmul.f32 v18, v18  }
0x27c: {  	v21 =	vmul.f32 v48, v46  }
0x27d: {  	v51 =	vmul.f32 $2.755731880e-06, v49;
	v26 =	vmul.f32 $2.755731880e-06, v50  }
0x27e: {  	v21 =	vsub.f32 $1.500000000e+00, v21  }
0x27f: {  	v25 =	vadd.f32 $-1.984127010e-04, v51;
	v26 =	vadd.f32 $-1.984127010e-04, v26  }
0x280: {  	v19 =	vmul.f32 v21, v46  }
0x281: {  	v52 =	vmul.f32 v25, v49;
	v53 =	vmul.f32 v26, v50  }
0x282: {  	v19 =	vmul.f32 v19, v22  }
0x283: {  	v21 =	vadd.f32 $8.333333770e-03, v52;
	v54 =	vadd.f32 $8.333333770e-03, v53  }
0x284: {  	(erf) = vrcp.f32 v19  }
0x285: {  	v55 =	vmul.f32 v21, v49;
	v56 =	vmul.f32 v54, v50;
	_ =	sdelay $0x1  }
0x286: {  	v19 =	vadd.f32 $-1.666666720e-01, v55;
	v21 =	vadd.f32 $-1.666666720e-01, v56;
	_ =	sdelay $0x1  }
0x287: {  	v19 =	vmul.f32 v19, v49;
	v21 =	vmul.f32 v21, v50;
	_ =	sdelay $0x1  }
0x288: {  	v19 =	vadd.f32 $1.000000000e+00, v19;
	v21 =	vadd.f32 $1.000000000e+00, v21;
	_ =	sdelay $0x1  }
0x289: {  	v19 =	vmul.f32 v19, v47;
	v18 =	vmul.f32 v21, v18  }
0x28a: {  	v57 =	vpop (erf)  }
0x28b: {  	v19 =	vmul.f32 v19, v57;
	v18 =	vmul.f32 v18, v57  }
0x28c: {  	vm0 =	vgt.f32 v17, $9.994999760e-01  }
0x28d: {  	v2 =	vsel vm0, v2, v19;
	v1 =	vsel vm0, v1, v18  }
0x28e: {  	v2 =	vmul.f32 v2, v13;
	v1 =	vmul.f32 v1, v14;
	_ =	sdelay $0x1  }
0x28f: {  	vm15 =	vlt.f32 v15, $0.0e+00;
	v58 =	vxor.u32 $0x80000000, v1;
	v59 =	vadd.f32 v2, v2  }
0x290: {  	v60 =	vmul.f32 v2, v2;
	v1 =	vsel vm15, v58, v1  }
0x291: {  	v14 =	vmul.f32 v1, v59  }
0x292: {  	v11 =	vmul.f32 v60, v11  }
0x293: {  	v62 =	vmul.f32 v1, v1;
	v61 =	vmul.f32 v14, v16;
	_ =	sdelay $0x1  }
0x294: {  	v12 =	vmul.f32 v62, v12;
	v11 =	vadd.f32 v61, v11;
	_ =	sdelay $0x1  }
0x295: {  	v11 =	vadd.f32 v11, v12;
	_ =	sdelay $0x1  }
0x296: {  	v12 =	vshrl.u32 v11, $0x1;
	v11 =	vmul.f32 $5.000000000e-01, v11  }
0x297: {  	v12 =	vsub.s32 $0x5F3759DF, v12  }
0x298: {  	v63 =	vmul.f32 v12, v11;
	_ =	sdelay $0x1  }
0x299: {  	v13 =	vmul.f32 v12, v63;
	_ =	sdelay $0x1  }
0x29a: {  	v13 =	vsub.f32 $1.500000000e+00, v13;
	_ =	sdelay $0x1  }
0x29b: {  	v12 =	vmul.f32 v12, v13;
	_ =	sdelay $0x1  }
0x29c: {  	v11 =	vmul.f32 v12, v11;
	_ =	sdelay $0x1  }
0x29d: {  	v11 =	vmul.f32 v11, v12;
	_ =	sdelay $0x1  }
0x29e: {  	v11 =	vsub.f32 $1.500000000e+00, v11;
	_ =	sdelay $0x1  }
0x29f: {  	v11 =	vmul.f32 v11, v12;
	_ =	sdelay $0x1  }
0x2a0: {  	v2 =	vmul.f32 v11, v2;
	v1 =	vmul.f32 v11, v1;
	_ =	sdelay $0x1  }
0x2a1: {  	v4 =	vmul.f32 v2, v4;
	v9 =	vmul.f32 v1, v9  }
0x2a2: {  	v5 =	vmul.f32 v2, v5;
	v10 =	vmul.f32 v1, v10  }
0x2a3: {  	p0 =	sne.s32 s16, $0xF0;
	v3 =	vmul.f32 v2, v3;
	v7 =	vmul.f32 v1, v7;
	v4 =	vadd.f32 v9, v4  }
.Ltmp4:
0x2a4: {  	v2 =	vmul.f32 v2, v6;
	v1 =	vmul.f32 v1, v8;
	v5 =	vadd.f32 v10, v5;
	(pc) =	sbr.rel @p0 .LBB2_10-.Ltmp4, $4  }
0x2a5: {  	v3 =	vadd.f32 v7, v3;
	[tilespmem:s12+$0x180] =	vst v4  }
0x2a6: {  	v1 =	vadd.f32 v1, v2;
	[tilespmem:s12+$0x200] =	vst v5  }
0x2a7: {  	s13 =	sadd.s32 $0x80, s13;
	[tilespmem:s12+$0x280] =	vst v3  }
0x2a8: {  	s14 =	sadd.s32 $0x10, s14;
	s16 =	sadd.s32 $0x10, s16;
	s15 =	sadd.s32 $0x10, s15;
	[tilespmem:s12+$0x300] =	vst v1  }
0x2a9: {  	s12 =	rddreg [dreg:$0xe]  }
0x2aa: {  	[hbm4b:s12+s6] =	stream.linear.scatter [tilespmem:s11], [sflag:$0x3], $0x800, $0x38;
	[tilespmem:$0x1D400] =	vst v63  }
0x2ab: {  	_ =	swait.ge [sflag:s9], $0x800  }
0x2ac: {  	s13 =	rddreg [dreg:$0x10]  }
0x2ad: {  	s30 =	rddreg [dreg:$0xf];
	s13 =	sadd.s32 $0x1, s13  }
0x2ae: {  	p0 =	sne.s32 s13, s30  }
.Ltmp5:
0x2af: {  	_ = 	snop;
	(pc) =	sbr.rel @p0 .LBB2_1-.Ltmp5, $3  }
0x2b0: {  	_ =	sdelay $0x1  }
0x2b1: {  	[sflag:s9] =	ssyncset.done $0x0  }
0x2b2: {  	[sflag:s9] =	ssyncadd.s32 $0xFFFFF800  }
0x2b3: {  	_ =	sfence.sel $0x180000  }
0x2b4: {  	[bflag:$0x0] =	sbarrier.arrive $0xFFFF  }
0x2b5: {  	_ =	strace $0x90000047  }
0x2b6: {  	s0 =	stileid.u32;
	[bflag:$0x2] =	sbarrier.arrive $0xFFFF  }
0x2b7: {  	p0 =	sne.s32 s0, $0x0;
	s0 =	rddreg [dreg:$0x4]  }
0x2b8: {  	s0 =	sadd.s32 @!p0 $0x100000, s0  }
0x2b9: {  	[sflag:s0] =	ssyncadd.tile.s32 @!p0 $0x1;
	_ =	shalt  }
.Lfunc_end2:
_tile_overlayer_lowered:
.L_overlay_start_2:
0x2ba: {  	(tag) =	ssettag $0x2  }
0x2bb: {  	s0 =	rddreg [dreg:$0x0];
	s2 =	stileid.u32  }
0x2bc: {  	s1 =	rddreg [dreg:$0x1];
	p0 =	sne.s32 s2, $0x0  }
0x2bd: {  	s3 =	rddreg [dreg:$0x2];
	[bflag:$0x3] =	sbarrier.arrive $0xFFFF;
	s2 =	simm.s32 @!p0 $0x1C04  }
0x2be: {  	[timem:s3], [sflag:s2] =	dma.local @!p0 [hbm:s0], s1  }
0x2bf: {  	s0 =	simm.s32 @!p0 $0x4  }
0x2c0: {  	_ =	swait.ge @!p0 [sflag:s0], s1  }
0x2c1: {  	s1 =	ssub.s32 @!p0 $0x0, s1;
	[sflag:s0] =	ssyncset.done @!p0 $0x0  }
0x2c2: {  	[sflag:s0] =	ssyncadd.s32 @!p0 s1  }
0x2c3: {  	[bflag:$0x3] =	sbarrier.arrive $0xFFFF  }
0x2c4: {  	_ =	shalt  }

</sc_bundles>
